<compile_context>
chip_gen: v7x
topology: tpu7x:2x2x1
jax: 0.10.2.dev20260603
libtpu: 0.0.44.dev20260713+nightly
codegen_flags: <defaults>
</compile_context>

<pallas_src>
import functools

import numpy as np
import jax
import jax.numpy as jnp
from jax import lax
from jax.experimental import pallas as pl
from jax.experimental.pallas import tpu as pltpu
from jax.experimental.pallas import tpu_sc as plsc

N_FFT = 1024
HOP = 256
T = 131072
STAGES = 10
F = 513
FSC = 512
WLEN = HOP * 15 + N_FFT


def _host_tables():
    idx = np.arange(N_FFT)
    rev = np.zeros(N_FFT, dtype=np.int64)
    for j in range(STAGES):
        rev = (rev << 1) | ((idx >> j) & 1)
    hann = 0.5 * (1.0 - np.cos(2.0 * np.pi * idx / N_FFT))
    gidx = (HOP * np.arange(16)[None, :] + rev[:, None]).astype(np.int32)
    wbrev = np.broadcast_to(hann[rev].astype(np.float32)[:, None], (N_FFT, 16))
    twr = np.zeros((N_FFT, 16), np.float32)
    twi = np.zeros((N_FFT, 16), np.float32)
    for s in range(STAGES):
        h = 1 << s
        ang = -2.0 * np.pi * np.arange(h) / (2 * h)
        twr[h - 1:2 * h - 1] = np.cos(ang).astype(np.float32)[:, None]
        twi[h - 1:2 * h - 1] = np.sin(ang).astype(np.float32)[:, None]
    return gidx, np.ascontiguousarray(wbrev), twr, twi


_GIDX_NP, _WBREV_NP, _TWR_NP, _TWI_NP = _host_tables()


def _host_dft():
    k = np.arange(520, dtype=np.float64)[:, None]
    n = np.arange(N_FFT, dtype=np.float64)[None, :]
    hann = 0.5 * (1.0 - np.cos(2.0 * np.pi * np.arange(N_FFT) / N_FFT))
    ang = 2.0 * np.pi * k * n / N_FFT
    cw = (np.cos(ang) * hann[None, :]).astype(np.float32)
    sw = (np.sin(ang) * hann[None, :]).astype(np.float32)
    return cw, sw


_CW_NP, _SW_NP = _host_dft()

_mesh = plsc.VectorSubcoreMesh(core_axis_name="c", subcore_axis_name="s")


@functools.partial(
    pl.kernel,
    mesh=_mesh,
    compiler_params=pltpu.CompilerParams(
        use_tc_tiling_on_sc=False,
        needs_layout_passes=False,
        disable_bounds_checks=True,
    ),
    out_type=jax.ShapeDtypeStruct((2, F, FSC), jnp.float32),
    scratch_types=[
        pltpu.VMEM((WLEN,), jnp.float32),
        pltpu.VMEM((WLEN,), jnp.float32),
        pltpu.VMEM((N_FFT, 16), jnp.float32),
        pltpu.VMEM((N_FFT, 16), jnp.float32),
        pltpu.VMEM((N_FFT, 16), jnp.int32),
        pltpu.VMEM((N_FFT, 16), jnp.float32),
        pltpu.VMEM((N_FFT, 16), jnp.float32),
        pltpu.VMEM((N_FFT, 16), jnp.float32),
        pltpu.SemaphoreType.DMA,
    ],
)
def _stft_sc(xp_hbm, gidx_hbm, wbrev_hbm, twr_hbm, twi_hbm, out_hbm,
             w0, w1, R, I, gidx, wbrev, twr, twi, sem):
    wid = lax.axis_index("s") * 2 + lax.axis_index("c")

    def process(f0):
        copies = [
            pltpu.async_copy(gidx_hbm, gidx, sem),
            pltpu.async_copy(wbrev_hbm, wbrev, sem),
            pltpu.async_copy(twr_hbm, twr, sem),
            pltpu.async_copy(twi_hbm, twi, sem),
            pltpu.async_copy(xp_hbm.at[0, pl.ds(f0 * HOP, WLEN)], w0, sem),
            pltpu.async_copy(xp_hbm.at[1, pl.ds(f0 * HOP, WLEN)], w1, sem),
        ]
        for cp in copies:
            cp.wait()

        s2c = 0.7071067811865476

        @plsc.parallel_loop(0, N_FFT // 8, unroll=2)
        def passa(it):
            n = 8 * it
            a = []
            b = []
            for k in range(8):
                iv = gidx[n + k, :]
                wv = wbrev[n + k, :]
                a.append(plsc.load_gather(w0, [iv]) * wv)
                b.append(plsc.load_gather(w1, [iv]) * wv)
            for k in range(0, 8, 2):
                a[k], a[k + 1] = a[k] + a[k + 1], a[k] - a[k + 1]
                b[k], b[k + 1] = b[k] + b[k + 1], b[k] - b[k + 1]
            for base in (0, 4):
                k = base
                a[k], a[k + 2] = a[k] + a[k + 2], a[k] - a[k + 2]
                b[k], b[k + 2] = b[k] + b[k + 2], b[k] - b[k + 2]
                k = base + 1
                ak, ak2, bk, bk2 = a[k], a[k + 2], b[k], b[k + 2]
                a[k] = ak + bk2
                a[k + 2] = ak - bk2
                b[k] = bk - ak2
                b[k + 2] = bk + ak2
            a[0], a[4] = a[0] + a[4], a[0] - a[4]
            b[0], b[4] = b[0] + b[4], b[0] - b[4]
            tr = (a[5] + b[5]) * s2c
            ti = (b[5] - a[5]) * s2c
            a[1], a[5] = a[1] + tr, a[1] - tr
            b[1], b[5] = b[1] + ti, b[1] - ti
            ak, ak4, bk, bk4 = a[2], a[6], b[2], b[6]
            a[2] = ak + bk4
            a[6] = ak - bk4
            b[2] = bk - ak4
            b[6] = bk + ak4
            tr = (b[7] - a[7]) * s2c
            ti = (a[7] + b[7]) * (-s2c)
            a[3], a[7] = a[3] + tr, a[3] - tr
            b[3], b[7] = b[3] + ti, b[3] - ti
            for k in range(8):
                R[n + k, :] = a[k]
                I[n + k, :] = b[k]

        s3 = 3
        h3 = 1 << s3

        @plsc.parallel_loop(0, N_FFT // 8, unroll=2)
        def passb(i):
            h = h3
            j = i & (h - 1)
            base = ((i >> s3) << (s3 + 3)) + j
            A = [R[base + m * h, :] for m in range(8)]
            B = [I[base + m * h, :] for m in range(8)]
            wsr = twr[h - 1 + j, :]
            wsi = twi[h - 1 + j, :]
            war = twr[2 * h - 1 + j, :]
            wai = twi[2 * h - 1 + j, :]
            wcr = twr[4 * h - 1 + j, :]
            wci = twi[4 * h - 1 + j, :]
            wdr = twr[5 * h - 1 + j, :]
            wdi = twi[5 * h - 1 + j, :]
            for k in (0, 2, 4, 6):
                tr = wsr * A[k + 1] - wsi * B[k + 1]
                ti = wsi * A[k + 1] + wsr * B[k + 1]
                A[k], A[k + 1] = A[k] + tr, A[k] - tr
                B[k], B[k + 1] = B[k] + ti, B[k] - ti
            for k in (0, 4):
                tr = war * A[k + 2] - wai * B[k + 2]
                ti = wai * A[k + 2] + war * B[k + 2]
                A[k], A[k + 2] = A[k] + tr, A[k] - tr
                B[k], B[k + 2] = B[k] + ti, B[k] - ti
            for k in (1, 5):
                tr = wai * A[k + 2] + war * B[k + 2]
                ti = wai * B[k + 2] - war * A[k + 2]
                A[k], A[k + 2] = A[k] + tr, A[k] - tr
                B[k], B[k + 2] = B[k] + ti, B[k] - ti
            tr = wcr * A[4] - wci * B[4]
            ti = wci * A[4] + wcr * B[4]
            A[0], A[4] = A[0] + tr, A[0] - tr
            B[0], B[4] = B[0] + ti, B[0] - ti
            tr = wdr * A[5] - wdi * B[5]
            ti = wdi * A[5] + wdr * B[5]
            A[1], A[5] = A[1] + tr, A[1] - tr
            B[1], B[5] = B[1] + ti, B[1] - ti
            tr = wci * A[6] + wcr * B[6]
            ti = wci * B[6] - wcr * A[6]
            A[2], A[6] = A[2] + tr, A[2] - tr
            B[2], B[6] = B[2] + ti, B[2] - ti
            tr = wdi * A[7] + wdr * B[7]
            ti = wdi * B[7] - wdr * A[7]
            A[3], A[7] = A[3] + tr, A[3] - tr
            B[3], B[7] = B[3] + ti, B[3] - ti
            for m in range(8):
                R[base + m * h3, :] = A[m]
                I[base + m * h3, :] = B[m]

        def quad(r0, h, wsr, wsi, war, wai):
            r1 = r0 + h
            r2 = r1 + h
            r3 = r2 + h
            R1 = R[r1, :]
            I1 = I[r1, :]
            tr1 = wsr * R1 - wsi * I1
            ti1 = wsi * R1 + wsr * I1
            R0 = R[r0, :]
            I0 = I[r0, :]
            a0 = R0 + tr1
            a1 = R0 - tr1
            b0 = I0 + ti1
            b1 = I0 - ti1
            R3 = R[r3, :]
            I3 = I[r3, :]
            tr3 = wsr * R3 - wsi * I3
            ti3 = wsi * R3 + wsr * I3
            R2 = R[r2, :]
            I2 = I[r2, :]
            a2 = R2 + tr3
            a3 = R2 - tr3
            b2 = I2 + ti3
            b3 = I2 - ti3
            tu = war * a2 - wai * b2
            tv = wai * a2 + war * b2
            R[r0, :] = a0 + tu
            R[r2, :] = a0 - tu
            I[r0, :] = b0 + tv
            I[r2, :] = b0 - tv
            tp = wai * a3 + war * b3
            tq = wai * b3 - war * a3
            R[r1, :] = a1 + tp
            R[r3, :] = a1 - tp
            I[r1, :] = b1 + tq
            I[r3, :] = b1 - tq

        for s in (6, 8):
            h = 1 << s

            @plsc.parallel_loop(0, N_FFT // 4, unroll=8)
            def bf(i, s=s, h=h):
                j = i & (h - 1)
                quad(((i >> s) << (s + 2)) + j, h,
                     twr[h - 1 + j, :], twi[h - 1 + j, :],
                     twr[2 * h - 1 + j, :], twi[2 * h - 1 + j, :])

        pltpu.sync_copy(R.at[pl.ds(0, F)], out_hbm.at[0, :, pl.ds(f0, 16)])
        pltpu.sync_copy(I.at[pl.ds(0, F)], out_hbm.at[1, :, pl.ds(f0, 16)])

    process(wid * 16)


def _tail_tc(cw_ref, sw_ref, fc_ref, o_ref):
    fc = fc_ref[...]
    o_ref[...] = jnp.dot(
        cw_ref[...], fc, preferred_element_type=jnp.float32
    ) + jnp.dot(
        sw_ref[...], jnp.roll(fc, -1, axis=1),
        preferred_element_type=jnp.float32,
    )


def kernel(x):
    xp = jnp.pad(x, ((0, 0), (N_FFT // 2, N_FFT // 2)), mode="reflect")
    sc_out = _stft_sc(
        xp,
        jnp.asarray(_GIDX_NP),
        jnp.asarray(_WBREV_NP),
        jnp.asarray(_TWR_NP),
        jnp.asarray(_TWI_NP),
    )
    lo = FSC * HOP - N_FFT // 2
    fr = jnp.concatenate(
        [x[0, lo:T], jnp.flip(x[0, lo - 1:T - 1])])
    fi = jnp.concatenate(
        [x[1, lo:T], jnp.flip(x[1, lo - 1:T - 1])])
    fc = (jnp.zeros((N_FFT, 128), jnp.float32)
          .at[:, 0].set(fr).at[:, 1].set(fi).at[:, 2].set(-fr))
    tc_out = pl.pallas_call(
        _tail_tc,
        out_shape=jax.ShapeDtypeStruct((520, 128), jnp.float32),
    )(jnp.asarray(_CW_NP), jnp.asarray(_SW_NP), fc)
    tail = jnp.transpose(tc_out[:F, 0:2])[:, :, None]
    return jnp.concatenate([sc_out, tail], axis=2)

# --- scband reference (transcript-rebuilt; emitter-appended) ---
"""Pipeline reference for scband-custom-stft-12171937317491 (READ-ONLY COPY).

The authoritative reference and input builder live on the scoring server;
editing this copy changes nothing except your own understanding.
"""

import jax, jax.numpy as jnp
import numpy as np
import math

N_FFT = 1024
HOP = 256
T = 131072
STAGES = int(math.log2(N_FFT))

def _bit_reverse(n):
    bits = n.bit_length() - 1
    idx = np.arange(n)
    rev = np.zeros(n, dtype=np.int64)
    for j in range(bits):
        rev = (rev << 1) | ((idx >> j) & 1)
    return rev

BREV = jnp.asarray(_bit_reverse(N_FFT))

def _hann(n):
    return 0.5 * (1.0 - jnp.cos(2.0 * jnp.pi * jnp.arange(n, dtype=jnp.float32) / n))

def _fft_batched(real, imag):
    # real, imag: [F, n]; radix-2 DIT butterflies, forward FFT (angle sign = -1)
    F = real.shape[0]
    n = real.shape[1]
    real = real[:, BREV]
    imag = imag[:, BREV]
    for stage in range(STAGES):
        group_size = 1 << (stage + 1)
        half = group_size >> 1
        num_groups = n // group_size
        j = jnp.arange(half, dtype=jnp.float32)
        angle = -2.0 * jnp.pi * j / group_size
        wr = jnp.cos(angle)
        wi = jnp.sin(angle)
        r = real.reshape(F, num_groups, 2, half)
        im = imag.reshape(F, num_groups, 2, half)
        rt, rb = r[:, :, 0, :], r[:, :, 1, :]
        it, ib = im[:, :, 0, :], im[:, :, 1, :]
        tr = wr * rb - wi * ib
        ti = wi * rb + wr * ib
        real = jnp.stack([rt + tr, rt - tr], axis=2).reshape(F, n)
        imag = jnp.stack([it + ti, it - ti], axis=2).reshape(F, n)
    return real, imag

def _stft(x, window):
    # center pad (reflect)
    x = jnp.pad(x, ((0, 0), (N_FFT // 2, N_FFT // 2)), mode='reflect')
    starts = jnp.arange(0, x.shape[-1] - N_FFT + 1, HOP)
    frames = x[:, starts[:, None] + jnp.arange(N_FFT)]  # [2, F, n_fft]
    frames = frames * window[None, None, :]
    real, imag = _fft_batched(frames[0], frames[1])
    out = jnp.stack([real, imag], axis=0)          # [2, F, n_fft]
    out = jnp.transpose(out, (0, 2, 1))            # [2, n_fft, F]
    return out[:, :N_FFT // 2 + 1, :]

def setup_inputs(seed: int = 0) -> dict:
    key = jax.random.key(seed)
    x = jax.random.normal(key, (2, T), dtype=jnp.float32)
    return {"x": x}

def reference(x):
    window = _hann(N_FFT)
    return _stft(x, window)

if __name__ == "__main__":
    import jax
    _d = setup_inputs()
    print(jax.jit(kernel)(*tuple(_d.values())))

</pallas_src>

<mosaic_0001>
#map = affine_map<(d0, d1) -> (0, 0)>
#map1 = affine_map<(d0, d1) -> (0, 0, 0)>
module attributes {stable_mosaic.version = 14 : i64} {
  func.func @_stft_sc(%arg0: i32, %arg1: i32, %arg2: memref<2x132096xf32, #tpu.memory_space<hbm>>, %arg3: memref<1024x16xi32, #tpu.memory_space<hbm>>, %arg4: memref<1024x16xf32, #tpu.memory_space<hbm>>, %arg5: memref<1024x16xf32, #tpu.memory_space<hbm>>, %arg6: memref<1024x16xf32, #tpu.memory_space<hbm>>, %arg7: memref<2x513x512xf32, #tpu.memory_space<hbm>>, %arg8: memref<4864xf32, #tpu.memory_space<vmem>>, %arg9: memref<4864xf32, #tpu.memory_space<vmem>>, %arg10: memref<1024x16xf32, #tpu.memory_space<vmem>>, %arg11: memref<1024x16xf32, #tpu.memory_space<vmem>>, %arg12: memref<1024x16xi32, #tpu.memory_space<vmem>>, %arg13: memref<1024x16xf32, #tpu.memory_space<vmem>>, %arg14: memref<1024x16xf32, #tpu.memory_space<vmem>>, %arg15: memref<1024x16xf32, #tpu.memory_space<vmem>>, %arg16: memref<!tpu.dma_semaphore, #tpu.memory_space<semaphore_mem>>) attributes {dimension_semantics = [#tpu.dimension_semantics<core_parallel>, #tpu.dimension_semantics<subcore_parallel>], iteration_bounds = array<i64: 2, 16>, scalar_prefetch = 0 : i64, scratch_operands = 9 : i64, tpu.core_type = #tpu.core_type<sc_vector_subcore>, window_params = [{transform_indices = #map}, {transform_indices = #map}, {transform_indices = #map}, {transform_indices = #map}, {transform_indices = #map}, {transform_indices = #map1}]} {
    %mul3A = arith.constant 2 : i32
    %mul3A_0 = arith.muli %arg1, %mul3A : i32
    %add3A = arith.addi %mul3A_0, %arg0 : i32
    %mul3A_1 = arith.constant 16 : i32
    %mul3A_2 = arith.muli %add3A, %mul3A_1 : i32
    tpu.enqueue_dma source(%arg3 : memref<1024x16xi32, #tpu.memory_space<hbm>>) target(%arg12 : memref<1024x16xi32, #tpu.memory_space<vmem>>) target_semaphore(%arg16 : memref<!tpu.dma_semaphore, #tpu.memory_space<semaphore_mem>>)
    tpu.enqueue_dma source(%arg4 : memref<1024x16xf32, #tpu.memory_space<hbm>>) target(%arg13 : memref<1024x16xf32, #tpu.memory_space<vmem>>) target_semaphore(%arg16 : memref<!tpu.dma_semaphore, #tpu.memory_space<semaphore_mem>>)
    tpu.enqueue_dma source(%arg5 : memref<1024x16xf32, #tpu.memory_space<hbm>>) target(%arg14 : memref<1024x16xf32, #tpu.memory_space<vmem>>) target_semaphore(%arg16 : memref<!tpu.dma_semaphore, #tpu.memory_space<semaphore_mem>>)
    tpu.enqueue_dma source(%arg6 : memref<1024x16xf32, #tpu.memory_space<hbm>>) target(%arg15 : memref<1024x16xf32, #tpu.memory_space<vmem>>) target_semaphore(%arg16 : memref<!tpu.dma_semaphore, #tpu.memory_space<semaphore_mem>>)
    %mul3A_3 = arith.constant 256 : i32
    %mul3A_4 = arith.muli %mul3A_2, %mul3A_3 : i32
    %dma_start3A = arith.constant 0 : i32
    %dma_start3A_5 = tpu.memref_slice %arg2[%dma_start3A, %mul3A_4] : memref<2x132096xf32, #tpu.memory_space<hbm>> -> memref<1x4864xf32, #tpu.memory_space<hbm>>
    %dma_start3A_6 = tpu.memref_squeeze %dma_start3A_5 : memref<1x4864xf32, #tpu.memory_space<hbm>> -> memref<4864xf32, #tpu.memory_space<hbm>>
    %dma_start3A_7 = tpu.memref_slice %arg2[%dma_start3A, %mul3A_4] : memref<2x132096xf32, #tpu.memory_space<hbm>> -> memref<1x4864xf32, #tpu.memory_space<hbm>>
    %dma_start3A_8 = tpu.memref_squeeze %dma_start3A_7 : memref<1x4864xf32, #tpu.memory_space<hbm>> -> memref<4864xf32, #tpu.memory_space<hbm>>
    tpu.enqueue_dma source(%dma_start3A_8 : memref<4864xf32, #tpu.memory_space<hbm>>) target(%arg8 : memref<4864xf32, #tpu.memory_space<vmem>>) target_semaphore(%arg16 : memref<!tpu.dma_semaphore, #tpu.memory_space<semaphore_mem>>)
    %mul3A_9 = arith.constant 256 : i32
    %mul3A_10 = arith.muli %mul3A_2, %mul3A_9 : i32
    %dma_start3A_11 = arith.constant 1 : i32
    %dma_start3A_12 = tpu.memref_slice %arg2[%dma_start3A_11, %mul3A_10] : memref<2x132096xf32, #tpu.memory_space<hbm>> -> memref<1x4864xf32, #tpu.memory_space<hbm>>
    %dma_start3A_13 = tpu.memref_squeeze %dma_start3A_12 : memref<1x4864xf32, #tpu.memory_space<hbm>> -> memref<4864xf32, #tpu.memory_space<hbm>>
    %dma_start3A_14 = tpu.memref_slice %arg2[%dma_start3A_11, %mul3A_10] : memref<2x132096xf32, #tpu.memory_space<hbm>> -> memref<1x4864xf32, #tpu.memory_space<hbm>>
    %dma_start3A_15 = tpu.memref_squeeze %dma_start3A_14 : memref<1x4864xf32, #tpu.memory_space<hbm>> -> memref<4864xf32, #tpu.memory_space<hbm>>
    tpu.enqueue_dma source(%dma_start3A_15 : memref<4864xf32, #tpu.memory_space<hbm>>) target(%arg9 : memref<4864xf32, #tpu.memory_space<vmem>>) target_semaphore(%arg16 : memref<!tpu.dma_semaphore, #tpu.memory_space<semaphore_mem>>)
    tpu.wait_dma2 semaphore(%arg16 : memref<!tpu.dma_semaphore, #tpu.memory_space<semaphore_mem>>) src(%arg3 : memref<1024x16xi32, #tpu.memory_space<hbm>>) dst(%arg12 : memref<1024x16xi32, #tpu.memory_space<vmem>>)
    tpu.wait_dma2 semaphore(%arg16 : memref<!tpu.dma_semaphore, #tpu.memory_space<semaphore_mem>>) src(%arg4 : memref<1024x16xf32, #tpu.memory_space<hbm>>) dst(%arg13 : memref<1024x16xf32, #tpu.memory_space<vmem>>)
    tpu.wait_dma2 semaphore(%arg16 : memref<!tpu.dma_semaphore, #tpu.memory_space<semaphore_mem>>) src(%arg5 : memref<1024x16xf32, #tpu.memory_space<hbm>>) dst(%arg14 : memref<1024x16xf32, #tpu.memory_space<vmem>>)
    tpu.wait_dma2 semaphore(%arg16 : memref<!tpu.dma_semaphore, #tpu.memory_space<semaphore_mem>>) src(%arg6 : memref<1024x16xf32, #tpu.memory_space<hbm>>) dst(%arg15 : memref<1024x16xf32, #tpu.memory_space<vmem>>)
    %dma_wait3A = arith.constant 0 : i32
    %dma_wait3A_16 = tpu.memref_slice %arg2[%dma_wait3A, %mul3A_4] : memref<2x132096xf32, #tpu.memory_space<hbm>> -> memref<1x4864xf32, #tpu.memory_space<hbm>>
    %dma_wait3A_17 = tpu.memref_squeeze %dma_wait3A_16 : memref<1x4864xf32, #tpu.memory_space<hbm>> -> memref<4864xf32, #tpu.memory_space<hbm>>
    %dma_wait3A_18 = tpu.memref_slice %arg2[%dma_wait3A, %mul3A_4] : memref<2x132096xf32, #tpu.memory_space<hbm>> -> memref<1x4864xf32, #tpu.memory_space<hbm>>
    %dma_wait3A_19 = tpu.memref_squeeze %dma_wait3A_18 : memref<1x4864xf32, #tpu.memory_space<hbm>> -> memref<4864xf32, #tpu.memory_space<hbm>>
    tpu.wait_dma2 semaphore(%arg16 : memref<!tpu.dma_semaphore, #tpu.memory_space<semaphore_mem>>) src(%dma_wait3A_19 : memref<4864xf32, #tpu.memory_space<hbm>>) dst(%arg8 : memref<4864xf32, #tpu.memory_space<vmem>>)
    %dma_wait3A_20 = arith.constant 1 : i32
    %dma_wait3A_21 = tpu.memref_slice %arg2[%dma_wait3A_20, %mul3A_10] : memref<2x132096xf32, #tpu.memory_space<hbm>> -> memref<1x4864xf32, #tpu.memory_space<hbm>>
    %dma_wait3A_22 = tpu.memref_squeeze %dma_wait3A_21 : memref<1x4864xf32, #tpu.memory_space<hbm>> -> memref<4864xf32, #tpu.memory_space<hbm>>
    %dma_wait3A_23 = tpu.memref_slice %arg2[%dma_wait3A_20, %mul3A_10] : memref<2x132096xf32, #tpu.memory_space<hbm>> -> memref<1x4864xf32, #tpu.memory_space<hbm>>
    %dma_wait3A_24 = tpu.memref_squeeze %dma_wait3A_23 : memref<1x4864xf32, #tpu.memory_space<hbm>> -> memref<4864xf32, #tpu.memory_space<hbm>>
    tpu.wait_dma2 semaphore(%arg16 : memref<!tpu.dma_semaphore, #tpu.memory_space<semaphore_mem>>) src(%dma_wait3A_24 : memref<4864xf32, #tpu.memory_space<hbm>>) dst(%arg9 : memref<4864xf32, #tpu.memory_space<vmem>>)
    %parallel_loop3A = arith.constant 0 : i32
    %parallel_loop3A_25 = arith.constant 128 : i32
    %parallel_loop3A_26 = arith.constant 1 : i32
    scf.for %parallel_loop3A_37 = %parallel_loop3A to %parallel_loop3A_25 step %parallel_loop3A_26  : i32 {
      %parallel_loop3A_38 = arith.constant 8 : i32
      %parallel_loop3A_39 = arith.muli %parallel_loop3A_38, %parallel_loop3A_37 : i32
      %parallel_loop3A_40 = arith.constant 0 : i32
      %parallel_loop3A_41 = arith.addi %parallel_loop3A_39, %parallel_loop3A_40 : i32
      %parallel_loop3A_42 = arith.index_cast %parallel_loop3A_41 : i32 to index
      %parallel_loop3A_43 = arith.constant 0 : index
      %parallel_loop3A_44 = tpu.vector_load %arg12[%parallel_loop3A_42, %parallel_loop3A_43] {strides = array<i32>} : memref<1024x16xi32, #tpu.memory_space<vmem>>, vector<16xi32>,
      %parallel_loop3A_45 = arith.constant 0 : i32
      %parallel_loop3A_46 = arith.addi %parallel_loop3A_39, %parallel_loop3A_45 : i32
      %parallel_loop3A_47 = arith.index_cast %parallel_loop3A_46 : i32 to index
      %parallel_loop3A_48 = arith.constant 0 : index
      %parallel_loop3A_49 = tpu.vector_load %arg13[%parallel_loop3A_47, %parallel_loop3A_48] {strides = array<i32>} : memref<1024x16xf32, #tpu.memory_space<vmem>>, vector<16xf32>,
      %parallel_loop3A_50 = tpu.vector_load_idx %arg8[%parallel_loop3A_44] : memref<4864xf32, #tpu.memory_space<vmem>>[vector<16xi32>], vector<16xf32>,
      %parallel_loop3A_51 = arith.mulf %parallel_loop3A_50, %parallel_loop3A_49 : vector<16xf32>
      %parallel_loop3A_52 = tpu.vector_load_idx %arg9[%parallel_loop3A_44] : memref<4864xf32, #tpu.memory_space<vmem>>[vector<16xi32>], vector<16xf32>,
      %parallel_loop3A_53 = arith.mulf %parallel_loop3A_52, %parallel_loop3A_49 : vector<16xf32>
      %parallel_loop3A_54 = arith.constant 1 : i32
      %parallel_loop3A_55 = arith.addi %parallel_loop3A_39, %parallel_loop3A_54 : i32
      %parallel_loop3A_56 = arith.index_cast %parallel_loop3A_55 : i32 to index
      %parallel_loop3A_57 = arith.constant 0 : index
      %parallel_loop3A_58 = tpu.vector_load %arg12[%parallel_loop3A_56, %parallel_loop3A_57] {strides = array<i32>} : memref<1024x16xi32, #tpu.memory_space<vmem>>, vector<16xi32>,
      %parallel_loop3A_59 = arith.constant 1 : i32
      %parallel_loop3A_60 = arith.addi %parallel_loop3A_39, %parallel_loop3A_59 : i32
      %parallel_loop3A_61 = arith.index_cast %parallel_loop3A_60 : i32 to index
      %parallel_loop3A_62 = arith.constant 0 : index
      %parallel_loop3A_63 = tpu.vector_load %arg13[%parallel_loop3A_61, %parallel_loop3A_62] {strides = array<i32>} : memref<1024x16xf32, #tpu.memory_space<vmem>>, vector<16xf32>,
      %parallel_loop3A_64 = tpu.vector_load_idx %arg8[%parallel_loop3A_58] : memref<4864xf32, #tpu.memory_space<vmem>>[vector<16xi32>], vector<16xf32>,
      %parallel_loop3A_65 = arith.mulf %parallel_loop3A_64, %parallel_loop3A_63 : vector<16xf32>
      %parallel_loop3A_66 = tpu.vector_load_idx %arg9[%parallel_loop3A_58] : memref<4864xf32, #tpu.memory_space<vmem>>[vector<16xi32>], vector<16xf32>,
      %parallel_loop3A_67 = arith.mulf %parallel_loop3A_66, %parallel_loop3A_63 : vector<16xf32>
      %parallel_loop3A_68 = arith.constant 2 : i32
      %parallel_loop3A_69 = arith.addi %parallel_loop3A_39, %parallel_loop3A_68 : i32
      %parallel_loop3A_70 = arith.index_cast %parallel_loop3A_69 : i32 to index
      %parallel_loop3A_71 = arith.constant 0 : index
      %parallel_loop3A_72 = tpu.vector_load %arg12[%parallel_loop3A_70, %parallel_loop3A_71] {strides = array<i32>} : memref<1024x16xi32, #tpu.memory_space<vmem>>, vector<16xi32>,
      %parallel_loop3A_73 = arith.constant 2 : i32
      %parallel_loop3A_74 = arith.addi %parallel_loop3A_39, %parallel_loop3A_73 : i32
      %parallel_loop3A_75 = arith.index_cast %parallel_loop3A_74 : i32 to index
      %parallel_loop3A_76 = arith.constant 0 : index
      %parallel_loop3A_77 = tpu.vector_load %arg13[%parallel_loop3A_75, %parallel_loop3A_76] {strides = array<i32>} : memref<1024x16xf32, #tpu.memory_space<vmem>>, vector<16xf32>,
      %parallel_loop3A_78 = tpu.vector_load_idx %arg8[%parallel_loop3A_72] : memref<4864xf32, #tpu.memory_space<vmem>>[vector<16xi32>], vector<16xf32>,
      %parallel_loop3A_79 = arith.mulf %parallel_loop3A_78, %parallel_loop3A_77 : vector<16xf32>
      %parallel_loop3A_80 = tpu.vector_load_idx %arg9[%parallel_loop3A_72] : memref<4864xf32, #tpu.memory_space<vmem>>[vector<16xi32>], vector<16xf32>,
      %parallel_loop3A_81 = arith.mulf %parallel_loop3A_80, %parallel_loop3A_77 : vector<16xf32>
      %parallel_loop3A_82 = arith.constant 3 : i32
      %parallel_loop3A_83 = arith.addi %parallel_loop3A_39, %parallel_loop3A_82 : i32
      %parallel_loop3A_84 = arith.index_cast %parallel_loop3A_83 : i32 to index
      %parallel_loop3A_85 = arith.constant 0 : index
      %parallel_loop3A_86 = tpu.vector_load %arg12[%parallel_loop3A_84, %parallel_loop3A_85] {strides = array<i32>} : memref<1024x16xi32, #tpu.memory_space<vmem>>, vector<16xi32>,
      %parallel_loop3A_87 = arith.constant 3 : i32
      %parallel_loop3A_88 = arith.addi %parallel_loop3A_39, %parallel_loop3A_87 : i32
      %parallel_loop3A_89 = arith.index_cast %parallel_loop3A_88 : i32 to index
      %parallel_loop3A_90 = arith.constant 0 : index
      %parallel_loop3A_91 = tpu.vector_load %arg13[%parallel_loop3A_89, %parallel_loop3A_90] {strides = array<i32>} : memref<1024x16xf32, #tpu.memory_space<vmem>>, vector<16xf32>,
      %parallel_loop3A_92 = tpu.vector_load_idx %arg8[%parallel_loop3A_86] : memref<4864xf32, #tpu.memory_space<vmem>>[vector<16xi32>], vector<16xf32>,
      %parallel_loop3A_93 = arith.mulf %parallel_loop3A_92, %parallel_loop3A_91 : vector<16xf32>
      %parallel_loop3A_94 = tpu.vector_load_idx %arg9[%parallel_loop3A_86] : memref<4864xf32, #tpu.memory_space<vmem>>[vector<16xi32>], vector<16xf32>,
      %parallel_loop3A_95 = arith.mulf %parallel_loop3A_94, %parallel_loop3A_91 : vector<16xf32>
      %parallel_loop3A_96 = arith.constant 4 : i32
      %parallel_loop3A_97 = arith.addi %parallel_loop3A_39, %parallel_loop3A_96 : i32
      %parallel_loop3A_98 = arith.index_cast %parallel_loop3A_97 : i32 to index
      %parallel_loop3A_99 = arith.constant 0 : index
      %parallel_loop3A_100 = tpu.vector_load %arg12[%parallel_loop3A_98, %parallel_loop3A_99] {strides = array<i32>} : memref<1024x16xi32, #tpu.memory_space<vmem>>, vector<16xi32>,
      %parallel_loop3A_101 = arith.constant 4 : i32
      %parallel_loop3A_102 = arith.addi %parallel_loop3A_39, %parallel_loop3A_101 : i32
      %parallel_loop3A_103 = arith.index_cast %parallel_loop3A_102 : i32 to index
      %parallel_loop3A_104 = arith.constant 0 : index
      %parallel_loop3A_105 = tpu.vector_load %arg13[%parallel_loop3A_103, %parallel_loop3A_104] {strides = array<i32>} : memref<1024x16xf32, #tpu.memory_space<vmem>>, vector<16xf32>,
      %parallel_loop3A_106 = tpu.vector_load_idx %arg8[%parallel_loop3A_100] : memref<4864xf32, #tpu.memory_space<vmem>>[vector<16xi32>], vector<16xf32>,
      %parallel_loop3A_107 = arith.mulf %parallel_loop3A_106, %parallel_loop3A_105 : vector<16xf32>
      %parallel_loop3A_108 = tpu.vector_load_idx %arg9[%parallel_loop3A_100] : memref<4864xf32, #tpu.memory_space<vmem>>[vector<16xi32>], vector<16xf32>,
      %parallel_loop3A_109 = arith.mulf %parallel_loop3A_108, %parallel_loop3A_105 : vector<16xf32>
      %parallel_loop3A_110 = arith.constant 5 : i32
      %parallel_loop3A_111 = arith.addi %parallel_loop3A_39, %parallel_loop3A_110 : i32
      %parallel_loop3A_112 = arith.index_cast %parallel_loop3A_111 : i32 to index
      %parallel_loop3A_113 = arith.constant 0 : index
      %parallel_loop3A_114 = tpu.vector_load %arg12[%parallel_loop3A_112, %parallel_loop3A_113] {strides = array<i32>} : memref<1024x16xi32, #tpu.memory_space<vmem>>, vector<16xi32>,
      %parallel_loop3A_115 = arith.constant 5 : i32
      %parallel_loop3A_116 = arith.addi %parallel_loop3A_39, %parallel_loop3A_115 : i32
      %parallel_loop3A_117 = arith.index_cast %parallel_loop3A_116 : i32 to index
      %parallel_loop3A_118 = arith.constant 0 : index
      %parallel_loop3A_119 = tpu.vector_load %arg13[%parallel_loop3A_117, %parallel_loop3A_118] {strides = array<i32>} : memref<1024x16xf32, #tpu.memory_space<vmem>>, vector<16xf32>,
      %parallel_loop3A_120 = tpu.vector_load_idx %arg8[%parallel_loop3A_114] : memref<4864xf32, #tpu.memory_space<vmem>>[vector<16xi32>], vector<16xf32>,
      %parallel_loop3A_121 = arith.mulf %parallel_loop3A_120, %parallel_loop3A_119 : vector<16xf32>
      %parallel_loop3A_122 = tpu.vector_load_idx %arg9[%parallel_loop3A_114] : memref<4864xf32, #tpu.memory_space<vmem>>[vector<16xi32>], vector<16xf32>,
      %parallel_loop3A_123 = arith.mulf %parallel_loop3A_122, %parallel_loop3A_119 : vector<16xf32>
      %parallel_loop3A_124 = arith.constant 6 : i32
      %parallel_loop3A_125 = arith.addi %parallel_loop3A_39, %parallel_loop3A_124 : i32
      %parallel_loop3A_126 = arith.index_cast %parallel_loop3A_125 : i32 to index
      %parallel_loop3A_127 = arith.constant 0 : index
      %parallel_loop3A_128 = tpu.vector_load %arg12[%parallel_loop3A_126, %parallel_loop3A_127] {strides = array<i32>} : memref<1024x16xi32, #tpu.memory_space<vmem>>, vector<16xi32>,
      %parallel_loop3A_129 = arith.constant 6 : i32
      %parallel_loop3A_130 = arith.addi %parallel_loop3A_39, %parallel_loop3A_129 : i32
      %parallel_loop3A_131 = arith.index_cast %parallel_loop3A_130 : i32 to index
      %parallel_loop3A_132 = arith.constant 0 : index
      %parallel_loop3A_133 = tpu.vector_load %arg13[%parallel_loop3A_131, %parallel_loop3A_132] {strides = array<i32>} : memref<1024x16xf32, #tpu.memory_space<vmem>>, vector<16xf32>,
      %parallel_loop3A_134 = tpu.vector_load_idx %arg8[%parallel_loop3A_128] : memref<4864xf32, #tpu.memory_space<vmem>>[vector<16xi32>], vector<16xf32>,
      %parallel_loop3A_135 = arith.mulf %parallel_loop3A_134, %parallel_loop3A_133 : vector<16xf32>
      %parallel_loop3A_136 = tpu.vector_load_idx %arg9[%parallel_loop3A_128] : memref<4864xf32, #tpu.memory_space<vmem>>[vector<16xi32>], vector<16xf32>,
      %parallel_loop3A_137 = arith.mulf %parallel_loop3A_136, %parallel_loop3A_133 : vector<16xf32>
      %parallel_loop3A_138 = arith.constant 7 : i32
      %parallel_loop3A_139 = arith.addi %parallel_loop3A_39, %parallel_loop3A_138 : i32
      %parallel_loop3A_140 = arith.index_cast %parallel_loop3A_139 : i32 to index
      %parallel_loop3A_141 = arith.constant 0 : index
      %parallel_loop3A_142 = tpu.vector_load %arg12[%parallel_loop3A_140, %parallel_loop3A_141] {strides = array<i32>} : memref<1024x16xi32, #tpu.memory_space<vmem>>, vector<16xi32>,
      %parallel_loop3A_143 = arith.constant 7 : i32
      %parallel_loop3A_144 = arith.addi %parallel_loop3A_39, %parallel_loop3A_143 : i32
      %parallel_loop3A_145 = arith.index_cast %parallel_loop3A_144 : i32 to index
      %parallel_loop3A_146 = arith.constant 0 : index
      %parallel_loop3A_147 = tpu.vector_load %arg13[%parallel_loop3A_145, %parallel_loop3A_146] {strides = array<i32>} : memref<1024x16xf32, #tpu.memory_space<vmem>>, vector<16xf32>,
      %parallel_loop3A_148 = tpu.vector_load_idx %arg8[%parallel_loop3A_142] : memref<4864xf32, #tpu.memory_space<vmem>>[vector<16xi32>], vector<16xf32>,
      %parallel_loop3A_149 = arith.mulf %parallel_loop3A_148, %parallel_loop3A_147 : vector<16xf32>
      %parallel_loop3A_150 = tpu.vector_load_idx %arg9[%parallel_loop3A_142] : memref<4864xf32, #tpu.memory_space<vmem>>[vector<16xi32>], vector<16xf32>,
      %parallel_loop3A_151 = arith.mulf %parallel_loop3A_150, %parallel_loop3A_147 : vector<16xf32>
      %parallel_loop3A_152 = arith.addf %parallel_loop3A_51, %parallel_loop3A_65 : vector<16xf32>
      %parallel_loop3A_153 = arith.subf %parallel_loop3A_51, %parallel_loop3A_65 : vector<16xf32>
      %parallel_loop3A_154 = arith.addf %parallel_loop3A_53, %parallel_loop3A_67 : vector<16xf32>
      %parallel_loop3A_155 = arith.subf %parallel_loop3A_53, %parallel_loop3A_67 : vector<16xf32>
      %parallel_loop3A_156 = arith.addf %parallel_loop3A_79, %parallel_loop3A_93 : vector<16xf32>
      %parallel_loop3A_157 = arith.subf %parallel_loop3A_79, %parallel_loop3A_93 : vector<16xf32>
      %parallel_loop3A_158 = arith.addf %parallel_loop3A_81, %parallel_loop3A_95 : vector<16xf32>
      %parallel_loop3A_159 = arith.subf %parallel_loop3A_81, %parallel_loop3A_95 : vector<16xf32>
      %parallel_loop3A_160 = arith.addf %parallel_loop3A_107, %parallel_loop3A_121 : vector<16xf32>
      %parallel_loop3A_161 = arith.subf %parallel_loop3A_107, %parallel_loop3A_121 : vector<16xf32>
      %parallel_loop3A_162 = arith.addf %parallel_loop3A_109, %parallel_loop3A_123 : vector<16xf32>
      %parallel_loop3A_163 = arith.subf %parallel_loop3A_109, %parallel_loop3A_123 : vector<16xf32>
      %parallel_loop3A_164 = arith.addf %parallel_loop3A_135, %parallel_loop3A_149 : vector<16xf32>
      %parallel_loop3A_165 = arith.subf %parallel_loop3A_135, %parallel_loop3A_149 : vector<16xf32>
      %parallel_loop3A_166 = arith.addf %parallel_loop3A_137, %parallel_loop3A_151 : vector<16xf32>
      %parallel_loop3A_167 = arith.subf %parallel_loop3A_137, %parallel_loop3A_151 : vector<16xf32>
      %parallel_loop3A_168 = arith.addf %parallel_loop3A_152, %parallel_loop3A_156 : vector<16xf32>
      %parallel_loop3A_169 = arith.subf %parallel_loop3A_152, %parallel_loop3A_156 : vector<16xf32>
      %parallel_loop3A_170 = arith.addf %parallel_loop3A_154, %parallel_loop3A_158 : vector<16xf32>
      %parallel_loop3A_171 = arith.subf %parallel_loop3A_154, %parallel_loop3A_158 : vector<16xf32>
      %parallel_loop3A_172 = arith.addf %parallel_loop3A_153, %parallel_loop3A_159 : vector<16xf32>
      %parallel_loop3A_173 = arith.subf %parallel_loop3A_153, %parallel_loop3A_159 : vector<16xf32>
      %parallel_loop3A_174 = arith.subf %parallel_loop3A_155, %parallel_loop3A_157 : vector<16xf32>
      %parallel_loop3A_175 = arith.addf %parallel_loop3A_155, %parallel_loop3A_157 : vector<16xf32>
      %parallel_loop3A_176 = arith.addf %parallel_loop3A_160, %parallel_loop3A_164 : vector<16xf32>
      %parallel_loop3A_177 = arith.subf %parallel_loop3A_160, %parallel_loop3A_164 : vector<16xf32>
      %parallel_loop3A_178 = arith.addf %parallel_loop3A_162, %parallel_loop3A_166 : vector<16xf32>
      %parallel_loop3A_179 = arith.subf %parallel_loop3A_162, %parallel_loop3A_166 : vector<16xf32>
      %parallel_loop3A_180 = arith.addf %parallel_loop3A_161, %parallel_loop3A_167 : vector<16xf32>
      %parallel_loop3A_181 = arith.subf %parallel_loop3A_161, %parallel_loop3A_167 : vector<16xf32>
      %parallel_loop3A_182 = arith.subf %parallel_loop3A_163, %parallel_loop3A_165 : vector<16xf32>
      %parallel_loop3A_183 = arith.addf %parallel_loop3A_163, %parallel_loop3A_165 : vector<16xf32>
      %parallel_loop3A_184 = arith.addf %parallel_loop3A_168, %parallel_loop3A_176 : vector<16xf32>
      %parallel_loop3A_185 = arith.subf %parallel_loop3A_168, %parallel_loop3A_176 : vector<16xf32>
      %parallel_loop3A_186 = arith.addf %parallel_loop3A_170, %parallel_loop3A_178 : vector<16xf32>
      %parallel_loop3A_187 = arith.subf %parallel_loop3A_170, %parallel_loop3A_178 : vector<16xf32>
      %parallel_loop3A_188 = arith.addf %parallel_loop3A_180, %parallel_loop3A_182 : vector<16xf32>
      %parallel_loop3A_189 = arith.constant 0.707106769 : f32
      %parallel_loop3A_190 = vector.broadcast %parallel_loop3A_189 : f32 to vector<16xf32>
      %parallel_loop3A_191 = arith.mulf %parallel_loop3A_188, %parallel_loop3A_190 : vector<16xf32>
      %parallel_loop3A_192 = arith.subf %parallel_loop3A_182, %parallel_loop3A_180 : vector<16xf32>
      %parallel_loop3A_193 = arith.constant 0.707106769 : f32
      %parallel_loop3A_194 = vector.broadcast %parallel_loop3A_193 : f32 to vector<16xf32>
      %parallel_loop3A_195 = arith.mulf %parallel_loop3A_192, %parallel_loop3A_194 : vector<16xf32>
      %parallel_loop3A_196 = arith.addf %parallel_loop3A_172, %parallel_loop3A_191 : vector<16xf32>
      %parallel_loop3A_197 = arith.subf %parallel_loop3A_172, %parallel_loop3A_191 : vector<16xf32>
      %parallel_loop3A_198 = arith.addf %parallel_loop3A_174, %parallel_loop3A_195 : vector<16xf32>
      %parallel_loop3A_199 = arith.subf %parallel_loop3A_174, %parallel_loop3A_195 : vector<16xf32>
      %parallel_loop3A_200 = arith.addf %parallel_loop3A_169, %parallel_loop3A_179 : vector<16xf32>
      %parallel_loop3A_201 = arith.subf %parallel_loop3A_169, %parallel_loop3A_179 : vector<16xf32>
      %parallel_loop3A_202 = arith.subf %parallel_loop3A_171, %parallel_loop3A_177 : vector<16xf32>
      %parallel_loop3A_203 = arith.addf %parallel_loop3A_171, %parallel_loop3A_177 : vector<16xf32>
      %parallel_loop3A_204 = arith.subf %parallel_loop3A_183, %parallel_loop3A_181 : vector<16xf32>
      %parallel_loop3A_205 = arith.constant 0.707106769 : f32
      %parallel_loop3A_206 = vector.broadcast %parallel_loop3A_205 : f32 to vector<16xf32>
      %parallel_loop3A_207 = arith.mulf %parallel_loop3A_204, %parallel_loop3A_206 : vector<16xf32>
      %parallel_loop3A_208 = arith.addf %parallel_loop3A_181, %parallel_loop3A_183 : vector<16xf32>
      %parallel_loop3A_209 = arith.constant -0.707106769 : f32
      %parallel_loop3A_210 = vector.broadcast %parallel_loop3A_209 : f32 to vector<16xf32>
      %parallel_loop3A_211 = arith.mulf %parallel_loop3A_208, %parallel_loop3A_210 : vector<16xf32>
      %parallel_loop3A_212 = arith.addf %parallel_loop3A_173, %parallel_loop3A_207 : vector<16xf32>
      %parallel_loop3A_213 = arith.subf %parallel_loop3A_173, %parallel_loop3A_207 : vector<16xf32>
      %parallel_loop3A_214 = arith.addf %parallel_loop3A_175, %parallel_loop3A_211 : vector<16xf32>
      %parallel_loop3A_215 = arith.subf %parallel_loop3A_175, %parallel_loop3A_211 : vector<16xf32>
      %parallel_loop3A_216 = arith.constant 0 : i32
      %parallel_loop3A_217 = arith.addi %parallel_loop3A_39, %parallel_loop3A_216 : i32
      %parallel_loop3A_218 = arith.index_cast %parallel_loop3A_217 : i32 to index
      %parallel_loop3A_219 = arith.constant 0 : index
      %parallel_loop3A_220 = tpu.vector_load %arg10[%parallel_loop3A_218, %parallel_loop3A_219] {strides = array<i32>} : memref<1024x16xf32, #tpu.memory_space<vmem>>, vector<16xf32>,
      tpu.vector_store %arg10[%parallel_loop3A_218, %parallel_loop3A_219], %parallel_loop3A_184 {strides = array<i32>} : memref<1024x16xf32, #tpu.memory_space<vmem>>, vector<16xf32>,
      %parallel_loop3A_221 = arith.constant 0 : i32
      %parallel_loop3A_222 = arith.addi %parallel_loop3A_39, %parallel_loop3A_221 : i32
      %parallel_loop3A_223 = arith.index_cast %parallel_loop3A_222 : i32 to index
      %parallel_loop3A_224 = arith.constant 0 : index
      %parallel_loop3A_225 = tpu.vector_load %arg11[%parallel_loop3A_223, %parallel_loop3A_224] {strides = array<i32>} : memref<1024x16xf32, #tpu.memory_space<vmem>>, vector<16xf32>,
      tpu.vector_store %arg11[%parallel_loop3A_223, %parallel_loop3A_224], %parallel_loop3A_186 {strides = array<i32>} : memref<1024x16xf32, #tpu.memory_space<vmem>>, vector<16xf32>,
      %parallel_loop3A_226 = arith.constant 1 : i32
      %parallel_loop3A_227 = arith.addi %parallel_loop3A_39, %parallel_loop3A_226 : i32
      %parallel_loop3A_228 = arith.index_cast %parallel_loop3A_227 : i32 to index
      %parallel_loop3A_229 = arith.constant 0 : index
      %parallel_loop3A_230 = tpu.vector_load %arg10[%parallel_loop3A_228, %parallel_loop3A_229] {strides = array<i32>} : memref<1024x16xf32, #tpu.memory_space<vmem>>, vector<16xf32>,
      tpu.vector_store %arg10[%parallel_loop3A_228, %parallel_loop3A_229], %parallel_loop3A_196 {strides = array<i32>} : memref<1024x16xf32, #tpu.memory_space<vmem>>, vector<16xf32>,
      %parallel_loop3A_231 = arith.constant 1 : i32
      %parallel_loop3A_232 = arith.addi %parallel_loop3A_39, %parallel_loop3A_231 : i32
      %parallel_loop3A_233 = arith.index_cast %parallel_loop3A_232 : i32 to index
      %parallel_loop3A_234 = arith.constant 0 : index
      %parallel_loop3A_235 = tpu.vector_load %arg11[%parallel_loop3A_233, %parallel_loop3A_234] {strides = array<i32>} : memref<1024x16xf32, #tpu.memory_space<vmem>>, vector<16xf32>,
      tpu.vector_store %arg11[%parallel_loop3A_233, %parallel_loop3A_234], %parallel_loop3A_198 {strides = array<i32>} : memref<1024x16xf32, #tpu.memory_space<vmem>>, vector<16xf32>,
      %parallel_loop3A_236 = arith.constant 2 : i32
      %parallel_loop3A_237 = arith.addi %parallel_loop3A_39, %parallel_loop3A_236 : i32
      %parallel_loop3A_238 = arith.index_cast %parallel_loop3A_237 : i32 to index
      %parallel_loop3A_239 = arith.constant 0 : index
      %parallel_loop3A_240 = tpu.vector_load %arg10[%parallel_loop3A_238, %parallel_loop3A_239] {strides = array<i32>} : memref<1024x16xf32, #tpu.memory_space<vmem>>, vector<16xf32>,
      tpu.vector_store %arg10[%parallel_loop3A_238, %parallel_loop3A_239], %parallel_loop3A_200 {strides = array<i32>} : memref<1024x16xf32, #tpu.memory_space<vmem>>, vector<16xf32>,
      %parallel_loop3A_241 = arith.constant 2 : i32
      %parallel_loop3A_242 = arith.addi %parallel_loop3A_39, %parallel_loop3A_241 : i32
      %parallel_loop3A_243 = arith.index_cast %parallel_loop3A_242 : i32 to index
      %parallel_loop3A_244 = arith.constant 0 : index
      %parallel_loop3A_245 = tpu.vector_load %arg11[%parallel_loop3A_243, %parallel_loop3A_244] {strides = array<i32>} : memref<1024x16xf32, #tpu.memory_space<vmem>>, vector<16xf32>,
      tpu.vector_store %arg11[%parallel_loop3A_243, %parallel_loop3A_244], %parallel_loop3A_202 {strides = array<i32>} : memref<1024x16xf32, #tpu.memory_space<vmem>>, vector<16xf32>,
      %parallel_loop3A_246 = arith.constant 3 : i32
      %parallel_loop3A_247 = arith.addi %parallel_loop3A_39, %parallel_loop3A_246 : i32
      %parallel_loop3A_248 = arith.index_cast %parallel_loop3A_247 : i32 to index
      %parallel_loop3A_249 = arith.constant 0 : index
      %parallel_loop3A_250 = tpu.vector_load %arg10[%parallel_loop3A_248, %parallel_loop3A_249] {strides = array<i32>} : memref<1024x16xf32, #tpu.memory_space<vmem>>, vector<16xf32>,
      tpu.vector_store %arg10[%parallel_loop3A_248, %parallel_loop3A_249], %parallel_loop3A_212 {strides = array<i32>} : memref<1024x16xf32, #tpu.memory_space<vmem>>, vector<16xf32>,
      %parallel_loop3A_251 = arith.constant 3 : i32
      %parallel_loop3A_252 = arith.addi %parallel_loop3A_39, %parallel_loop3A_251 : i32
      %parallel_loop3A_253 = arith.index_cast %parallel_loop3A_252 : i32 to index
      %parallel_loop3A_254 = arith.constant 0 : index
      %parallel_loop3A_255 = tpu.vector_load %arg11[%parallel_loop3A_253, %parallel_loop3A_254] {strides = array<i32>} : memref<1024x16xf32, #tpu.memory_space<vmem>>, vector<16xf32>,
      tpu.vector_store %arg11[%parallel_loop3A_253, %parallel_loop3A_254], %parallel_loop3A_214 {strides = array<i32>} : memref<1024x16xf32, #tpu.memory_space<vmem>>, vector<16xf32>,
      %parallel_loop3A_256 = arith.constant 4 : i32
      %parallel_loop3A_257 = arith.addi %parallel_loop3A_39, %parallel_loop3A_256 : i32
      %parallel_loop3A_258 = arith.index_cast %parallel_loop3A_257 : i32 to index
      %parallel_loop3A_259 = arith.constant 0 : index
      %parallel_loop3A_260 = tpu.vector_load %arg10[%parallel_loop3A_258, %parallel_loop3A_259] {strides = array<i32>} : memref<1024x16xf32, #tpu.memory_space<vmem>>, vector<16xf32>,
      tpu.vector_store %arg10[%parallel_loop3A_258, %parallel_loop3A_259], %parallel_loop3A_185 {strides = array<i32>} : memref<1024x16xf32, #tpu.memory_space<vmem>>, vector<16xf32>,
      %parallel_loop3A_261 = arith.constant 4 : i32
      %parallel_loop3A_262 = arith.addi %parallel_loop3A_39, %parallel_loop3A_261 : i32
      %parallel_loop3A_263 = arith.index_cast %parallel_loop3A_262 : i32 to index
      %parallel_loop3A_264 = arith.constant 0 : index
      %parallel_loop3A_265 = tpu.vector_load %arg11[%parallel_loop3A_263, %parallel_loop3A_264] {strides = array<i32>} : memref<1024x16xf32, #tpu.memory_space<vmem>>, vector<16xf32>,
      tpu.vector_store %arg11[%parallel_loop3A_263, %parallel_loop3A_264], %parallel_loop3A_187 {strides = array<i32>} : memref<1024x16xf32, #tpu.memory_space<vmem>>, vector<16xf32>,
      %parallel_loop3A_266 = arith.constant 5 : i32
      %parallel_loop3A_267 = arith.addi %parallel_loop3A_39, %parallel_loop3A_266 : i32
      %parallel_loop3A_268 = arith.index_cast %parallel_loop3A_267 : i32 to index
      %parallel_loop3A_269 = arith.constant 0 : index
      %parallel_loop3A_270 = tpu.vector_load %arg10[%parallel_loop3A_268, %parallel_loop3A_269] {strides = array<i32>} : memref<1024x16xf32, #tpu.memory_space<vmem>>, vector<16xf32>,
      tpu.vector_store %arg10[%parallel_loop3A_268, %parallel_loop3A_269], %parallel_loop3A_197 {strides = array<i32>} : memref<1024x16xf32, #tpu.memory_space<vmem>>, vector<16xf32>,
      %parallel_loop3A_271 = arith.constant 5 : i32
      %parallel_loop3A_272 = arith.addi %parallel_loop3A_39, %parallel_loop3A_271 : i32
      %parallel_loop3A_273 = arith.index_cast %parallel_loop3A_272 : i32 to index
      %parallel_loop3A_274 = arith.constant 0 : index
      %parallel_loop3A_275 = tpu.vector_load %arg11[%parallel_loop3A_273, %parallel_loop3A_274] {strides = array<i32>} : memref<1024x16xf32, #tpu.memory_space<vmem>>, vector<16xf32>,
      tpu.vector_store %arg11[%parallel_loop3A_273, %parallel_loop3A_274], %parallel_loop3A_199 {strides = array<i32>} : memref<1024x16xf32, #tpu.memory_space<vmem>>, vector<16xf32>,
      %parallel_loop3A_276 = arith.constant 6 : i32
      %parallel_loop3A_277 = arith.addi %parallel_loop3A_39, %parallel_loop3A_276 : i32
      %parallel_loop3A_278 = arith.index_cast %parallel_loop3A_277 : i32 to index
      %parallel_loop3A_279 = arith.constant 0 : index
      %parallel_loop3A_280 = tpu.vector_load %arg10[%parallel_loop3A_278, %parallel_loop3A_279] {strides = array<i32>} : memref<1024x16xf32, #tpu.memory_space<vmem>>, vector<16xf32>,
      tpu.vector_store %arg10[%parallel_loop3A_278, %parallel_loop3A_279], %parallel_loop3A_201 {strides = array<i32>} : memref<1024x16xf32, #tpu.memory_space<vmem>>, vector<16xf32>,
      %parallel_loop3A_281 = arith.constant 6 : i32
      %parallel_loop3A_282 = arith.addi %parallel_loop3A_39, %parallel_loop3A_281 : i32
      %parallel_loop3A_283 = arith.index_cast %parallel_loop3A_282 : i32 to index
      %parallel_loop3A_284 = arith.constant 0 : index
      %parallel_loop3A_285 = tpu.vector_load %arg11[%parallel_loop3A_283, %parallel_loop3A_284] {strides = array<i32>} : memref<1024x16xf32, #tpu.memory_space<vmem>>, vector<16xf32>,
      tpu.vector_store %arg11[%parallel_loop3A_283, %parallel_loop3A_284], %parallel_loop3A_203 {strides = array<i32>} : memref<1024x16xf32, #tpu.memory_space<vmem>>, vector<16xf32>,
      %parallel_loop3A_286 = arith.constant 7 : i32
      %parallel_loop3A_287 = arith.addi %parallel_loop3A_39, %parallel_loop3A_286 : i32
      %parallel_loop3A_288 = arith.index_cast %parallel_loop3A_287 : i32 to index
      %parallel_loop3A_289 = arith.constant 0 : index
      %parallel_loop3A_290 = tpu.vector_load %arg10[%parallel_loop3A_288, %parallel_loop3A_289] {strides = array<i32>} : memref<1024x16xf32, #tpu.memory_space<vmem>>, vector<16xf32>,
      tpu.vector_store %arg10[%parallel_loop3A_288, %parallel_loop3A_289], %parallel_loop3A_213 {strides = array<i32>} : memref<1024x16xf32, #tpu.memory_space<vmem>>, vector<16xf32>,
      %parallel_loop3A_291 = arith.constant 7 : i32
      %parallel_loop3A_292 = arith.addi %parallel_loop3A_39, %parallel_loop3A_291 : i32
      %parallel_loop3A_293 = arith.index_cast %parallel_loop3A_292 : i32 to index
      %parallel_loop3A_294 = arith.constant 0 : index
      %parallel_loop3A_295 = tpu.vector_load %arg11[%parallel_loop3A_293, %parallel_loop3A_294] {strides = array<i32>} : memref<1024x16xf32, #tpu.memory_space<vmem>>, vector<16xf32>,
      tpu.vector_store %arg11[%parallel_loop3A_293, %parallel_loop3A_294], %parallel_loop3A_215 {strides = array<i32>} : memref<1024x16xf32, #tpu.memory_space<vmem>>, vector<16xf32>,
    } {sc.loop_unroll_factor = 2 : i64, sc.parallel_access}
    %parallel_loop3A_27 = arith.constant 0 : i32
    %parallel_loop3A_28 = arith.constant 128 : i32
    %parallel_loop3A_29 = arith.constant 1 : i32
    scf.for %parallel_loop3A_37 = %parallel_loop3A_27 to %parallel_loop3A_28 step %parallel_loop3A_29  : i32 {
      %parallel_loop3A_38 = arith.constant 7 : i32
      %parallel_loop3A_39 = arith.andi %parallel_loop3A_37, %parallel_loop3A_38 : i32
      %parallel_loop3A_40 = arith.constant 3 : i32
      %parallel_loop3A_41 = arith.shrsi %parallel_loop3A_37, %parallel_loop3A_40 : i32
      %parallel_loop3A_42 = arith.constant 6 : i32
      %parallel_loop3A_43 = arith.shli %parallel_loop3A_41, %parallel_loop3A_42 : i32
      %parallel_loop3A_44 = arith.addi %parallel_loop3A_43, %parallel_loop3A_39 : i32
      %parallel_loop3A_45 = arith.constant 0 : i32
      %parallel_loop3A_46 = arith.addi %parallel_loop3A_44, %parallel_loop3A_45 : i32
      %parallel_loop3A_47 = arith.index_cast %parallel_loop3A_46 : i32 to index
      %parallel_loop3A_48 = arith.constant 0 : index
      %parallel_loop3A_49 = tpu.vector_load %arg10[%parallel_loop3A_47, %parallel_loop3A_48] {strides = array<i32>} : memref<1024x16xf32, #tpu.memory_space<vmem>>, vector<16xf32>,
      %parallel_loop3A_50 = arith.constant 8 : i32
      %parallel_loop3A_51 = arith.addi %parallel_loop3A_44, %parallel_loop3A_50 : i32
      %parallel_loop3A_52 = arith.index_cast %parallel_loop3A_51 : i32 to index
      %parallel_loop3A_53 = arith.constant 0 : index
      %parallel_loop3A_54 = tpu.vector_load %arg10[%parallel_loop3A_52, %parallel_loop3A_53] {strides = array<i32>} : memref<1024x16xf32, #tpu.memory_space<vmem>>, vector<16xf32>,
      %parallel_loop3A_55 = arith.constant 16 : i32
      %parallel_loop3A_56 = arith.addi %parallel_loop3A_44, %parallel_loop3A_55 : i32
      %parallel_loop3A_57 = arith.index_cast %parallel_loop3A_56 : i32 to index
      %parallel_loop3A_58 = arith.constant 0 : index
      %parallel_loop3A_59 = tpu.vector_load %arg10[%parallel_loop3A_57, %parallel_loop3A_58] {strides = array<i32>} : memref<1024x16xf32, #tpu.memory_space<vmem>>, vector<16xf32>,
      %parallel_loop3A_60 = arith.constant 24 : i32
      %parallel_loop3A_61 = arith.addi %parallel_loop3A_44, %parallel_loop3A_60 : i32
      %parallel_loop3A_62 = arith.index_cast %parallel_loop3A_61 : i32 to index
      %parallel_loop3A_63 = arith.constant 0 : index
      %parallel_loop3A_64 = tpu.vector_load %arg10[%parallel_loop3A_62, %parallel_loop3A_63] {strides = array<i32>} : memref<1024x16xf32, #tpu.memory_space<vmem>>, vector<16xf32>,
      %parallel_loop3A_65 = arith.constant 32 : i32
      %parallel_loop3A_66 = arith.addi %parallel_loop3A_44, %parallel_loop3A_65 : i32
      %parallel_loop3A_67 = arith.index_cast %parallel_loop3A_66 : i32 to index
      %parallel_loop3A_68 = arith.constant 0 : index
      %parallel_loop3A_69 = tpu.vector_load %arg10[%parallel_loop3A_67, %parallel_loop3A_68] {strides = array<i32>} : memref<1024x16xf32, #tpu.memory_space<vmem>>, vector<16xf32>,
      %parallel_loop3A_70 = arith.constant 40 : i32
      %parallel_loop3A_71 = arith.addi %parallel_loop3A_44, %parallel_loop3A_70 : i32
      %parallel_loop3A_72 = arith.index_cast %parallel_loop3A_71 : i32 to index
      %parallel_loop3A_73 = arith.constant 0 : index
      %parallel_loop3A_74 = tpu.vector_load %arg10[%parallel_loop3A_72, %parallel_loop3A_73] {strides = array<i32>} : memref<1024x16xf32, #tpu.memory_space<vmem>>, vector<16xf32>,
      %parallel_loop3A_75 = arith.constant 48 : i32
      %parallel_loop3A_76 = arith.addi %parallel_loop3A_44, %parallel_loop3A_75 : i32
      %parallel_loop3A_77 = arith.index_cast %parallel_loop3A_76 : i32 to index
      %parallel_loop3A_78 = arith.constant 0 : index
      %parallel_loop3A_79 = tpu.vector_load %arg10[%parallel_loop3A_77, %parallel_loop3A_78] {strides = array<i32>} : memref<1024x16xf32, #tpu.memory_space<vmem>>, vector<16xf32>,
      %parallel_loop3A_80 = arith.constant 56 : i32
      %parallel_loop3A_81 = arith.addi %parallel_loop3A_44, %parallel_loop3A_80 : i32
      %parallel_loop3A_82 = arith.index_cast %parallel_loop3A_81 : i32 to index
      %parallel_loop3A_83 = arith.constant 0 : index
      %parallel_loop3A_84 = tpu.vector_load %arg10[%parallel_loop3A_82, %parallel_loop3A_83] {strides = array<i32>} : memref<1024x16xf32, #tpu.memory_space<vmem>>, vector<16xf32>,
      %parallel_loop3A_85 = arith.constant 0 : i32
      %parallel_loop3A_86 = arith.addi %parallel_loop3A_44, %parallel_loop3A_85 : i32
      %parallel_loop3A_87 = arith.index_cast %parallel_loop3A_86 : i32 to index
      %parallel_loop3A_88 = arith.constant 0 : index
      %parallel_loop3A_89 = tpu.vector_load %arg11[%parallel_loop3A_87, %parallel_loop3A_88] {strides = array<i32>} : memref<1024x16xf32, #tpu.memory_space<vmem>>, vector<16xf32>,
      %parallel_loop3A_90 = arith.constant 8 : i32
      %parallel_loop3A_91 = arith.addi %parallel_loop3A_44, %parallel_loop3A_90 : i32
      %parallel_loop3A_92 = arith.index_cast %parallel_loop3A_91 : i32 to index
      %parallel_loop3A_93 = arith.constant 0 : index
      %parallel_loop3A_94 = tpu.vector_load %arg11[%parallel_loop3A_92, %parallel_loop3A_93] {strides = array<i32>} : memref<1024x16xf32, #tpu.memory_space<vmem>>, vector<16xf32>,
      %parallel_loop3A_95 = arith.constant 16 : i32
      %parallel_loop3A_96 = arith.addi %parallel_loop3A_44, %parallel_loop3A_95 : i32
      %parallel_loop3A_97 = arith.index_cast %parallel_loop3A_96 : i32 to index
      %parallel_loop3A_98 = arith.constant 0 : index
      %parallel_loop3A_99 = tpu.vector_load %arg11[%parallel_loop3A_97, %parallel_loop3A_98] {strides = array<i32>} : memref<1024x16xf32, #tpu.memory_space<vmem>>, vector<16xf32>,
      %parallel_loop3A_100 = arith.constant 24 : i32
      %parallel_loop3A_101 = arith.addi %parallel_loop3A_44, %parallel_loop3A_100 : i32
      %parallel_loop3A_102 = arith.index_cast %parallel_loop3A_101 : i32 to index
      %parallel_loop3A_103 = arith.constant 0 : index
      %parallel_loop3A_104 = tpu.vector_load %arg11[%parallel_loop3A_102, %parallel_loop3A_103] {strides = array<i32>} : memref<1024x16xf32, #tpu.memory_space<vmem>>, vector<16xf32>,
      %parallel_loop3A_105 = arith.constant 32 : i32
      %parallel_loop3A_106 = arith.addi %parallel_loop3A_44, %parallel_loop3A_105 : i32
      %parallel_loop3A_107 = arith.index_cast %parallel_loop3A_106 : i32 to index
      %parallel_loop3A_108 = arith.constant 0 : index
      %parallel_loop3A_109 = tpu.vector_load %arg11[%parallel_loop3A_107, %parallel_loop3A_108] {strides = array<i32>} : memref<1024x16xf32, #tpu.memory_space<vmem>>, vector<16xf32>,
      %parallel_loop3A_110 = arith.constant 40 : i32
      %parallel_loop3A_111 = arith.addi %parallel_loop3A_44, %parallel_loop3A_110 : i32
      %parallel_loop3A_112 = arith.index_cast %parallel_loop3A_111 : i32 to index
      %parallel_loop3A_113 = arith.constant 0 : index
      %parallel_loop3A_114 = tpu.vector_load %arg11[%parallel_loop3A_112, %parallel_loop3A_113] {strides = array<i32>} : memref<1024x16xf32, #tpu.memory_space<vmem>>, vector<16xf32>,
      %parallel_loop3A_115 = arith.constant 48 : i32
      %parallel_loop3A_116 = arith.addi %parallel_loop3A_44, %parallel_loop3A_115 : i32
      %parallel_loop3A_117 = arith.index_cast %parallel_loop3A_116 : i32 to index
      %parallel_loop3A_118 = arith.constant 0 : index
      %parallel_loop3A_119 = tpu.vector_load %arg11[%parallel_loop3A_117, %parallel_loop3A_118] {strides = array<i32>} : memref<1024x16xf32, #tpu.memory_space<vmem>>, vector<16xf32>,
      %parallel_loop3A_120 = arith.constant 56 : i32
      %parallel_loop3A_121 = arith.addi %parallel_loop3A_44, %parallel_loop3A_120 : i32
      %parallel_loop3A_122 = arith.index_cast %parallel_loop3A_121 : i32 to index
      %parallel_loop3A_123 = arith.constant 0 : index
      %parallel_loop3A_124 = tpu.vector_load %arg11[%parallel_loop3A_122, %parallel_loop3A_123] {strides = array<i32>} : memref<1024x16xf32, #tpu.memory_space<vmem>>, vector<16xf32>,
      %parallel_loop3A_125 = arith.constant 7 : i32
      %parallel_loop3A_126 = arith.addi %parallel_loop3A_125, %parallel_loop3A_39 : i32
      %parallel_loop3A_127 = arith.index_cast %parallel_loop3A_126 : i32 to index
      %parallel_loop3A_128 = arith.constant 0 : index
      %parallel_loop3A_129 = tpu.vector_load %arg14[%parallel_loop3A_127, %parallel_loop3A_128] {strides = array<i32>} : memref<1024x16xf32, #tpu.memory_space<vmem>>, vector<16xf32>,
      %parallel_loop3A_130 = arith.constant 7 : i32
      %parallel_loop3A_131 = arith.addi %parallel_loop3A_130, %parallel_loop3A_39 : i32
      %parallel_loop3A_132 = arith.index_cast %parallel_loop3A_131 : i32 to index
      %parallel_loop3A_133 = arith.constant 0 : index
      %parallel_loop3A_134 = tpu.vector_load %arg15[%parallel_loop3A_132, %parallel_loop3A_133] {strides = array<i32>} : memref<1024x16xf32, #tpu.memory_space<vmem>>, vector<16xf32>,
      %parallel_loop3A_135 = arith.constant 15 : i32
      %parallel_loop3A_136 = arith.addi %parallel_loop3A_135, %parallel_loop3A_39 : i32
      %parallel_loop3A_137 = arith.index_cast %parallel_loop3A_136 : i32 to index
      %parallel_loop3A_138 = arith.constant 0 : index
      %parallel_loop3A_139 = tpu.vector_load %arg14[%parallel_loop3A_137, %parallel_loop3A_138] {strides = array<i32>} : memref<1024x16xf32, #tpu.memory_space<vmem>>, vector<16xf32>,
      %parallel_loop3A_140 = arith.constant 15 : i32
      %parallel_loop3A_141 = arith.addi %parallel_loop3A_140, %parallel_loop3A_39 : i32
      %parallel_loop3A_142 = arith.index_cast %parallel_loop3A_141 : i32 to index
      %parallel_loop3A_143 = arith.constant 0 : index
      %parallel_loop3A_144 = tpu.vector_load %arg15[%parallel_loop3A_142, %parallel_loop3A_143] {strides = array<i32>} : memref<1024x16xf32, #tpu.memory_space<vmem>>, vector<16xf32>,
      %parallel_loop3A_145 = arith.constant 31 : i32
      %parallel_loop3A_146 = arith.addi %parallel_loop3A_145, %parallel_loop3A_39 : i32
      %parallel_loop3A_147 = arith.index_cast %parallel_loop3A_146 : i32 to index
      %parallel_loop3A_148 = arith.constant 0 : index
      %parallel_loop3A_149 = tpu.vector_load %arg14[%parallel_loop3A_147, %parallel_loop3A_148] {strides = array<i32>} : memref<1024x16xf32, #tpu.memory_space<vmem>>, vector<16xf32>,
      %parallel_loop3A_150 = arith.constant 31 : i32
      %parallel_loop3A_151 = arith.addi %parallel_loop3A_150, %parallel_loop3A_39 : i32
      %parallel_loop3A_152 = arith.index_cast %parallel_loop3A_151 : i32 to index
      %parallel_loop3A_153 = arith.constant 0 : index
      %parallel_loop3A_154 = tpu.vector_load %arg15[%parallel_loop3A_152, %parallel_loop3A_153] {strides = array<i32>} : memref<1024x16xf32, #tpu.memory_space<vmem>>, vector<16xf32>,
      %parallel_loop3A_155 = arith.constant 39 : i32
      %parallel_loop3A_156 = arith.addi %parallel_loop3A_155, %parallel_loop3A_39 : i32
      %parallel_loop3A_157 = arith.index_cast %parallel_loop3A_156 : i32 to index
      %parallel_loop3A_158 = arith.constant 0 : index
      %parallel_loop3A_159 = tpu.vector_load %arg14[%parallel_loop3A_157, %parallel_loop3A_158] {strides = array<i32>} : memref<1024x16xf32, #tpu.memory_space<vmem>>, vector<16xf32>,
      %parallel_loop3A_160 = arith.constant 39 : i32
      %parallel_loop3A_161 = arith.addi %parallel_loop3A_160, %parallel_loop3A_39 : i32
      %parallel_loop3A_162 = arith.index_cast %parallel_loop3A_161 : i32 to index
      %parallel_loop3A_163 = arith.constant 0 : index
      %parallel_loop3A_164 = tpu.vector_load %arg15[%parallel_loop3A_162, %parallel_loop3A_163] {strides = array<i32>} : memref<1024x16xf32, #tpu.memory_space<vmem>>, vector<16xf32>,
      %parallel_loop3A_165 = arith.mulf %parallel_loop3A_129, %parallel_loop3A_54 : vector<16xf32>
      %parallel_loop3A_166 = arith.mulf %parallel_loop3A_134, %parallel_loop3A_94 : vector<16xf32>
      %parallel_loop3A_167 = arith.subf %parallel_loop3A_165, %parallel_loop3A_166 : vector<16xf32>
      %parallel_loop3A_168 = arith.mulf %parallel_loop3A_134, %parallel_loop3A_54 : vector<16xf32>
      %parallel_loop3A_169 = arith.mulf %parallel_loop3A_129, %parallel_loop3A_94 : vector<16xf32>
      %parallel_loop3A_170 = arith.addf %parallel_loop3A_168, %parallel_loop3A_169 : vector<16xf32>
      %parallel_loop3A_171 = arith.addf %parallel_loop3A_49, %parallel_loop3A_167 : vector<16xf32>
      %parallel_loop3A_172 = arith.subf %parallel_loop3A_49, %parallel_loop3A_167 : vector<16xf32>
      %parallel_loop3A_173 = arith.addf %parallel_loop3A_89, %parallel_loop3A_170 : vector<16xf32>
      %parallel_loop3A_174 = arith.subf %parallel_loop3A_89, %parallel_loop3A_170 : vector<16xf32>
      %parallel_loop3A_175 = arith.mulf %parallel_loop3A_129, %parallel_loop3A_64 : vector<16xf32>
      %parallel_loop3A_176 = arith.mulf %parallel_loop3A_134, %parallel_loop3A_104 : vector<16xf32>
      %parallel_loop3A_177 = arith.subf %parallel_loop3A_175, %parallel_loop3A_176 : vector<16xf32>
      %parallel_loop3A_178 = arith.mulf %parallel_loop3A_134, %parallel_loop3A_64 : vector<16xf32>
      %parallel_loop3A_179 = arith.mulf %parallel_loop3A_129, %parallel_loop3A_104 : vector<16xf32>
      %parallel_loop3A_180 = arith.addf %parallel_loop3A_178, %parallel_loop3A_179 : vector<16xf32>
      %parallel_loop3A_181 = arith.addf %parallel_loop3A_59, %parallel_loop3A_177 : vector<16xf32>
      %parallel_loop3A_182 = arith.subf %parallel_loop3A_59, %parallel_loop3A_177 : vector<16xf32>
      %parallel_loop3A_183 = arith.addf %parallel_loop3A_99, %parallel_loop3A_180 : vector<16xf32>
      %parallel_loop3A_184 = arith.subf %parallel_loop3A_99, %parallel_loop3A_180 : vector<16xf32>
      %parallel_loop3A_185 = arith.mulf %parallel_loop3A_129, %parallel_loop3A_74 : vector<16xf32>
      %parallel_loop3A_186 = arith.mulf %parallel_loop3A_134, %parallel_loop3A_114 : vector<16xf32>
      %parallel_loop3A_187 = arith.subf %parallel_loop3A_185, %parallel_loop3A_186 : vector<16xf32>
      %parallel_loop3A_188 = arith.mulf %parallel_loop3A_134, %parallel_loop3A_74 : vector<16xf32>
      %parallel_loop3A_189 = arith.mulf %parallel_loop3A_129, %parallel_loop3A_114 : vector<16xf32>
      %parallel_loop3A_190 = arith.addf %parallel_loop3A_188, %parallel_loop3A_189 : vector<16xf32>
      %parallel_loop3A_191 = arith.addf %parallel_loop3A_69, %parallel_loop3A_187 : vector<16xf32>
      %parallel_loop3A_192 = arith.subf %parallel_loop3A_69, %parallel_loop3A_187 : vector<16xf32>
      %parallel_loop3A_193 = arith.addf %parallel_loop3A_109, %parallel_loop3A_190 : vector<16xf32>
      %parallel_loop3A_194 = arith.subf %parallel_loop3A_109, %parallel_loop3A_190 : vector<16xf32>
      %parallel_loop3A_195 = arith.mulf %parallel_loop3A_129, %parallel_loop3A_84 : vector<16xf32>
      %parallel_loop3A_196 = arith.mulf %parallel_loop3A_134, %parallel_loop3A_124 : vector<16xf32>
      %parallel_loop3A_197 = arith.subf %parallel_loop3A_195, %parallel_loop3A_196 : vector<16xf32>
      %parallel_loop3A_198 = arith.mulf %parallel_loop3A_134, %parallel_loop3A_84 : vector<16xf32>
      %parallel_loop3A_199 = arith.mulf %parallel_loop3A_129, %parallel_loop3A_124 : vector<16xf32>
      %parallel_loop3A_200 = arith.addf %parallel_loop3A_198, %parallel_loop3A_199 : vector<16xf32>
      %parallel_loop3A_201 = arith.addf %parallel_loop3A_79, %parallel_loop3A_197 : vector<16xf32>
      %parallel_loop3A_202 = arith.subf %parallel_loop3A_79, %parallel_loop3A_197 : vector<16xf32>
      %parallel_loop3A_203 = arith.addf %parallel_loop3A_119, %parallel_loop3A_200 : vector<16xf32>
      %parallel_loop3A_204 = arith.subf %parallel_loop3A_119, %parallel_loop3A_200 : vector<16xf32>
      %parallel_loop3A_205 = arith.mulf %parallel_loop3A_139, %parallel_loop3A_181 : vector<16xf32>
      %parallel_loop3A_206 = arith.mulf %parallel_loop3A_144, %parallel_loop3A_183 : vector<16xf32>
      %parallel_loop3A_207 = arith.subf %parallel_loop3A_205, %parallel_loop3A_206 : vector<16xf32>
      %parallel_loop3A_208 = arith.mulf %parallel_loop3A_144, %parallel_loop3A_181 : vector<16xf32>
      %parallel_loop3A_209 = arith.mulf %parallel_loop3A_139, %parallel_loop3A_183 : vector<16xf32>
      %parallel_loop3A_210 = arith.addf %parallel_loop3A_208, %parallel_loop3A_209 : vector<16xf32>
      %parallel_loop3A_211 = arith.addf %parallel_loop3A_171, %parallel_loop3A_207 : vector<16xf32>
      %parallel_loop3A_212 = arith.subf %parallel_loop3A_171, %parallel_loop3A_207 : vector<16xf32>
      %parallel_loop3A_213 = arith.addf %parallel_loop3A_173, %parallel_loop3A_210 : vector<16xf32>
      %parallel_loop3A_214 = arith.subf %parallel_loop3A_173, %parallel_loop3A_210 : vector<16xf32>
      %parallel_loop3A_215 = arith.mulf %parallel_loop3A_139, %parallel_loop3A_201 : vector<16xf32>
      %parallel_loop3A_216 = arith.mulf %parallel_loop3A_144, %parallel_loop3A_203 : vector<16xf32>
      %parallel_loop3A_217 = arith.subf %parallel_loop3A_215, %parallel_loop3A_216 : vector<16xf32>
      %parallel_loop3A_218 = arith.mulf %parallel_loop3A_144, %parallel_loop3A_201 : vector<16xf32>
      %parallel_loop3A_219 = arith.mulf %parallel_loop3A_139, %parallel_loop3A_203 : vector<16xf32>
      %parallel_loop3A_220 = arith.addf %parallel_loop3A_218, %parallel_loop3A_219 : vector<16xf32>
      %parallel_loop3A_221 = arith.addf %parallel_loop3A_191, %parallel_loop3A_217 : vector<16xf32>
      %parallel_loop3A_222 = arith.subf %parallel_loop3A_191, %parallel_loop3A_217 : vector<16xf32>
      %parallel_loop3A_223 = arith.addf %parallel_loop3A_193, %parallel_loop3A_220 : vector<16xf32>
      %parallel_loop3A_224 = arith.subf %parallel_loop3A_193, %parallel_loop3A_220 : vector<16xf32>
      %parallel_loop3A_225 = arith.mulf %parallel_loop3A_144, %parallel_loop3A_182 : vector<16xf32>
      %parallel_loop3A_226 = arith.mulf %parallel_loop3A_139, %parallel_loop3A_184 : vector<16xf32>
      %parallel_loop3A_227 = arith.addf %parallel_loop3A_225, %parallel_loop3A_226 : vector<16xf32>
      %parallel_loop3A_228 = arith.mulf %parallel_loop3A_144, %parallel_loop3A_184 : vector<16xf32>
      %parallel_loop3A_229 = arith.mulf %parallel_loop3A_139, %parallel_loop3A_182 : vector<16xf32>
      %parallel_loop3A_230 = arith.subf %parallel_loop3A_228, %parallel_loop3A_229 : vector<16xf32>
      %parallel_loop3A_231 = arith.addf %parallel_loop3A_172, %parallel_loop3A_227 : vector<16xf32>
      %parallel_loop3A_232 = arith.subf %parallel_loop3A_172, %parallel_loop3A_227 : vector<16xf32>
      %parallel_loop3A_233 = arith.addf %parallel_loop3A_174, %parallel_loop3A_230 : vector<16xf32>
      %parallel_loop3A_234 = arith.subf %parallel_loop3A_174, %parallel_loop3A_230 : vector<16xf32>
      %parallel_loop3A_235 = arith.mulf %parallel_loop3A_144, %parallel_loop3A_202 : vector<16xf32>
      %parallel_loop3A_236 = arith.mulf %parallel_loop3A_139, %parallel_loop3A_204 : vector<16xf32>
      %parallel_loop3A_237 = arith.addf %parallel_loop3A_235, %parallel_loop3A_236 : vector<16xf32>
      %parallel_loop3A_238 = arith.mulf %parallel_loop3A_144, %parallel_loop3A_204 : vector<16xf32>
      %parallel_loop3A_239 = arith.mulf %parallel_loop3A_139, %parallel_loop3A_202 : vector<16xf32>
      %parallel_loop3A_240 = arith.subf %parallel_loop3A_238, %parallel_loop3A_239 : vector<16xf32>
      %parallel_loop3A_241 = arith.addf %parallel_loop3A_192, %parallel_loop3A_237 : vector<16xf32>
      %parallel_loop3A_242 = arith.subf %parallel_loop3A_192, %parallel_loop3A_237 : vector<16xf32>
      %parallel_loop3A_243 = arith.addf %parallel_loop3A_194, %parallel_loop3A_240 : vector<16xf32>
      %parallel_loop3A_244 = arith.subf %parallel_loop3A_194, %parallel_loop3A_240 : vector<16xf32>
      %parallel_loop3A_245 = arith.mulf %parallel_loop3A_149, %parallel_loop3A_221 : vector<16xf32>
      %parallel_loop3A_246 = arith.mulf %parallel_loop3A_154, %parallel_loop3A_223 : vector<16xf32>
      %parallel_loop3A_247 = arith.subf %parallel_loop3A_245, %parallel_loop3A_246 : vector<16xf32>
      %parallel_loop3A_248 = arith.mulf %parallel_loop3A_154, %parallel_loop3A_221 : vector<16xf32>
      %parallel_loop3A_249 = arith.mulf %parallel_loop3A_149, %parallel_loop3A_223 : vector<16xf32>
      %parallel_loop3A_250 = arith.addf %parallel_loop3A_248, %parallel_loop3A_249 : vector<16xf32>
      %parallel_loop3A_251 = arith.addf %parallel_loop3A_211, %parallel_loop3A_247 : vector<16xf32>
      %parallel_loop3A_252 = arith.subf %parallel_loop3A_211, %parallel_loop3A_247 : vector<16xf32>
      %parallel_loop3A_253 = arith.addf %parallel_loop3A_213, %parallel_loop3A_250 : vector<16xf32>
      %parallel_loop3A_254 = arith.subf %parallel_loop3A_213, %parallel_loop3A_250 : vector<16xf32>
      %parallel_loop3A_255 = arith.mulf %parallel_loop3A_159, %parallel_loop3A_241 : vector<16xf32>
      %parallel_loop3A_256 = arith.mulf %parallel_loop3A_164, %parallel_loop3A_243 : vector<16xf32>
      %parallel_loop3A_257 = arith.subf %parallel_loop3A_255, %parallel_loop3A_256 : vector<16xf32>
      %parallel_loop3A_258 = arith.mulf %parallel_loop3A_164, %parallel_loop3A_241 : vector<16xf32>
      %parallel_loop3A_259 = arith.mulf %parallel_loop3A_159, %parallel_loop3A_243 : vector<16xf32>
      %parallel_loop3A_260 = arith.addf %parallel_loop3A_258, %parallel_loop3A_259 : vector<16xf32>
      %parallel_loop3A_261 = arith.addf %parallel_loop3A_231, %parallel_loop3A_257 : vector<16xf32>
      %parallel_loop3A_262 = arith.subf %parallel_loop3A_231, %parallel_loop3A_257 : vector<16xf32>
      %parallel_loop3A_263 = arith.addf %parallel_loop3A_233, %parallel_loop3A_260 : vector<16xf32>
      %parallel_loop3A_264 = arith.subf %parallel_loop3A_233, %parallel_loop3A_260 : vector<16xf32>
      %parallel_loop3A_265 = arith.mulf %parallel_loop3A_154, %parallel_loop3A_222 : vector<16xf32>
      %parallel_loop3A_266 = arith.mulf %parallel_loop3A_149, %parallel_loop3A_224 : vector<16xf32>
      %parallel_loop3A_267 = arith.addf %parallel_loop3A_265, %parallel_loop3A_266 : vector<16xf32>
      %parallel_loop3A_268 = arith.mulf %parallel_loop3A_154, %parallel_loop3A_224 : vector<16xf32>
      %parallel_loop3A_269 = arith.mulf %parallel_loop3A_149, %parallel_loop3A_222 : vector<16xf32>
      %parallel_loop3A_270 = arith.subf %parallel_loop3A_268, %parallel_loop3A_269 : vector<16xf32>
      %parallel_loop3A_271 = arith.addf %parallel_loop3A_212, %parallel_loop3A_267 : vector<16xf32>
      %parallel_loop3A_272 = arith.subf %parallel_loop3A_212, %parallel_loop3A_267 : vector<16xf32>
      %parallel_loop3A_273 = arith.addf %parallel_loop3A_214, %parallel_loop3A_270 : vector<16xf32>
      %parallel_loop3A_274 = arith.subf %parallel_loop3A_214, %parallel_loop3A_270 : vector<16xf32>
      %parallel_loop3A_275 = arith.mulf %parallel_loop3A_164, %parallel_loop3A_242 : vector<16xf32>
      %parallel_loop3A_276 = arith.mulf %parallel_loop3A_159, %parallel_loop3A_244 : vector<16xf32>
      %parallel_loop3A_277 = arith.addf %parallel_loop3A_275, %parallel_loop3A_276 : vector<16xf32>
      %parallel_loop3A_278 = arith.mulf %parallel_loop3A_164, %parallel_loop3A_244 : vector<16xf32>
      %parallel_loop3A_279 = arith.mulf %parallel_loop3A_159, %parallel_loop3A_242 : vector<16xf32>
      %parallel_loop3A_280 = arith.subf %parallel_loop3A_278, %parallel_loop3A_279 : vector<16xf32>
      %parallel_loop3A_281 = arith.addf %parallel_loop3A_232, %parallel_loop3A_277 : vector<16xf32>
      %parallel_loop3A_282 = arith.subf %parallel_loop3A_232, %parallel_loop3A_277 : vector<16xf32>
      %parallel_loop3A_283 = arith.addf %parallel_loop3A_234, %parallel_loop3A_280 : vector<16xf32>
      %parallel_loop3A_284 = arith.subf %parallel_loop3A_234, %parallel_loop3A_280 : vector<16xf32>
      %parallel_loop3A_285 = arith.constant 0 : i32
      %parallel_loop3A_286 = arith.addi %parallel_loop3A_44, %parallel_loop3A_285 : i32
      %parallel_loop3A_287 = arith.index_cast %parallel_loop3A_286 : i32 to index
      %parallel_loop3A_288 = arith.constant 0 : index
      %parallel_loop3A_289 = tpu.vector_load %arg10[%parallel_loop3A_287, %parallel_loop3A_288] {strides = array<i32>} : memref<1024x16xf32, #tpu.memory_space<vmem>>, vector<16xf32>,
      tpu.vector_store %arg10[%parallel_loop3A_287, %parallel_loop3A_288], %parallel_loop3A_251 {strides = array<i32>} : memref<1024x16xf32, #tpu.memory_space<vmem>>, vector<16xf32>,
      %parallel_loop3A_290 = arith.constant 0 : i32
      %parallel_loop3A_291 = arith.addi %parallel_loop3A_44, %parallel_loop3A_290 : i32
      %parallel_loop3A_292 = arith.index_cast %parallel_loop3A_291 : i32 to index
      %parallel_loop3A_293 = arith.constant 0 : index
      %parallel_loop3A_294 = tpu.vector_load %arg11[%parallel_loop3A_292, %parallel_loop3A_293] {strides = array<i32>} : memref<1024x16xf32, #tpu.memory_space<vmem>>, vector<16xf32>,
      tpu.vector_store %arg11[%parallel_loop3A_292, %parallel_loop3A_293], %parallel_loop3A_253 {strides = array<i32>} : memref<1024x16xf32, #tpu.memory_space<vmem>>, vector<16xf32>,
      %parallel_loop3A_295 = arith.constant 8 : i32
      %parallel_loop3A_296 = arith.addi %parallel_loop3A_44, %parallel_loop3A_295 : i32
      %parallel_loop3A_297 = arith.index_cast %parallel_loop3A_296 : i32 to index
      %parallel_loop3A_298 = arith.constant 0 : index
      %parallel_loop3A_299 = tpu.vector_load %arg10[%parallel_loop3A_297, %parallel_loop3A_298] {strides = array<i32>} : memref<1024x16xf32, #tpu.memory_space<vmem>>, vector<16xf32>,
      tpu.vector_store %arg10[%parallel_loop3A_297, %parallel_loop3A_298], %parallel_loop3A_261 {strides = array<i32>} : memref<1024x16xf32, #tpu.memory_space<vmem>>, vector<16xf32>,
      %parallel_loop3A_300 = arith.constant 8 : i32
      %parallel_loop3A_301 = arith.addi %parallel_loop3A_44, %parallel_loop3A_300 : i32
      %parallel_loop3A_302 = arith.index_cast %parallel_loop3A_301 : i32 to index
      %parallel_loop3A_303 = arith.constant 0 : index
      %parallel_loop3A_304 = tpu.vector_load %arg11[%parallel_loop3A_302, %parallel_loop3A_303] {strides = array<i32>} : memref<1024x16xf32, #tpu.memory_space<vmem>>, vector<16xf32>,
      tpu.vector_store %arg11[%parallel_loop3A_302, %parallel_loop3A_303], %parallel_loop3A_263 {strides = array<i32>} : memref<1024x16xf32, #tpu.memory_space<vmem>>, vector<16xf32>,
      %parallel_loop3A_305 = arith.constant 16 : i32
      %parallel_loop3A_306 = arith.addi %parallel_loop3A_44, %parallel_loop3A_305 : i32
      %parallel_loop3A_307 = arith.index_cast %parallel_loop3A_306 : i32 to index
      %parallel_loop3A_308 = arith.constant 0 : index
      %parallel_loop3A_309 = tpu.vector_load %arg10[%parallel_loop3A_307, %parallel_loop3A_308] {strides = array<i32>} : memref<1024x16xf32, #tpu.memory_space<vmem>>, vector<16xf32>,
      tpu.vector_store %arg10[%parallel_loop3A_307, %parallel_loop3A_308], %parallel_loop3A_271 {strides = array<i32>} : memref<1024x16xf32, #tpu.memory_space<vmem>>, vector<16xf32>,
      %parallel_loop3A_310 = arith.constant 16 : i32
      %parallel_loop3A_311 = arith.addi %parallel_loop3A_44, %parallel_loop3A_310 : i32
      %parallel_loop3A_312 = arith.index_cast %parallel_loop3A_311 : i32 to index
      %parallel_loop3A_313 = arith.constant 0 : index
      %parallel_loop3A_314 = tpu.vector_load %arg11[%parallel_loop3A_312, %parallel_loop3A_313] {strides = array<i32>} : memref<1024x16xf32, #tpu.memory_space<vmem>>, vector<16xf32>,
      tpu.vector_store %arg11[%parallel_loop3A_312, %parallel_loop3A_313], %parallel_loop3A_273 {strides = array<i32>} : memref<1024x16xf32, #tpu.memory_space<vmem>>, vector<16xf32>,
      %parallel_loop3A_315 = arith.constant 24 : i32
      %parallel_loop3A_316 = arith.addi %parallel_loop3A_44, %parallel_loop3A_315 : i32
      %parallel_loop3A_317 = arith.index_cast %parallel_loop3A_316 : i32 to index
      %parallel_loop3A_318 = arith.constant 0 : index
      %parallel_loop3A_319 = tpu.vector_load %arg10[%parallel_loop3A_317, %parallel_loop3A_318] {strides = array<i32>} : memref<1024x16xf32, #tpu.memory_space<vmem>>, vector<16xf32>,
      tpu.vector_store %arg10[%parallel_loop3A_317, %parallel_loop3A_318], %parallel_loop3A_281 {strides = array<i32>} : memref<1024x16xf32, #tpu.memory_space<vmem>>, vector<16xf32>,
      %parallel_loop3A_320 = arith.constant 24 : i32
      %parallel_loop3A_321 = arith.addi %parallel_loop3A_44, %parallel_loop3A_320 : i32
      %parallel_loop3A_322 = arith.index_cast %parallel_loop3A_321 : i32 to index
      %parallel_loop3A_323 = arith.constant 0 : index
      %parallel_loop3A_324 = tpu.vector_load %arg11[%parallel_loop3A_322, %parallel_loop3A_323] {strides = array<i32>} : memref<1024x16xf32, #tpu.memory_space<vmem>>, vector<16xf32>,
      tpu.vector_store %arg11[%parallel_loop3A_322, %parallel_loop3A_323], %parallel_loop3A_283 {strides = array<i32>} : memref<1024x16xf32, #tpu.memory_space<vmem>>, vector<16xf32>,
      %parallel_loop3A_325 = arith.constant 32 : i32
      %parallel_loop3A_326 = arith.addi %parallel_loop3A_44, %parallel_loop3A_325 : i32
      %parallel_loop3A_327 = arith.index_cast %parallel_loop3A_326 : i32 to index
      %parallel_loop3A_328 = arith.constant 0 : index
      %parallel_loop3A_329 = tpu.vector_load %arg10[%parallel_loop3A_327, %parallel_loop3A_328] {strides = array<i32>} : memref<1024x16xf32, #tpu.memory_space<vmem>>, vector<16xf32>,
      tpu.vector_store %arg10[%parallel_loop3A_327, %parallel_loop3A_328], %parallel_loop3A_252 {strides = array<i32>} : memref<1024x16xf32, #tpu.memory_space<vmem>>, vector<16xf32>,
      %parallel_loop3A_330 = arith.constant 32 : i32
      %parallel_loop3A_331 = arith.addi %parallel_loop3A_44, %parallel_loop3A_330 : i32
      %parallel_loop3A_332 = arith.index_cast %parallel_loop3A_331 : i32 to index
      %parallel_loop3A_333 = arith.constant 0 : index
      %parallel_loop3A_334 = tpu.vector_load %arg11[%parallel_loop3A_332, %parallel_loop3A_333] {strides = array<i32>} : memref<1024x16xf32, #tpu.memory_space<vmem>>, vector<16xf32>,
      tpu.vector_store %arg11[%parallel_loop3A_332, %parallel_loop3A_333], %parallel_loop3A_254 {strides = array<i32>} : memref<1024x16xf32, #tpu.memory_space<vmem>>, vector<16xf32>,
      %parallel_loop3A_335 = arith.constant 40 : i32
      %parallel_loop3A_336 = arith.addi %parallel_loop3A_44, %parallel_loop3A_335 : i32
      %parallel_loop3A_337 = arith.index_cast %parallel_loop3A_336 : i32 to index
      %parallel_loop3A_338 = arith.constant 0 : index
      %parallel_loop3A_339 = tpu.vector_load %arg10[%parallel_loop3A_337, %parallel_loop3A_338] {strides = array<i32>} : memref<1024x16xf32, #tpu.memory_space<vmem>>, vector<16xf32>,
      tpu.vector_store %arg10[%parallel_loop3A_337, %parallel_loop3A_338], %parallel_loop3A_262 {strides = array<i32>} : memref<1024x16xf32, #tpu.memory_space<vmem>>, vector<16xf32>,
      %parallel_loop3A_340 = arith.constant 40 : i32
      %parallel_loop3A_341 = arith.addi %parallel_loop3A_44, %parallel_loop3A_340 : i32
      %parallel_loop3A_342 = arith.index_cast %parallel_loop3A_341 : i32 to index
      %parallel_loop3A_343 = arith.constant 0 : index
      %parallel_loop3A_344 = tpu.vector_load %arg11[%parallel_loop3A_342, %parallel_loop3A_343] {strides = array<i32>} : memref<1024x16xf32, #tpu.memory_space<vmem>>, vector<16xf32>,
      tpu.vector_store %arg11[%parallel_loop3A_342, %parallel_loop3A_343], %parallel_loop3A_264 {strides = array<i32>} : memref<1024x16xf32, #tpu.memory_space<vmem>>, vector<16xf32>,
      %parallel_loop3A_345 = arith.constant 48 : i32
      %parallel_loop3A_346 = arith.addi %parallel_loop3A_44, %parallel_loop3A_345 : i32
      %parallel_loop3A_347 = arith.index_cast %parallel_loop3A_346 : i32 to index
      %parallel_loop3A_348 = arith.constant 0 : index
      %parallel_loop3A_349 = tpu.vector_load %arg10[%parallel_loop3A_347, %parallel_loop3A_348] {strides = array<i32>} : memref<1024x16xf32, #tpu.memory_space<vmem>>, vector<16xf32>,
      tpu.vector_store %arg10[%parallel_loop3A_347, %parallel_loop3A_348], %parallel_loop3A_272 {strides = array<i32>} : memref<1024x16xf32, #tpu.memory_space<vmem>>, vector<16xf32>,
      %parallel_loop3A_350 = arith.constant 48 : i32
      %parallel_loop3A_351 = arith.addi %parallel_loop3A_44, %parallel_loop3A_350 : i32
      %parallel_loop3A_352 = arith.index_cast %parallel_loop3A_351 : i32 to index
      %parallel_loop3A_353 = arith.constant 0 : index
      %parallel_loop3A_354 = tpu.vector_load %arg11[%parallel_loop3A_352, %parallel_loop3A_353] {strides = array<i32>} : memref<1024x16xf32, #tpu.memory_space<vmem>>, vector<16xf32>,
      tpu.vector_store %arg11[%parallel_loop3A_352, %parallel_loop3A_353], %parallel_loop3A_274 {strides = array<i32>} : memref<1024x16xf32, #tpu.memory_space<vmem>>, vector<16xf32>,
      %parallel_loop3A_355 = arith.constant 56 : i32
      %parallel_loop3A_356 = arith.addi %parallel_loop3A_44, %parallel_loop3A_355 : i32
      %parallel_loop3A_357 = arith.index_cast %parallel_loop3A_356 : i32 to index
      %parallel_loop3A_358 = arith.constant 0 : index
      %parallel_loop3A_359 = tpu.vector_load %arg10[%parallel_loop3A_357, %parallel_loop3A_358] {strides = array<i32>} : memref<1024x16xf32, #tpu.memory_space<vmem>>, vector<16xf32>,
      tpu.vector_store %arg10[%parallel_loop3A_357, %parallel_loop3A_358], %parallel_loop3A_282 {strides = array<i32>} : memref<1024x16xf32, #tpu.memory_space<vmem>>, vector<16xf32>,
      %parallel_loop3A_360 = arith.constant 56 : i32
      %parallel_loop3A_361 = arith.addi %parallel_loop3A_44, %parallel_loop3A_360 : i32
      %parallel_loop3A_362 = arith.index_cast %parallel_loop3A_361 : i32 to index
      %parallel_loop3A_363 = arith.constant 0 : index
      %parallel_loop3A_364 = tpu.vector_load %arg11[%parallel_loop3A_362, %parallel_loop3A_363] {strides = array<i32>} : memref<1024x16xf32, #tpu.memory_space<vmem>>, vector<16xf32>,
      tpu.vector_store %arg11[%parallel_loop3A_362, %parallel_loop3A_363], %parallel_loop3A_284 {strides = array<i32>} : memref<1024x16xf32, #tpu.memory_space<vmem>>, vector<16xf32>,
    } {sc.loop_unroll_factor = 2 : i64, sc.parallel_access}
    %parallel_loop3A_30 = arith.constant 0 : i32
    %parallel_loop3A_31 = arith.constant 256 : i32
    %parallel_loop3A_32 = arith.constant 1 : i32
    scf.for %parallel_loop3A_37 = %parallel_loop3A_30 to %parallel_loop3A_31 step %parallel_loop3A_32  : i32 {
      %parallel_loop3A_38 = arith.constant 63 : i32
      %parallel_loop3A_39 = arith.andi %parallel_loop3A_37, %parallel_loop3A_38 : i32
      %parallel_loop3A_40 = arith.constant 6 : i32
      %parallel_loop3A_41 = arith.shrsi %parallel_loop3A_37, %parallel_loop3A_40 : i32
      %parallel_loop3A_42 = arith.constant 8 : i32
      %parallel_loop3A_43 = arith.shli %parallel_loop3A_41, %parallel_loop3A_42 : i32
      %parallel_loop3A_44 = arith.addi %parallel_loop3A_43, %parallel_loop3A_39 : i32
      %parallel_loop3A_45 = arith.constant 63 : i32
      %parallel_loop3A_46 = arith.addi %parallel_loop3A_45, %parallel_loop3A_39 : i32
      %parallel_loop3A_47 = arith.index_cast %parallel_loop3A_46 : i32 to index
      %parallel_loop3A_48 = arith.constant 0 : index
      %parallel_loop3A_49 = tpu.vector_load %arg14[%parallel_loop3A_47, %parallel_loop3A_48] {strides = array<i32>} : memref<1024x16xf32, #tpu.memory_space<vmem>>, vector<16xf32>,
      %parallel_loop3A_50 = arith.constant 63 : i32
      %parallel_loop3A_51 = arith.addi %parallel_loop3A_50, %parallel_loop3A_39 : i32
      %parallel_loop3A_52 = arith.index_cast %parallel_loop3A_51 : i32 to index
      %parallel_loop3A_53 = arith.constant 0 : index
      %parallel_loop3A_54 = tpu.vector_load %arg15[%parallel_loop3A_52, %parallel_loop3A_53] {strides = array<i32>} : memref<1024x16xf32, #tpu.memory_space<vmem>>, vector<16xf32>,
      %parallel_loop3A_55 = arith.constant 127 : i32
      %parallel_loop3A_56 = arith.addi %parallel_loop3A_55, %parallel_loop3A_39 : i32
      %parallel_loop3A_57 = arith.index_cast %parallel_loop3A_56 : i32 to index
      %parallel_loop3A_58 = arith.constant 0 : index
      %parallel_loop3A_59 = tpu.vector_load %arg14[%parallel_loop3A_57, %parallel_loop3A_58] {strides = array<i32>} : memref<1024x16xf32, #tpu.memory_space<vmem>>, vector<16xf32>,
      %parallel_loop3A_60 = arith.constant 127 : i32
      %parallel_loop3A_61 = arith.addi %parallel_loop3A_60, %parallel_loop3A_39 : i32
      %parallel_loop3A_62 = arith.index_cast %parallel_loop3A_61 : i32 to index
      %parallel_loop3A_63 = arith.constant 0 : index
      %parallel_loop3A_64 = tpu.vector_load %arg15[%parallel_loop3A_62, %parallel_loop3A_63] {strides = array<i32>} : memref<1024x16xf32, #tpu.memory_space<vmem>>, vector<16xf32>,
      %parallel_loop3A_65 = arith.constant 64 : i32
      %parallel_loop3A_66 = arith.addi %parallel_loop3A_44, %parallel_loop3A_65 : i32
      %parallel_loop3A_67 = arith.constant 64 : i32
      %parallel_loop3A_68 = arith.addi %parallel_loop3A_66, %parallel_loop3A_67 : i32
      %parallel_loop3A_69 = arith.constant 64 : i32
      %parallel_loop3A_70 = arith.addi %parallel_loop3A_68, %parallel_loop3A_69 : i32
      %parallel_loop3A_71 = arith.index_cast %parallel_loop3A_66 : i32 to index
      %parallel_loop3A_72 = arith.constant 0 : index
      %parallel_loop3A_73 = tpu.vector_load %arg10[%parallel_loop3A_71, %parallel_loop3A_72] {strides = array<i32>} : memref<1024x16xf32, #tpu.memory_space<vmem>>, vector<16xf32>,
      %parallel_loop3A_74 = arith.index_cast %parallel_loop3A_66 : i32 to index
      %parallel_loop3A_75 = arith.constant 0 : index
      %parallel_loop3A_76 = tpu.vector_load %arg11[%parallel_loop3A_74, %parallel_loop3A_75] {strides = array<i32>} : memref<1024x16xf32, #tpu.memory_space<vmem>>, vector<16xf32>,
      %parallel_loop3A_77 = arith.mulf %parallel_loop3A_49, %parallel_loop3A_73 : vector<16xf32>
      %parallel_loop3A_78 = arith.mulf %parallel_loop3A_54, %parallel_loop3A_76 : vector<16xf32>
      %parallel_loop3A_79 = arith.subf %parallel_loop3A_77, %parallel_loop3A_78 : vector<16xf32>
      %parallel_loop3A_80 = arith.mulf %parallel_loop3A_54, %parallel_loop3A_73 : vector<16xf32>
      %parallel_loop3A_81 = arith.mulf %parallel_loop3A_49, %parallel_loop3A_76 : vector<16xf32>
      %parallel_loop3A_82 = arith.addf %parallel_loop3A_80, %parallel_loop3A_81 : vector<16xf32>
      %parallel_loop3A_83 = arith.index_cast %parallel_loop3A_44 : i32 to index
      %parallel_loop3A_84 = arith.constant 0 : index
      %parallel_loop3A_85 = tpu.vector_load %arg10[%parallel_loop3A_83, %parallel_loop3A_84] {strides = array<i32>} : memref<1024x16xf32, #tpu.memory_space<vmem>>, vector<16xf32>,
      %parallel_loop3A_86 = arith.index_cast %parallel_loop3A_44 : i32 to index
      %parallel_loop3A_87 = arith.constant 0 : index
      %parallel_loop3A_88 = tpu.vector_load %arg11[%parallel_loop3A_86, %parallel_loop3A_87] {strides = array<i32>} : memref<1024x16xf32, #tpu.memory_space<vmem>>, vector<16xf32>,
      %parallel_loop3A_89 = arith.addf %parallel_loop3A_85, %parallel_loop3A_79 : vector<16xf32>
      %parallel_loop3A_90 = arith.subf %parallel_loop3A_85, %parallel_loop3A_79 : vector<16xf32>
      %parallel_loop3A_91 = arith.addf %parallel_loop3A_88, %parallel_loop3A_82 : vector<16xf32>
      %parallel_loop3A_92 = arith.subf %parallel_loop3A_88, %parallel_loop3A_82 : vector<16xf32>
      %parallel_loop3A_93 = arith.index_cast %parallel_loop3A_70 : i32 to index
      %parallel_loop3A_94 = arith.constant 0 : index
      %parallel_loop3A_95 = tpu.vector_load %arg10[%parallel_loop3A_93, %parallel_loop3A_94] {strides = array<i32>} : memref<1024x16xf32, #tpu.memory_space<vmem>>, vector<16xf32>,
      %parallel_loop3A_96 = arith.index_cast %parallel_loop3A_70 : i32 to index
      %parallel_loop3A_97 = arith.constant 0 : index
      %parallel_loop3A_98 = tpu.vector_load %arg11[%parallel_loop3A_96, %parallel_loop3A_97] {strides = array<i32>} : memref<1024x16xf32, #tpu.memory_space<vmem>>, vector<16xf32>,
      %parallel_loop3A_99 = arith.mulf %parallel_loop3A_49, %parallel_loop3A_95 : vector<16xf32>
      %parallel_loop3A_100 = arith.mulf %parallel_loop3A_54, %parallel_loop3A_98 : vector<16xf32>
      %parallel_loop3A_101 = arith.subf %parallel_loop3A_99, %parallel_loop3A_100 : vector<16xf32>
      %parallel_loop3A_102 = arith.mulf %parallel_loop3A_54, %parallel_loop3A_95 : vector<16xf32>
      %parallel_loop3A_103 = arith.mulf %parallel_loop3A_49, %parallel_loop3A_98 : vector<16xf32>
      %parallel_loop3A_104 = arith.addf %parallel_loop3A_102, %parallel_loop3A_103 : vector<16xf32>
      %parallel_loop3A_105 = arith.index_cast %parallel_loop3A_68 : i32 to index
      %parallel_loop3A_106 = arith.constant 0 : index
      %parallel_loop3A_107 = tpu.vector_load %arg10[%parallel_loop3A_105, %parallel_loop3A_106] {strides = array<i32>} : memref<1024x16xf32, #tpu.memory_space<vmem>>, vector<16xf32>,
      %parallel_loop3A_108 = arith.index_cast %parallel_loop3A_68 : i32 to index
      %parallel_loop3A_109 = arith.constant 0 : index
      %parallel_loop3A_110 = tpu.vector_load %arg11[%parallel_loop3A_108, %parallel_loop3A_109] {strides = array<i32>} : memref<1024x16xf32, #tpu.memory_space<vmem>>, vector<16xf32>,
      %parallel_loop3A_111 = arith.addf %parallel_loop3A_107, %parallel_loop3A_101 : vector<16xf32>
      %parallel_loop3A_112 = arith.subf %parallel_loop3A_107, %parallel_loop3A_101 : vector<16xf32>
      %parallel_loop3A_113 = arith.addf %parallel_loop3A_110, %parallel_loop3A_104 : vector<16xf32>
      %parallel_loop3A_114 = arith.subf %parallel_loop3A_110, %parallel_loop3A_104 : vector<16xf32>
      %parallel_loop3A_115 = arith.mulf %parallel_loop3A_59, %parallel_loop3A_111 : vector<16xf32>
      %parallel_loop3A_116 = arith.mulf %parallel_loop3A_64, %parallel_loop3A_113 : vector<16xf32>
      %parallel_loop3A_117 = arith.subf %parallel_loop3A_115, %parallel_loop3A_116 : vector<16xf32>
      %parallel_loop3A_118 = arith.mulf %parallel_loop3A_64, %parallel_loop3A_111 : vector<16xf32>
      %parallel_loop3A_119 = arith.mulf %parallel_loop3A_59, %parallel_loop3A_113 : vector<16xf32>
      %parallel_loop3A_120 = arith.addf %parallel_loop3A_118, %parallel_loop3A_119 : vector<16xf32>
      %parallel_loop3A_121 = arith.addf %parallel_loop3A_89, %parallel_loop3A_117 : vector<16xf32>
      %parallel_loop3A_122 = arith.index_cast %parallel_loop3A_44 : i32 to index
      %parallel_loop3A_123 = arith.constant 0 : index
      %parallel_loop3A_124 = tpu.vector_load %arg10[%parallel_loop3A_122, %parallel_loop3A_123] {strides = array<i32>} : memref<1024x16xf32, #tpu.memory_space<vmem>>, vector<16xf32>,
      tpu.vector_store %arg10[%parallel_loop3A_122, %parallel_loop3A_123], %parallel_loop3A_121 {strides = array<i32>} : memref<1024x16xf32, #tpu.memory_space<vmem>>, vector<16xf32>,
      %parallel_loop3A_125 = arith.subf %parallel_loop3A_89, %parallel_loop3A_117 : vector<16xf32>
      %parallel_loop3A_126 = arith.index_cast %parallel_loop3A_68 : i32 to index
      %parallel_loop3A_127 = arith.constant 0 : index
      %parallel_loop3A_128 = tpu.vector_load %arg10[%parallel_loop3A_126, %parallel_loop3A_127] {strides = array<i32>} : memref<1024x16xf32, #tpu.memory_space<vmem>>, vector<16xf32>,
      tpu.vector_store %arg10[%parallel_loop3A_126, %parallel_loop3A_127], %parallel_loop3A_125 {strides = array<i32>} : memref<1024x16xf32, #tpu.memory_space<vmem>>, vector<16xf32>,
      %parallel_loop3A_129 = arith.addf %parallel_loop3A_91, %parallel_loop3A_120 : vector<16xf32>
      %parallel_loop3A_130 = arith.index_cast %parallel_loop3A_44 : i32 to index
      %parallel_loop3A_131 = arith.constant 0 : index
      %parallel_loop3A_132 = tpu.vector_load %arg11[%parallel_loop3A_130, %parallel_loop3A_131] {strides = array<i32>} : memref<1024x16xf32, #tpu.memory_space<vmem>>, vector<16xf32>,
      tpu.vector_store %arg11[%parallel_loop3A_130, %parallel_loop3A_131], %parallel_loop3A_129 {strides = array<i32>} : memref<1024x16xf32, #tpu.memory_space<vmem>>, vector<16xf32>,
      %parallel_loop3A_133 = arith.subf %parallel_loop3A_91, %parallel_loop3A_120 : vector<16xf32>
      %parallel_loop3A_134 = arith.index_cast %parallel_loop3A_68 : i32 to index
      %parallel_loop3A_135 = arith.constant 0 : index
      %parallel_loop3A_136 = tpu.vector_load %arg11[%parallel_loop3A_134, %parallel_loop3A_135] {strides = array<i32>} : memref<1024x16xf32, #tpu.memory_space<vmem>>, vector<16xf32>,
      tpu.vector_store %arg11[%parallel_loop3A_134, %parallel_loop3A_135], %parallel_loop3A_133 {strides = array<i32>} : memref<1024x16xf32, #tpu.memory_space<vmem>>, vector<16xf32>,
      %parallel_loop3A_137 = arith.mulf %parallel_loop3A_64, %parallel_loop3A_112 : vector<16xf32>
      %parallel_loop3A_138 = arith.mulf %parallel_loop3A_59, %parallel_loop3A_114 : vector<16xf32>
      %parallel_loop3A_139 = arith.addf %parallel_loop3A_137, %parallel_loop3A_138 : vector<16xf32>
      %parallel_loop3A_140 = arith.mulf %parallel_loop3A_64, %parallel_loop3A_114 : vector<16xf32>
      %parallel_loop3A_141 = arith.mulf %parallel_loop3A_59, %parallel_loop3A_112 : vector<16xf32>
      %parallel_loop3A_142 = arith.subf %parallel_loop3A_140, %parallel_loop3A_141 : vector<16xf32>
      %parallel_loop3A_143 = arith.addf %parallel_loop3A_90, %parallel_loop3A_139 : vector<16xf32>
      %parallel_loop3A_144 = arith.index_cast %parallel_loop3A_66 : i32 to index
      %parallel_loop3A_145 = arith.constant 0 : index
      %parallel_loop3A_146 = tpu.vector_load %arg10[%parallel_loop3A_144, %parallel_loop3A_145] {strides = array<i32>} : memref<1024x16xf32, #tpu.memory_space<vmem>>, vector<16xf32>,
      tpu.vector_store %arg10[%parallel_loop3A_144, %parallel_loop3A_145], %parallel_loop3A_143 {strides = array<i32>} : memref<1024x16xf32, #tpu.memory_space<vmem>>, vector<16xf32>,
      %parallel_loop3A_147 = arith.subf %parallel_loop3A_90, %parallel_loop3A_139 : vector<16xf32>
      %parallel_loop3A_148 = arith.index_cast %parallel_loop3A_70 : i32 to index
      %parallel_loop3A_149 = arith.constant 0 : index
      %parallel_loop3A_150 = tpu.vector_load %arg10[%parallel_loop3A_148, %parallel_loop3A_149] {strides = array<i32>} : memref<1024x16xf32, #tpu.memory_space<vmem>>, vector<16xf32>,
      tpu.vector_store %arg10[%parallel_loop3A_148, %parallel_loop3A_149], %parallel_loop3A_147 {strides = array<i32>} : memref<1024x16xf32, #tpu.memory_space<vmem>>, vector<16xf32>,
      %parallel_loop3A_151 = arith.addf %parallel_loop3A_92, %parallel_loop3A_142 : vector<16xf32>
      %parallel_loop3A_152 = arith.index_cast %parallel_loop3A_66 : i32 to index
      %parallel_loop3A_153 = arith.constant 0 : index
      %parallel_loop3A_154 = tpu.vector_load %arg11[%parallel_loop3A_152, %parallel_loop3A_153] {strides = array<i32>} : memref<1024x16xf32, #tpu.memory_space<vmem>>, vector<16xf32>,
      tpu.vector_store %arg11[%parallel_loop3A_152, %parallel_loop3A_153], %parallel_loop3A_151 {strides = array<i32>} : memref<1024x16xf32, #tpu.memory_space<vmem>>, vector<16xf32>,
      %parallel_loop3A_155 = arith.subf %parallel_loop3A_92, %parallel_loop3A_142 : vector<16xf32>
      %parallel_loop3A_156 = arith.index_cast %parallel_loop3A_70 : i32 to index
      %parallel_loop3A_157 = arith.constant 0 : index
      %parallel_loop3A_158 = tpu.vector_load %arg11[%parallel_loop3A_156, %parallel_loop3A_157] {strides = array<i32>} : memref<1024x16xf32, #tpu.memory_space<vmem>>, vector<16xf32>,
      tpu.vector_store %arg11[%parallel_loop3A_156, %parallel_loop3A_157], %parallel_loop3A_155 {strides = array<i32>} : memref<1024x16xf32, #tpu.memory_space<vmem>>, vector<16xf32>,
    } {sc.loop_unroll_factor = 8 : i64, sc.parallel_access}
    %parallel_loop3A_33 = arith.constant 0 : i32
    %parallel_loop3A_34 = arith.constant 256 : i32
    %parallel_loop3A_35 = arith.constant 1 : i32
    scf.for %parallel_loop3A_37 = %parallel_loop3A_33 to %parallel_loop3A_34 step %parallel_loop3A_35  : i32 {
      %parallel_loop3A_38 = arith.constant 255 : i32
      %parallel_loop3A_39 = arith.andi %parallel_loop3A_37, %parallel_loop3A_38 : i32
      %parallel_loop3A_40 = arith.constant 8 : i32
      %parallel_loop3A_41 = arith.shrsi %parallel_loop3A_37, %parallel_loop3A_40 : i32
      %parallel_loop3A_42 = arith.constant 10 : i32
      %parallel_loop3A_43 = arith.shli %parallel_loop3A_41, %parallel_loop3A_42 : i32
      %parallel_loop3A_44 = arith.addi %parallel_loop3A_43, %parallel_loop3A_39 : i32
      %parallel_loop3A_45 = arith.constant 255 : i32
      %parallel_loop3A_46 = arith.addi %parallel_loop3A_45, %parallel_loop3A_39 : i32
      %parallel_loop3A_47 = arith.index_cast %parallel_loop3A_46 : i32 to index
      %parallel_loop3A_48 = arith.constant 0 : index
      %parallel_loop3A_49 = tpu.vector_load %arg14[%parallel_loop3A_47, %parallel_loop3A_48] {strides = array<i32>} : memref<1024x16xf32, #tpu.memory_space<vmem>>, vector<16xf32>,
      %parallel_loop3A_50 = arith.constant 255 : i32
      %parallel_loop3A_51 = arith.addi %parallel_loop3A_50, %parallel_loop3A_39 : i32
      %parallel_loop3A_52 = arith.index_cast %parallel_loop3A_51 : i32 to index
      %parallel_loop3A_53 = arith.constant 0 : index
      %parallel_loop3A_54 = tpu.vector_load %arg15[%parallel_loop3A_52, %parallel_loop3A_53] {strides = array<i32>} : memref<1024x16xf32, #tpu.memory_space<vmem>>, vector<16xf32>,
      %parallel_loop3A_55 = arith.constant 511 : i32
      %parallel_loop3A_56 = arith.addi %parallel_loop3A_55, %parallel_loop3A_39 : i32
      %parallel_loop3A_57 = arith.index_cast %parallel_loop3A_56 : i32 to index
      %parallel_loop3A_58 = arith.constant 0 : index
      %parallel_loop3A_59 = tpu.vector_load %arg14[%parallel_loop3A_57, %parallel_loop3A_58] {strides = array<i32>} : memref<1024x16xf32, #tpu.memory_space<vmem>>, vector<16xf32>,
      %parallel_loop3A_60 = arith.constant 511 : i32
      %parallel_loop3A_61 = arith.addi %parallel_loop3A_60, %parallel_loop3A_39 : i32
      %parallel_loop3A_62 = arith.index_cast %parallel_loop3A_61 : i32 to index
      %parallel_loop3A_63 = arith.constant 0 : index
      %parallel_loop3A_64 = tpu.vector_load %arg15[%parallel_loop3A_62, %parallel_loop3A_63] {strides = array<i32>} : memref<1024x16xf32, #tpu.memory_space<vmem>>, vector<16xf32>,
      %parallel_loop3A_65 = arith.constant 256 : i32
      %parallel_loop3A_66 = arith.addi %parallel_loop3A_44, %parallel_loop3A_65 : i32
      %parallel_loop3A_67 = arith.constant 256 : i32
      %parallel_loop3A_68 = arith.addi %parallel_loop3A_66, %parallel_loop3A_67 : i32
      %parallel_loop3A_69 = arith.constant 256 : i32
      %parallel_loop3A_70 = arith.addi %parallel_loop3A_68, %parallel_loop3A_69 : i32
      %parallel_loop3A_71 = arith.index_cast %parallel_loop3A_66 : i32 to index
      %parallel_loop3A_72 = arith.constant 0 : index
      %parallel_loop3A_73 = tpu.vector_load %arg10[%parallel_loop3A_71, %parallel_loop3A_72] {strides = array<i32>} : memref<1024x16xf32, #tpu.memory_space<vmem>>, vector<16xf32>,
      %parallel_loop3A_74 = arith.index_cast %parallel_loop3A_66 : i32 to index
      %parallel_loop3A_75 = arith.constant 0 : index
      %parallel_loop3A_76 = tpu.vector_load %arg11[%parallel_loop3A_74, %parallel_loop3A_75] {strides = array<i32>} : memref<1024x16xf32, #tpu.memory_space<vmem>>, vector<16xf32>,
      %parallel_loop3A_77 = arith.mulf %parallel_loop3A_49, %parallel_loop3A_73 : vector<16xf32>
      %parallel_loop3A_78 = arith.mulf %parallel_loop3A_54, %parallel_loop3A_76 : vector<16xf32>
      %parallel_loop3A_79 = arith.subf %parallel_loop3A_77, %parallel_loop3A_78 : vector<16xf32>
      %parallel_loop3A_80 = arith.mulf %parallel_loop3A_54, %parallel_loop3A_73 : vector<16xf32>
      %parallel_loop3A_81 = arith.mulf %parallel_loop3A_49, %parallel_loop3A_76 : vector<16xf32>
      %parallel_loop3A_82 = arith.addf %parallel_loop3A_80, %parallel_loop3A_81 : vector<16xf32>
      %parallel_loop3A_83 = arith.index_cast %parallel_loop3A_44 : i32 to index
      %parallel_loop3A_84 = arith.constant 0 : index
      %parallel_loop3A_85 = tpu.vector_load %arg10[%parallel_loop3A_83, %parallel_loop3A_84] {strides = array<i32>} : memref<1024x16xf32, #tpu.memory_space<vmem>>, vector<16xf32>,
      %parallel_loop3A_86 = arith.index_cast %parallel_loop3A_44 : i32 to index
      %parallel_loop3A_87 = arith.constant 0 : index
      %parallel_loop3A_88 = tpu.vector_load %arg11[%parallel_loop3A_86, %parallel_loop3A_87] {strides = array<i32>} : memref<1024x16xf32, #tpu.memory_space<vmem>>, vector<16xf32>,
      %parallel_loop3A_89 = arith.addf %parallel_loop3A_85, %parallel_loop3A_79 : vector<16xf32>
      %parallel_loop3A_90 = arith.subf %parallel_loop3A_85, %parallel_loop3A_79 : vector<16xf32>
      %parallel_loop3A_91 = arith.addf %parallel_loop3A_88, %parallel_loop3A_82 : vector<16xf32>
      %parallel_loop3A_92 = arith.subf %parallel_loop3A_88, %parallel_loop3A_82 : vector<16xf32>
      %parallel_loop3A_93 = arith.index_cast %parallel_loop3A_70 : i32 to index
      %parallel_loop3A_94 = arith.constant 0 : index
      %parallel_loop3A_95 = tpu.vector_load %arg10[%parallel_loop3A_93, %parallel_loop3A_94] {strides = array<i32>} : memref<1024x16xf32, #tpu.memory_space<vmem>>, vector<16xf32>,
      %parallel_loop3A_96 = arith.index_cast %parallel_loop3A_70 : i32 to index
      %parallel_loop3A_97 = arith.constant 0 : index
      %parallel_loop3A_98 = tpu.vector_load %arg11[%parallel_loop3A_96, %parallel_loop3A_97] {strides = array<i32>} : memref<1024x16xf32, #tpu.memory_space<vmem>>, vector<16xf32>,
      %parallel_loop3A_99 = arith.mulf %parallel_loop3A_49, %parallel_loop3A_95 : vector<16xf32>
      %parallel_loop3A_100 = arith.mulf %parallel_loop3A_54, %parallel_loop3A_98 : vector<16xf32>
      %parallel_loop3A_101 = arith.subf %parallel_loop3A_99, %parallel_loop3A_100 : vector<16xf32>
      %parallel_loop3A_102 = arith.mulf %parallel_loop3A_54, %parallel_loop3A_95 : vector<16xf32>
      %parallel_loop3A_103 = arith.mulf %parallel_loop3A_49, %parallel_loop3A_98 : vector<16xf32>
      %parallel_loop3A_104 = arith.addf %parallel_loop3A_102, %parallel_loop3A_103 : vector<16xf32>
      %parallel_loop3A_105 = arith.index_cast %parallel_loop3A_68 : i32 to index
      %parallel_loop3A_106 = arith.constant 0 : index
      %parallel_loop3A_107 = tpu.vector_load %arg10[%parallel_loop3A_105, %parallel_loop3A_106] {strides = array<i32>} : memref<1024x16xf32, #tpu.memory_space<vmem>>, vector<16xf32>,
      %parallel_loop3A_108 = arith.index_cast %parallel_loop3A_68 : i32 to index
      %parallel_loop3A_109 = arith.constant 0 : index
      %parallel_loop3A_110 = tpu.vector_load %arg11[%parallel_loop3A_108, %parallel_loop3A_109] {strides = array<i32>} : memref<1024x16xf32, #tpu.memory_space<vmem>>, vector<16xf32>,
      %parallel_loop3A_111 = arith.addf %parallel_loop3A_107, %parallel_loop3A_101 : vector<16xf32>
      %parallel_loop3A_112 = arith.subf %parallel_loop3A_107, %parallel_loop3A_101 : vector<16xf32>
      %parallel_loop3A_113 = arith.addf %parallel_loop3A_110, %parallel_loop3A_104 : vector<16xf32>
      %parallel_loop3A_114 = arith.subf %parallel_loop3A_110, %parallel_loop3A_104 : vector<16xf32>
      %parallel_loop3A_115 = arith.mulf %parallel_loop3A_59, %parallel_loop3A_111 : vector<16xf32>
      %parallel_loop3A_116 = arith.mulf %parallel_loop3A_64, %parallel_loop3A_113 : vector<16xf32>
      %parallel_loop3A_117 = arith.subf %parallel_loop3A_115, %parallel_loop3A_116 : vector<16xf32>
      %parallel_loop3A_118 = arith.mulf %parallel_loop3A_64, %parallel_loop3A_111 : vector<16xf32>
      %parallel_loop3A_119 = arith.mulf %parallel_loop3A_59, %parallel_loop3A_113 : vector<16xf32>
      %parallel_loop3A_120 = arith.addf %parallel_loop3A_118, %parallel_loop3A_119 : vector<16xf32>
      %parallel_loop3A_121 = arith.addf %parallel_loop3A_89, %parallel_loop3A_117 : vector<16xf32>
      %parallel_loop3A_122 = arith.index_cast %parallel_loop3A_44 : i32 to index
      %parallel_loop3A_123 = arith.constant 0 : index
      %parallel_loop3A_124 = tpu.vector_load %arg10[%parallel_loop3A_122, %parallel_loop3A_123] {strides = array<i32>} : memref<1024x16xf32, #tpu.memory_space<vmem>>, vector<16xf32>,
      tpu.vector_store %arg10[%parallel_loop3A_122, %parallel_loop3A_123], %parallel_loop3A_121 {strides = array<i32>} : memref<1024x16xf32, #tpu.memory_space<vmem>>, vector<16xf32>,
      %parallel_loop3A_125 = arith.subf %parallel_loop3A_89, %parallel_loop3A_117 : vector<16xf32>
      %parallel_loop3A_126 = arith.index_cast %parallel_loop3A_68 : i32 to index
      %parallel_loop3A_127 = arith.constant 0 : index
      %parallel_loop3A_128 = tpu.vector_load %arg10[%parallel_loop3A_126, %parallel_loop3A_127] {strides = array<i32>} : memref<1024x16xf32, #tpu.memory_space<vmem>>, vector<16xf32>,
      tpu.vector_store %arg10[%parallel_loop3A_126, %parallel_loop3A_127], %parallel_loop3A_125 {strides = array<i32>} : memref<1024x16xf32, #tpu.memory_space<vmem>>, vector<16xf32>,
      %parallel_loop3A_129 = arith.addf %parallel_loop3A_91, %parallel_loop3A_120 : vector<16xf32>
      %parallel_loop3A_130 = arith.index_cast %parallel_loop3A_44 : i32 to index
      %parallel_loop3A_131 = arith.constant 0 : index
      %parallel_loop3A_132 = tpu.vector_load %arg11[%parallel_loop3A_130, %parallel_loop3A_131] {strides = array<i32>} : memref<1024x16xf32, #tpu.memory_space<vmem>>, vector<16xf32>,
      tpu.vector_store %arg11[%parallel_loop3A_130, %parallel_loop3A_131], %parallel_loop3A_129 {strides = array<i32>} : memref<1024x16xf32, #tpu.memory_space<vmem>>, vector<16xf32>,
      %parallel_loop3A_133 = arith.subf %parallel_loop3A_91, %parallel_loop3A_120 : vector<16xf32>
      %parallel_loop3A_134 = arith.index_cast %parallel_loop3A_68 : i32 to index
      %parallel_loop3A_135 = arith.constant 0 : index
      %parallel_loop3A_136 = tpu.vector_load %arg11[%parallel_loop3A_134, %parallel_loop3A_135] {strides = array<i32>} : memref<1024x16xf32, #tpu.memory_space<vmem>>, vector<16xf32>,
      tpu.vector_store %arg11[%parallel_loop3A_134, %parallel_loop3A_135], %parallel_loop3A_133 {strides = array<i32>} : memref<1024x16xf32, #tpu.memory_space<vmem>>, vector<16xf32>,
      %parallel_loop3A_137 = arith.mulf %parallel_loop3A_64, %parallel_loop3A_112 : vector<16xf32>
      %parallel_loop3A_138 = arith.mulf %parallel_loop3A_59, %parallel_loop3A_114 : vector<16xf32>
      %parallel_loop3A_139 = arith.addf %parallel_loop3A_137, %parallel_loop3A_138 : vector<16xf32>
      %parallel_loop3A_140 = arith.mulf %parallel_loop3A_64, %parallel_loop3A_114 : vector<16xf32>
      %parallel_loop3A_141 = arith.mulf %parallel_loop3A_59, %parallel_loop3A_112 : vector<16xf32>
      %parallel_loop3A_142 = arith.subf %parallel_loop3A_140, %parallel_loop3A_141 : vector<16xf32>
      %parallel_loop3A_143 = arith.addf %parallel_loop3A_90, %parallel_loop3A_139 : vector<16xf32>
      %parallel_loop3A_144 = arith.index_cast %parallel_loop3A_66 : i32 to index
      %parallel_loop3A_145 = arith.constant 0 : index
      %parallel_loop3A_146 = tpu.vector_load %arg10[%parallel_loop3A_144, %parallel_loop3A_145] {strides = array<i32>} : memref<1024x16xf32, #tpu.memory_space<vmem>>, vector<16xf32>,
      tpu.vector_store %arg10[%parallel_loop3A_144, %parallel_loop3A_145], %parallel_loop3A_143 {strides = array<i32>} : memref<1024x16xf32, #tpu.memory_space<vmem>>, vector<16xf32>,
      %parallel_loop3A_147 = arith.subf %parallel_loop3A_90, %parallel_loop3A_139 : vector<16xf32>
      %parallel_loop3A_148 = arith.index_cast %parallel_loop3A_70 : i32 to index
      %parallel_loop3A_149 = arith.constant 0 : index
      %parallel_loop3A_150 = tpu.vector_load %arg10[%parallel_loop3A_148, %parallel_loop3A_149] {strides = array<i32>} : memref<1024x16xf32, #tpu.memory_space<vmem>>, vector<16xf32>,
      tpu.vector_store %arg10[%parallel_loop3A_148, %parallel_loop3A_149], %parallel_loop3A_147 {strides = array<i32>} : memref<1024x16xf32, #tpu.memory_space<vmem>>, vector<16xf32>,
      %parallel_loop3A_151 = arith.addf %parallel_loop3A_92, %parallel_loop3A_142 : vector<16xf32>
      %parallel_loop3A_152 = arith.index_cast %parallel_loop3A_66 : i32 to index
      %parallel_loop3A_153 = arith.constant 0 : index
      %parallel_loop3A_154 = tpu.vector_load %arg11[%parallel_loop3A_152, %parallel_loop3A_153] {strides = array<i32>} : memref<1024x16xf32, #tpu.memory_space<vmem>>, vector<16xf32>,
      tpu.vector_store %arg11[%parallel_loop3A_152, %parallel_loop3A_153], %parallel_loop3A_151 {strides = array<i32>} : memref<1024x16xf32, #tpu.memory_space<vmem>>, vector<16xf32>,
      %parallel_loop3A_155 = arith.subf %parallel_loop3A_92, %parallel_loop3A_142 : vector<16xf32>
      %parallel_loop3A_156 = arith.index_cast %parallel_loop3A_70 : i32 to index
      %parallel_loop3A_157 = arith.constant 0 : index
      %parallel_loop3A_158 = tpu.vector_load %arg11[%parallel_loop3A_156, %parallel_loop3A_157] {strides = array<i32>} : memref<1024x16xf32, #tpu.memory_space<vmem>>, vector<16xf32>,
      tpu.vector_store %arg11[%parallel_loop3A_156, %parallel_loop3A_157], %parallel_loop3A_155 {strides = array<i32>} : memref<1024x16xf32, #tpu.memory_space<vmem>>, vector<16xf32>,
    } {sc.loop_unroll_factor = 8 : i64, sc.parallel_access}
    %run_scoped3A = arith.constant 0 : i32
    "tpu.region"() ({
      %run_scoped3A_37 = tpu.sem_alloc : memref<!tpu.dma_semaphore, #tpu.memory_space<semaphore_mem>>
      %dma_start3A_38 = arith.constant 0 : i32
      %dma_start3A_39 = arith.constant 0 : i32
      %dma_start3A_40 = tpu.memref_slice %arg10[%dma_start3A_38, %dma_start3A_39] : memref<1024x16xf32, #tpu.memory_space<vmem>> -> memref<513x16xf32, #tpu.memory_space<vmem>>
      %dma_start3A_41 = arith.constant 0 : i32
      %dma_start3A_42 = tpu.memref_slice %arg7[%run_scoped3A, %dma_start3A_41, %mul3A_2] : memref<2x513x512xf32, #tpu.memory_space<hbm>> -> memref<1x513x16xf32, #tpu.memory_space<hbm>>
      %dma_start3A_43 = tpu.memref_squeeze %dma_start3A_42 : memref<1x513x16xf32, #tpu.memory_space<hbm>> -> memref<513x16xf32, #tpu.memory_space<hbm>>
      %dma_start3A_44 = arith.constant 0 : i32
      %dma_start3A_45 = tpu.memref_slice %arg7[%run_scoped3A, %dma_start3A_44, %mul3A_2] : memref<2x513x512xf32, #tpu.memory_space<hbm>> -> memref<1x513x16xf32, #tpu.memory_space<hbm>>
      %dma_start3A_46 = tpu.memref_squeeze %dma_start3A_45 : memref<1x513x16xf32, #tpu.memory_space<hbm>> -> memref<513x16xf32, #tpu.memory_space<hbm>>
      %dma_start3A_47 = arith.constant 0 : i32
      %dma_start3A_48 = arith.constant 0 : i32
      %dma_start3A_49 = tpu.memref_slice %arg10[%dma_start3A_47, %dma_start3A_48] : memref<1024x16xf32, #tpu.memory_space<vmem>> -> memref<513x16xf32, #tpu.memory_space<vmem>>
      tpu.enqueue_dma source(%dma_start3A_49 : memref<513x16xf32, #tpu.memory_space<vmem>>) target(%dma_start3A_46 : memref<513x16xf32, #tpu.memory_space<hbm>>) target_semaphore(%run_scoped3A_37 : memref<!tpu.dma_semaphore, #tpu.memory_space<semaphore_mem>>)
      %dma_wait3A_50 = arith.constant 0 : i32
      %dma_wait3A_51 = arith.constant 0 : i32
      %dma_wait3A_52 = tpu.memref_slice %arg10[%dma_wait3A_50, %dma_wait3A_51] : memref<1024x16xf32, #tpu.memory_space<vmem>> -> memref<513x16xf32, #tpu.memory_space<vmem>>
      %dma_wait3A_53 = arith.constant 0 : i32
      %dma_wait3A_54 = tpu.memref_slice %arg7[%run_scoped3A, %dma_wait3A_53, %mul3A_2] : memref<2x513x512xf32, #tpu.memory_space<hbm>> -> memref<1x513x16xf32, #tpu.memory_space<hbm>>
      %dma_wait3A_55 = tpu.memref_squeeze %dma_wait3A_54 : memref<1x513x16xf32, #tpu.memory_space<hbm>> -> memref<513x16xf32, #tpu.memory_space<hbm>>
      %dma_wait3A_56 = arith.constant 0 : i32
      %dma_wait3A_57 = tpu.memref_slice %arg7[%run_scoped3A, %dma_wait3A_56, %mul3A_2] : memref<2x513x512xf32, #tpu.memory_space<hbm>> -> memref<1x513x16xf32, #tpu.memory_space<hbm>>
      %dma_wait3A_58 = tpu.memref_squeeze %dma_wait3A_57 : memref<1x513x16xf32, #tpu.memory_space<hbm>> -> memref<513x16xf32, #tpu.memory_space<hbm>>
      %dma_wait3A_59 = arith.constant 0 : i32
      %dma_wait3A_60 = arith.constant 0 : i32
      %dma_wait3A_61 = tpu.memref_slice %arg10[%dma_wait3A_59, %dma_wait3A_60] : memref<1024x16xf32, #tpu.memory_space<vmem>> -> memref<513x16xf32, #tpu.memory_space<vmem>>
      tpu.wait_dma2 semaphore(%run_scoped3A_37 : memref<!tpu.dma_semaphore, #tpu.memory_space<semaphore_mem>>) src(%dma_wait3A_61 : memref<513x16xf32, #tpu.memory_space<vmem>>) dst(%dma_wait3A_58 : memref<513x16xf32, #tpu.memory_space<hbm>>)
      tpu.yield
    }) : () -> ()
    %run_scoped3A_36 = arith.constant 1 : i32
    "tpu.region"() ({
      %run_scoped3A_37 = tpu.sem_alloc : memref<!tpu.dma_semaphore, #tpu.memory_space<semaphore_mem>>
      %dma_start3A_38 = arith.constant 0 : i32
      %dma_start3A_39 = arith.constant 0 : i32
      %dma_start3A_40 = tpu.memref_slice %arg11[%dma_start3A_38, %dma_start3A_39] : memref<1024x16xf32, #tpu.memory_space<vmem>> -> memref<513x16xf32, #tpu.memory_space<vmem>>
      %dma_start3A_41 = arith.constant 0 : i32
      %dma_start3A_42 = tpu.memref_slice %arg7[%run_scoped3A_36, %dma_start3A_41, %mul3A_2] : memref<2x513x512xf32, #tpu.memory_space<hbm>> -> memref<1x513x16xf32, #tpu.memory_space<hbm>>
      %dma_start3A_43 = tpu.memref_squeeze %dma_start3A_42 : memref<1x513x16xf32, #tpu.memory_space<hbm>> -> memref<513x16xf32, #tpu.memory_space<hbm>>
      %dma_start3A_44 = arith.constant 0 : i32
      %dma_start3A_45 = tpu.memref_slice %arg7[%run_scoped3A_36, %dma_start3A_44, %mul3A_2] : memref<2x513x512xf32, #tpu.memory_space<hbm>> -> memref<1x513x16xf32, #tpu.memory_space<hbm>>
      %dma_start3A_46 = tpu.memref_squeeze %dma_start3A_45 : memref<1x513x16xf32, #tpu.memory_space<hbm>> -> memref<513x16xf32, #tpu.memory_space<hbm>>
      %dma_start3A_47 = arith.constant 0 : i32
      %dma_start3A_48 = arith.constant 0 : i32
      %dma_start3A_49 = tpu.memref_slice %arg11[%dma_start3A_47, %dma_start3A_48] : memref<1024x16xf32, #tpu.memory_space<vmem>> -> memref<513x16xf32, #tpu.memory_space<vmem>>
      tpu.enqueue_dma source(%dma_start3A_49 : memref<513x16xf32, #tpu.memory_space<vmem>>) target(%dma_start3A_46 : memref<513x16xf32, #tpu.memory_space<hbm>>) target_semaphore(%run_scoped3A_37 : memref<!tpu.dma_semaphore, #tpu.memory_space<semaphore_mem>>)
      %dma_wait3A_50 = arith.constant 0 : i32
      %dma_wait3A_51 = arith.constant 0 : i32
      %dma_wait3A_52 = tpu.memref_slice %arg11[%dma_wait3A_50, %dma_wait3A_51] : memref<1024x16xf32, #tpu.memory_space<vmem>> -> memref<513x16xf32, #tpu.memory_space<vmem>>
      %dma_wait3A_53 = arith.constant 0 : i32
      %dma_wait3A_54 = tpu.memref_slice %arg7[%run_scoped3A_36, %dma_wait3A_53, %mul3A_2] : memref<2x513x512xf32, #tpu.memory_space<hbm>> -> memref<1x513x16xf32, #tpu.memory_space<hbm>>
      %dma_wait3A_55 = tpu.memref_squeeze %dma_wait3A_54 : memref<1x513x16xf32, #tpu.memory_space<hbm>> -> memref<513x16xf32, #tpu.memory_space<hbm>>
      %dma_wait3A_56 = arith.constant 0 : i32
      %dma_wait3A_57 = tpu.memref_slice %arg7[%run_scoped3A_36, %dma_wait3A_56, %mul3A_2] : memref<2x513x512xf32, #tpu.memory_space<hbm>> -> memref<1x513x16xf32, #tpu.memory_space<hbm>>
      %dma_wait3A_58 = tpu.memref_squeeze %dma_wait3A_57 : memref<1x513x16xf32, #tpu.memory_space<hbm>> -> memref<513x16xf32, #tpu.memory_space<hbm>>
      %dma_wait3A_59 = arith.constant 0 : i32
      %dma_wait3A_60 = arith.constant 0 : i32
      %dma_wait3A_61 = tpu.memref_slice %arg11[%dma_wait3A_59, %dma_wait3A_60] : memref<1024x16xf32, #tpu.memory_space<vmem>> -> memref<513x16xf32, #tpu.memory_space<vmem>>
      tpu.wait_dma2 semaphore(%run_scoped3A_37 : memref<!tpu.dma_semaphore, #tpu.memory_space<semaphore_mem>>) src(%dma_wait3A_61 : memref<513x16xf32, #tpu.memory_space<vmem>>) dst(%dma_wait3A_58 : memref<513x16xf32, #tpu.memory_space<hbm>>)
      tpu.yield
    }) : () -> ()
    return
  }
}

module attributes {stable_mosaic.version = 14 : i64} {
  func.func @_tail_tc(%arg0: memref<520x1024xf32, #tpu.memory_space<vmem>>, %arg1: memref<520x1024xf32, #tpu.memory_space<vmem>>, %arg2: memref<1024x128xf32, #tpu.memory_space<vmem>>, %arg3: memref<520x128xf32, #tpu.memory_space<vmem>>) attributes {dimension_semantics = [], scalar_prefetch = 0 : i64, scratch_operands = 0 : i64, tpu.core_type = #tpu.core_type<tc>} {
    %get3A = arith.constant 0 : index
    %get3A_0 = arith.constant 0 : index
    %get3A_1 = vector.load %arg2[%get3A, %get3A_0] : memref<1024x128xf32, #tpu.memory_space<vmem>>, vector<1024x128xf32>
    %get3A_2 = arith.constant 0 : index
    %get3A_3 = arith.constant 0 : index
    %get3A_4 = vector.load %arg0[%get3A_2, %get3A_3] : memref<520x1024xf32, #tpu.memory_space<vmem>>, vector<520x1024xf32>
    %dot_general3A = arith.constant dense<0.000000e+00> : vector<520x128xf32>
    %dot_general3A_5 = tpu.matmul %get3A_4, %get3A_1, %dot_general3A {dimension_numbers = #tpu.dot_dimension_numbers<[1], [0], [0], [1], [0, 0, 1, 1], [], []>, transpose_lhs_hint = false} : vector<520x1024xf32>, vector<1024x128xf32>, vector<520x128xf32> -> vector<520x128xf32>
    %get3A_6 = arith.constant 0 : index
    %get3A_7 = arith.constant 0 : index
    %get3A_8 = vector.load %arg1[%get3A_6, %get3A_7] : memref<520x1024xf32, #tpu.memory_space<vmem>>, vector<520x1024xf32>
    %slice3A = vector.extract_strided_slice %get3A_1 {offsets = [0, 1], sizes = [1024, 127], strides = [1, 1]} : vector<1024x128xf32> to vector<1024x127xf32>
    %slice3A_9 = vector.extract_strided_slice %get3A_1 {offsets = [0, 0], sizes = [1024, 1], strides = [1, 1]} : vector<1024x128xf32> to vector<1024x1xf32>
    %concatenate3A = tpu.concatenate %slice3A, %slice3A_9 in 1 : vector<1024x127xf32>, vector<1024x1xf32> -> vector<1024x128xf32>
    %dot_general3A_10 = arith.constant dense<0.000000e+00> : vector<520x128xf32>
    %dot_general3A_11 = tpu.matmul %get3A_8, %concatenate3A, %dot_general3A_10 {dimension_numbers = #tpu.dot_dimension_numbers<[1], [0], [0], [1], [0, 0, 1, 1], [], []>, transpose_lhs_hint = false} : vector<520x1024xf32>, vector<1024x128xf32>, vector<520x128xf32> -> vector<520x128xf32>
    %add3A = arith.addf %dot_general3A_5, %dot_general3A_11 : vector<520x128xf32>
    %swap3A = arith.constant 0 : index
    %swap3A_12 = arith.constant 0 : index
    %swap3A_13 = vector.load %arg3[%swap3A, %swap3A_12] : memref<520x128xf32, #tpu.memory_space<vmem>>, vector<520x128xf32>
    tpu.vector_store %arg3[%swap3A, %swap3A_12], %add3A {strides = array<i32>} : memref<520x128xf32, #tpu.memory_space<vmem>>, vector<520x128xf32>,
    return
  }
}

</mosaic_0001>

<sc_bundles>
// kernel: kernel.4.cloned.1.call-start
scs
__scs_entry_jumppad:
0x0: {  	(pc) =	sbr.rel $0x88, $3  }
0x1: {  	(tag) =	ssettag $0x0;
	lr =	simm.s32 $0x1  }
0x2: {  	[smem:$0x3FA0] =	sst lr;
	_ =	strace $0xD0000000  }
0x3: {  	_ = 	snop  }
0x4: {  	_ = 	snop  }
0x5: {  	_ = 	snop  }
0x6: {  	_ = 	snop  }
0x7: {  	_ = 	snop  }
__scs_overlays_trampoline_lowered:
0x8: {  	[smem:$0x3FAF] =	sst s0  }
0x9: {  	[smem:$0x3FB0] =	sst s1  }
0xa: {  	[smem:$0x3FB1] =	sst s2  }
0xb: {  	[smem:$0x3FB2] =	sst s3  }
0xc: {  	[smem:$0x3FB3] =	sst s4  }
0xd: {  	[smem:$0x3FB4] =	sst s5  }
0xe: {  	[smem:$0x3FB5] =	sst s6  }
0xf: {  	[smem:$0x3FB6] =	sst s7  }
0x10: {  	[smem:$0x3FB7] =	sst s8  }
0x11: {  	[smem:$0x3FB8] =	sst s9;
	s0 =	simm.s32 @!p0 $0x0  }
0x12: {  	s1 =	sld [smem:$0x3F9E];
	s0 =	simm.s32 @p0 $0x1  }
0x13: {  	[smem:$0x3FB9] =	sst s0;
	s0 =	simm.s32 @!p1 $0x0  }
0x14: {  	s2 =	sld [smem:$0x3F9D];
	s0 =	simm.s32 @p1 $0x1  }
0x15: {  	[smem:$0x3FBA] =	sst s0;
	s0 =	simm.s32 @!p2 $0x0  }
0x16: {  	s3 =	sld [smem:$0x3FDB];
	s0 =	simm.s32 @p2 $0x1  }
0x17: {  	s4 =	simm.s32 $0x1BF5;
	[smem:$0x3FBC] =	sst s0  }
0x18: {  	s0 =	sld [smem:$0x3F9F];
	_ =	swait.ge [sflag:s4], $0x0  }
0x19: {  	s7 =	sld [smem:$0x3FA0]  }
0x1a: {  	s8 =	sadd.s32 $0xFFFFE003, lr  }
0x1b: {  	s9 =	sadd.s32 $0xFFFFFEF7, lr;
	s5 =	simm.s32 $0xFFFFFFFF;
	p2 =	slt.u32 s8, $0xFFFFF086  }
0x1c: {  	p1 =	slt.u32 s9, $0xF7A;
	s5 =	simm.s32 @!p2 $0x0  }
0x1d: {  	s5 =	simm.s32 @p1 $0x1;
	p0 =	seq.s32 s7, s2  }
0x1e: {  	s7 =	smul.u32 @!p0 $0xF7A, s2;
	p2 =	seq.s32 @!p0 s5, $0x0  }
0x1f: {  	s9 =	smul.u32 $0xF7A, s1;
	s8 =	simm.s32 @!p0 $0x1BF5;
	p2 =	por !p2, p0  }
0x20: {  	[sflag:s8] =	ssyncset.s32 @!p0 $0xFFFFF086;
	s6 =	sadd.s32 @!p0 s3, s7;
	s7 =	simm.s32 @!p0 $0x108  }
0x21: {  	s3 =	sadd.s32 s3, s9;
	s6 =	sadd.s32 @!p0 $0x88, s6;
	s7 =	simm.s32 @p2 $0x1082  }
0x22: {  	[simem:s7], [sflag:s8] =	dma.local @!p0 [hbm:s6], $0xF7A  }
0x23: {  	s9 =	sor.u32 $0xD0000000, s2;
	s6 =	simm.s32 $0x108;
	_ =	swait.ge @!p0 [sflag:s8], $0x0  }
0x24: {  	s3 =	sadd.s32 $0x88, s3;
	s6 =	simm.s32 @!p1 $0x1082;
	[sflag:s4] =	ssyncset.s32 $0xFFFFF086  }
0x25: {  	[simem:s6], [sflag:s4] =	dma.local [hbm:s3], $0xF7A  }
0x26: {  	[smem:$0x3FA0] =	sst s1;
	(tag) =	ssettag s2;
	_ =	strace s9  }
0x27: {  	s1 =	sld [smem:$0x3FB0]  }
0x28: {  	s2 =	sld [smem:$0x3FB1]  }
0x29: {  	s4 =	sld [smem:$0x3FB3]  }
0x2a: {  	p0 =	seq.s32 s5, $0x0;
	s5 =	sld [smem:$0x3FB4]  }
0x2b: {  	s6 =	sld [smem:$0x3FB5]  }
0x2c: {  	s7 =	sld [smem:$0x3FB6]  }
0x2d: {  	s3 =	simm.s32 $0x108;
	s8 =	sld [smem:$0x3FB7]  }
0x2e: {  	s3 =	simm.s32 @!p0 $0x1082;
	s9 =	sld [smem:$0x3FB8]  }
0x2f: {  	lr =	sadd.s32 s0, s3;
	s0 =	sld [smem:$0x3FAF]  }
0x30: {  	s3 =	sld [smem:$0x3FB2]  }
0x31: {  	[smem:$0x3FBB] =	sst s10  }
0x32: {  	s10 =	sld [smem:$0x3FB9];
	_ =	sdelay $0x3  }
0x33: {  	p0 =	seq.s32 s10, $0x1;
	s10 =	sld [smem:$0x3FBB];
	_ =	sdelay $0x3  }
0x34: {  	[smem:$0x3FBB] =	sst s10  }
0x35: {  	s10 =	sld [smem:$0x3FBA];
	_ =	sdelay $0x3  }
0x36: {  	p1 =	seq.s32 s10, $0x1;
	s10 =	sld [smem:$0x3FBB];
	_ =	sdelay $0x3  }
0x37: {  	[smem:$0x3FBB] =	sst s10  }
0x38: {  	s10 =	sld [smem:$0x3FBC]  }
0x39: {  	_ = 	snop;
	(pc) =	sbr.ind lr, $3  }
0x3a: {  	_ = 	snop  }
0x3b: {  	_ = 	snop  }
0x3c: {  	p2 =	seq.s32 s10, $0x1;
	s10 =	sld [smem:$0x3FBB]  }
0x3d: {  	_ =	shalt  }
0x3e: {  	_ =	shalt  }
0x3f: {  	_ =	shalt  }
0x40: {  	_ =	shalt  }
0x41: {  	_ =	shalt  }
0x42: {  	_ =	shalt  }
0x43: {  	_ =	shalt  }
0x44: {  	_ =	shalt  }
0x45: {  	_ =	shalt  }
0x46: {  	_ =	shalt  }
0x47: {  	_ =	shalt  }
0x48: {  	_ =	shalt  }
0x49: {  	_ =	shalt  }
0x4a: {  	_ =	shalt  }
0x4b: {  	_ =	shalt  }
0x4c: {  	_ =	shalt  }
0x4d: {  	_ =	shalt  }
0x4e: {  	_ =	shalt  }
0x4f: {  	_ =	shalt  }
0x50: {  	_ =	shalt  }
0x51: {  	_ =	shalt  }
0x52: {  	_ =	shalt  }
0x53: {  	_ =	shalt  }
0x54: {  	_ =	shalt  }
0x55: {  	_ =	shalt  }
0x56: {  	_ =	shalt  }
0x57: {  	_ =	shalt  }
0x58: {  	_ =	shalt  }
0x59: {  	_ =	shalt  }
0x5a: {  	_ =	shalt  }
0x5b: {  	_ =	shalt  }
0x5c: {  	_ =	shalt  }
0x5d: {  	_ =	shalt  }
0x5e: {  	_ =	shalt  }
0x5f: {  	_ =	shalt  }
0x60: {  	_ =	shalt  }
0x61: {  	_ =	shalt  }
0x62: {  	_ =	shalt  }
0x63: {  	_ =	shalt  }
0x64: {  	_ =	shalt  }
0x65: {  	_ =	shalt  }
0x66: {  	_ =	shalt  }
0x67: {  	_ =	shalt  }
0x68: {  	_ =	shalt  }
0x69: {  	_ =	shalt  }
0x6a: {  	_ =	shalt  }
0x6b: {  	_ =	shalt  }
0x6c: {  	_ =	shalt  }
0x6d: {  	_ =	shalt  }
0x6e: {  	_ =	shalt  }
0x6f: {  	_ =	shalt  }
0x70: {  	_ =	shalt  }
0x71: {  	_ =	shalt  }
0x72: {  	_ =	shalt  }
0x73: {  	_ =	shalt  }
0x74: {  	_ =	shalt  }
0x75: {  	_ =	shalt  }
0x76: {  	_ =	shalt  }
0x77: {  	_ =	shalt  }
0x78: {  	_ =	shalt  }
0x79: {  	_ =	shalt  }
0x7a: {  	_ =	shalt  }
0x7b: {  	_ =	shalt  }
0x7c: {  	_ =	shalt  }
0x7d: {  	_ =	shalt  }
0x7e: {  	_ =	shalt  }
0x7f: {  	_ =	shalt  }
0x80: {  	_ =	shalt  }
0x81: {  	_ =	shalt  }
0x82: {  	_ =	shalt  }
0x83: {  	_ =	shalt  }
0x84: {  	_ =	shalt  }
0x85: {  	_ =	shalt  }
0x86: {  	_ =	shalt  }
0x87: {  	_ =	shalt  }
.Lfunc_end0:
.L_simem_size_0:
called_computation_lowered:
.L_overlay_start_0:
0x88: {  	s2 =	sld [smem:$0x3FD9]  }
0x89: {  	s3 =	sld [smem:$0x3FFE];
	_ =	sdelay $0x1  }
0x8a: {  	s1 =	srdreg.scid  }
0x8b: {  	s0 =	sand.u32 $0x1, s1  }
0x8c: {  	s17 =	sshll.u32 s0, $0xA;
	s2 =	sadd.s32 s3, s2  }
0x8d: {  	s2 =	sadd.s32 s2, s17  }
0x8e: {  	[smem:$0x3FC7] =	sst s2  }
0x8f: {  	_ = 	snop  }
0x90: {  	s2 =	sld [smem:$0x3FD0];
	(tm) =	ssettm $0x1  }
0x91: {  	s18 =	sld [smem:$0x3FFB];
	_ =	sdelay $0x3  }
0x92: {  	_ =	strace s18  }
0x93: {  	s3 =	sld [smem:$0x3FFC];
	_ =	sdelay $0x3  }
0x94: {  	_ =	strace s3  }
0x95: {  	s3 =	sld [smem:$0x3FFD];
	_ =	sdelay $0x3  }
0x96: {  	_ =	strace s3  }
0x97: {  	_ =	strace $0x8FFFFFFF  }
0x98: {  	s19 =	sld [smem:$0x3FDB];
	_ =	sdelay $0x1  }
0x99: {  	s4 =	simm.s32 $_scs_section_size  }
0x9a: {  	s5 =	simm.s32 $_size__tile_overlayer_lowered;
	s6 =	simm.s32 $_tile_overlayer_lowered  }
0x9b: {  	s22 =	simm.s32 $0x1BFF;
	s21 =	sshll.u32 s6, $0x1;
	s3 =	sadd.s32 s4, s19  }
0x9c: {  	s7 =	simm.s32 $0x0;
	s20 =	sshll.u32 s5, $0x1;
	s5 =	sadd.s32 s21, s3  }
0x9d: {  	[timem:s7], [sflag:s22] =	dma.local [hbm:s5], s20  }
0x9e: {  	_ =	swait.ge [sflag:s22], s20  }
0x9f: {  	s4 =	ssub.s32 $0x0, s20;
	[sflag:s22] =	ssyncset.done $0x0  }
0xa0: {  	[sflag:s22] =	ssyncadd.s32 s4;
	_ =	sdelay $0x1  }
0xa1: {  	s23 =	simm.s32 $0x1B8B  }
0xa2: {  	_ =	swait.ge [sflag:s23], $0x1  }
0xa3: {  	[sflag:s23] =	ssyncset.done $0x0  }
0xa4: {  	s25 =	simm.s32 $0x1B8E;
	s24 =	sld [smem:$0x3FFE];
	[sflag:s23] =	ssyncadd.s32 $0xFFFFFFFF  }
0xa5: {  	s26 =	simm.s32 $execute0_lowered;
	[smem:$0x3FD2] =	sst s25  }
0xa6: {  	s5 =	sshll.u32 s26, $0x1;
	_ =	strace $0x80000046;
	[dreg:$0x1] =	wrdreg $0xFFFFFFFF  }
0xa7: {  	s28 =	simm.s32 $_size_execute0_lowered;
	s3 =	sadd.s32 s3, s5;
	[dreg:$0x0] =	wrdreg $0x0  }
0xa8: {  	s5 =	sshll.u32 s28, $0x1;
	[dreg:$0x2] =	wrdreg s3  }
0xa9: {  	[dreg:$0x3] =	wrdreg s5  }
0xaa: {  	[dreg:$0x4] =	wrdreg $0xC0  }
0xab: {  	_ =	task [dreg:s7], $0x5FFFF  }
0xac: {  	[dreg:$0x1] =	wrdreg $0xFFFFFFFF  }
0xad: {  	[dreg:$0x0] =	wrdreg $0x60  }
0xae: {  	[dreg:$0x2] =	wrdreg s24  }
0xaf: {  	[dreg:$0x3] =	wrdreg s2  }
0xb0: {  	[dreg:$0x4] =	wrdreg $0x9  }
0xb1: {  	_ =	task.clear_ibuf [dreg:s7], $0x5FFFF;
	_ =	strace $0x90000046  }
0xb2: {  	s29 =	simm.s32 $0x9;
	_ =	strace $0x80000048  }
0xb3: {  	_ =	swait.ge [sflag:s29], $0x1  }
0xb4: {  	[sflag:s29] =	ssyncadd.s32 $0xFFFFFFFF  }
0xb5: {  	_ =	strace $0x90000048  }
0xb6: {  	_ =	sfence  }
0xb7: {  	s30 =	sld [smem:$0x0];
	_ =	sdelay $0x2  }
0xb8: {  	s31 =	sshll.u32 s1, $0xD;
	s1 =	sshrl.u32 s1, $0x2  }
0xb9: {  	s3 =	sand.u32 $0x4000, s31;
	s1 =	sadd.s32 s1, s30  }
0xba: {  	s0 =	sor.u32 s3, s0;
	s1 =	sshll.u32 s1, $0x11  }
0xbb: {  	s0 =	sor.u32 s1, s0  }
0xbc: {  	s0 =	sadd.s32 $0x8F2B, s0  }
0xbd: {  	[sflag:s0] =	ssyncadd.remote.s32 $0x1  }
0xbe: {  	_ =	sfence.sel $0xFFFF  }
0xbf: {  	[dreg:$0x0] =	wrdreg $0xFFFFFFFF;
	(pc) =	sbr.abs _section_cstart, $3  }
0xc0: {  	[dreg:$0x1] =	wrdreg $0xFFFFFFFF  }
0xc1: {  	_ =	task.clear_ibuf [dreg:s7], $0x2FFFF;
	_ =	strace $0x9FFFFFFF  }
0xc2: {  	(tm) =	ssettm $0x7FFFFFFF  }
0xc3: {  	_ =	shalt  }
tec
execute0_lowered:
.L_overlay_start_1:
0x0: {  	(tag) =	ssettag $0x1  }
0x1: {  	s0 =	rddreg [dreg:$0x0]  }
0x2: {  	s1 =	srdreg.scid;
	s2 =	stileid.u32  }
0x3: {  	s8 =	rddreg [dreg:$0x1];
	s13 =	simm.s32 $0xE600;
	s14 =	simm.s32 $0x12600  }
0x4: {  	s15 =	simm.s32 $0x16600;
	s16 =	simm.s32 $0x1300;
	s17 =	simm.s32 $0x1  }
0x5: {  	s18 =	simm.s32 $0x10;
	s19 =	simm.s32 $0x200;
	s20 =	simm.s32 $0x2600  }
0x6: {  	s21 =	simm.s32 $0x2;
	s22 =	simm.s32 $0x6600;
	s23 =	simm.s32 $0x0  }
0x7: {  	s1 =	sand.u32 $0x1, s1;
	s3 =	sshll.u32 s2, $0x1;
	s2 =	simm.s32 $0x0  }
0x8: {  	s4 =	sadd.s32 $0xA00, s0;
	s5 =	sadd.s32 $0x1200, s0;
	s6 =	sadd.s32 $0x1A00, s0  }
0x9: {  	s7 =	sor.u32 s1, s3;
	[smem:$0x7FF] =	sst s2;
	s1 =	ssub.s32 $0x2, s1  }
0xa: {  	s3 =	sshll.u32 s7, $0x9;
	_ =	strace $0x80000047;
	s31 =	sshrl.u32 s1, $0x1  }
0xb: {  	s10 =	sshll.u32 s7, $0x1;
	s9 =	sadd.s32 s3, s0;
	s3 =	sadd.s32 $0x200, s0  }
0xc: {  	s0 =	ssub.s32 s1, s31;
	s8 =	sadd.s32 s8, s10;
	s7 =	sadd.s32 $0x2200, s9  }
0xd: {  	s9 =	sadd.s32 $0x6280, s9;
	s10 =	sadd.s32 $0x8040, s8;
	s11 =	smax.u32 s0, $0x1  }
.LBB2_1:
0xe: {  	s0 =	simm.s32 $0xA600  }
0xf: {  	[tilespmem:s0], [sflag:$0x1] =	stream.linear.gather [hbm4b:s3+s2], $0x4000, $0x38;
	[tilespmem:$0x1A600] =	vst v63  }
0x10: {  	_ = 	snop  }
0x11: {  	[tilespmem:s13], [sflag:$0x1] =	stream.linear.gather [hbm4b:s4+s2], $0x4000, $0x38;
	[tilespmem:$0x1A600] =	vst v63  }
0x12: {  	_ = 	snop  }
0x13: {  	[tilespmem:s14], [sflag:$0x1] =	stream.linear.gather [hbm4b:s5+s2], $0x4000, $0x38;
	[tilespmem:$0x1A600] =	vst v63  }
0x14: {  	_ = 	snop  }
0x15: {  	[tilespmem:s15], [sflag:$0x1] =	stream.linear.gather [hbm4b:s6+s2], $0x4000, $0x38;
	[tilespmem:$0x1A600] =	vst v63  }
0x16: {  	_ = 	snop  }
0x17: {  	[tilespmem:s2], [sflag:$0x1] =	stream.linear.gather [hbm4b:s7+s2], $0x1300, $0x38;
	[tilespmem:$0x1A600] =	vst v63  }
0x18: {  	_ = 	snop  }
0x19: {  	[tilespmem:s16], [sflag:$0x1] =	stream.linear.gather [hbm4b:s9+s2], $0x1300, $0x38;
	[tilespmem:$0x1A600] =	vst v63  }
0x1a: {  	_ =	swait.ge [sflag:s17], $0x4000  }
0x1b: {  	[sflag:s17] =	ssyncset.done $0x0  }
0x1c: {  	[sflag:s17] =	ssyncadd.s32 $0xFFFFC000  }
0x1d: {  	_ =	swait.ge [sflag:s17], $0x4000  }
0x1e: {  	[sflag:s17] =	ssyncset.done $0x0  }
0x1f: {  	[sflag:s17] =	ssyncadd.s32 $0xFFFFC000  }
0x20: {  	_ =	swait.ge [sflag:s17], $0x4000  }
0x21: {  	[sflag:s17] =	ssyncset.done $0x0  }
0x22: {  	[sflag:s17] =	ssyncadd.s32 $0xFFFFC000  }
0x23: {  	_ =	swait.ge [sflag:s17], $0x4000  }
0x24: {  	[sflag:s17] =	ssyncset.done $0x0  }
0x25: {  	[sflag:s17] =	ssyncadd.s32 $0xFFFFC000  }
0x26: {  	_ =	swait.ge [sflag:s17], $0x1300  }
0x27: {  	[sflag:s17] =	ssyncset.done $0x0  }
0x28: {  	[sflag:s17] =	ssyncadd.s32 $0xFFFFED00  }
0x29: {  	_ =	swait.ge [sflag:s17], $0x1300  }
0x2a: {  	[sflag:s17] =	ssyncset.done $0x0  }
0x2b: {  	s31 =	simm.s32 $0xE680;
	[sflag:s17] =	ssyncadd.s32 $0xFFFFED00  }
0x2c: {  	v0 =	vld [tilespmem:s31+$0x0]  }
0x2d: {  	v1 =	vld [tilespmem:s31+$0x10]  }
0x2e: {  	v2 =	vld [tilespmem:s31+$0x20]  }
0x2f: {  	v3 =	vld [tilespmem:s31+$0x30]  }
0x30: {  	v4 =	vld [tilespmem:s31+$0x40]  }
0x31: {  	v5 =	vld [tilespmem:s31+$0x50]  }
0x32: {  	v6 =	vld [tilespmem:s31+$0x60]  }
0x33: {  	s25 =	simm.s32 $0xA680;
	v7 =	vld [tilespmem:s31+$0x70]  }
0x34: {  	v8 =	vld [tilespmem:s25+$0x0]  }
0x35: {  	v9 =	vld [tilespmem:s25+$0x10]  }
0x36: {  	v10 =	vld [tilespmem:s25+$0x20]  }
0x37: {  	v11 =	vld [tilespmem:s25+$0x30]  }
0x38: {  	v12 =	vld [tilespmem:s25+$0x40]  }
0x39: {  	v13 =	vld [tilespmem:s25+$0x50]  }
0x3a: {  	v14 =	vld [tilespmem:s25+$0x60]  }
0x3b: {  	v15 =	vld [tilespmem:s25+$0x70]  }
0x3c: {  	v23 =	vld [tilespmem:s25+$0xFFFFFFB0]  }
0x3d: {  	v16 =	vld.idx.msk [tilespmem:v8+s2+$0x0], $0xffff  }
0x3e: {  	v8 =	vld.idx.msk [tilespmem:v8+s16+$0x0], $0xffff  }
0x3f: {  	v17 =	vld.idx.msk [tilespmem:v9+s2+$0x0], $0xffff  }
0x40: {  	v9 =	vld.idx.msk [tilespmem:v9+s16+$0x0], $0xffff  }
0x41: {  	v18 =	vld.idx.msk [tilespmem:v10+s2+$0x0], $0xffff  }
0x42: {  	v10 =	vld.idx.msk [tilespmem:v10+s16+$0x0], $0xffff  }
0x43: {  	v19 =	vld.idx.msk [tilespmem:v11+s2+$0x0], $0xffff  }
0x44: {  	v11 =	vld.idx.msk [tilespmem:v11+s16+$0x0], $0xffff  }
0x45: {  	v20 =	vld.idx.msk [tilespmem:v12+s2+$0x0], $0xffff  }
0x46: {  	v12 =	vld.idx.msk [tilespmem:v12+s16+$0x0], $0xffff  }
0x47: {  	v21 =	vld.idx.msk [tilespmem:v13+s2+$0x0], $0xffff  }
0x48: {  	v13 =	vld.idx.msk [tilespmem:v13+s16+$0x0], $0xffff;
	v16 =	vmul.f32 v16, v0;
	v0 =	vmul.f32 v8, v0  }
0x49: {  	v8 =	vld.idx.msk [tilespmem:v14+s2+$0x0], $0xffff;
	v17 =	vmul.f32 v17, v1;
	v1 =	vmul.f32 v9, v1  }
0x4a: {  	v9 =	vld.idx.msk [tilespmem:v14+s16+$0x0], $0xffff;
	v14 =	vmul.f32 v18, v2;
	v2 =	vmul.f32 v10, v2  }
0x4b: {  	v25 =	vld [tilespmem:s25+$0xFFFFFF80];
	v18 =	vmul.f32 v19, v3;
	v3 =	vmul.f32 v11, v3  }
0x4c: {  	v10 =	vld.idx.msk [tilespmem:v15+s2+$0x0], $0xffff;
	v19 =	vmul.f32 v20, v4;
	v4 =	vmul.f32 v12, v4  }
0x4d: {  	v11 =	vld.idx.msk [tilespmem:v15+s16+$0x0], $0xffff;
	v20 =	vmul.f32 v21, v5;
	v5 =	vmul.f32 v13, v5;
	v21 =	vadd.f32 v17, v16  }
0x4e: {  	v36 =	vld [tilespmem:s31+$0xFFFFFFC0];
	v16 =	vsub.f32 v16, v17;
	v22 =	vadd.f32 v18, v14  }
0x4f: {  	v15 =	vld [tilespmem:s25+$0xFFFFFFC0];
	v14 =	vsub.f32 v14, v18;
	v24 =	vadd.f32 v5, v4  }
0x50: {  	v38 =	vld [tilespmem:s31+$0xFFFFFFE0];
	v4 =	vsub.f32 v4, v5;
	v8 =	vmul.f32 v8, v6;
	v6 =	vmul.f32 v9, v6  }
0x51: {  	v12 =	vld [tilespmem:s25+$0xFFFFFFD0];
	v9 =	vadd.f32 v1, v0;
	v0 =	vsub.f32 v0, v1;
	v10 =	vmul.f32 v10, v7  }
0x52: {  	v13 =	vld [tilespmem:s25+$0xFFFFFFE0];
	v7 =	vmul.f32 v11, v7;
	v11 =	vadd.f32 v3, v2;
	v3 =	vsub.f32 v2, v3  }
0x53: {  	v39 =	vld [tilespmem:s31+$0xFFFFFFF0];
	v2 =	vadd.f32 v20, v19;
	v19 =	vsub.f32 v19, v20  }
0x54: {  	v17 =	vld [tilespmem:s25+$0xFFFFFFF0];
	v20 =	vsub.f32 v21, v22;
	v26 =	vadd.f32 v10, v8  }
0x55: {  	v18 =	vld [tilespmem:s25+$0xFFFFFFA0];
	v27 =	vadd.f32 v7, v6;
	v8 =	vsub.f32 v8, v10  }
0x56: {  	v1 =	vld [tilespmem:s25+$0xFFFFFF90];
	v6 =	vsub.f32 v6, v7;
	v10 =	vadd.f32 v22, v21  }
0x57: {  	v22 =	vadd.f32 v11, v9;
	v29 =	vsub.f32 v9, v11;
	v28 =	vld.idx.msk [tilespmem:v15+s2+$0x0], $0xffff  }
0x58: {  	v31 =	vadd.f32 v3, v16;
	v32 =	vsub.f32 v0, v14;
	v5 =	vld.idx.msk [tilespmem:v15+s16+$0x0], $0xffff  }
0x59: {  	v41 =	vsub.f32 v16, v3;
	v7 =	vld.idx.msk [tilespmem:v12+s2+$0x0], $0xffff;
	v15 =	vadd.f32 v14, v0  }
0x5a: {  	v30 =	vld.idx.msk [tilespmem:v13+s2+$0x0], $0xffff;
	v9 =	vadd.f32 v6, v19;
	v11 =	vsub.f32 v4, v8  }
0x5b: {  	v33 =	vld.idx.msk [tilespmem:v13+s16+$0x0], $0xffff;
	v13 =	vadd.f32 v26, v2;
	v26 =	vsub.f32 v2, v26  }
0x5c: {  	v6 =	vsub.f32 v19, v6;
	v34 =	vld.idx.msk [tilespmem:v17+s2+$0x0], $0xffff;
	v2 =	vadd.f32 v9, v11  }
0x5d: {  	v35 =	vld.idx.msk [tilespmem:v17+s16+$0x0], $0xffff;
	v17 =	vadd.f32 v27, v24;
	v9 =	vsub.f32 v11, v9  }
0x5e: {  	v21 =	vld.idx.msk [tilespmem:v12+s16+$0x0], $0xffff;
	v4 =	vadd.f32 v8, v4;
	v8 =	vadd.f32 v13, v10;
	v37 =	vmul.f32 $7.071067690e-01, v2  }
0x5f: {  	s28 =	simm.s32 $0x2680;
	v14 =	vld.idx.msk [tilespmem:v23+s16+$0x0], $0xffff;
	v27 =	vsub.f32 v24, v27;
	v11 =	vadd.f32 v17, v22;
	v24 =	vmul.f32 $7.071067690e-01, v9  }
0x60: {  	s29 =	simm.s32 $0x6680;
	v19 =	vld [tilespmem:s31+$0xFFFFFFD0];
	v12 =	vsub.f32 v4, v6;
	[tilespmem:s28+$0x0] =	vst v8;
	v9 =	vadd.f32 v37, v31  }
0x61: {  	v40 =	vadd.f32 v6, v4;
	v4 =	vld.idx.msk [tilespmem:v25+s16+$0x0], $0xffff;
	[tilespmem:s29+$0x0] =	vst v11;
	v8 =	vadd.f32 v24, v32  }
0x62: {  	v10 =	vsub.f32 v10, v13;
	v13 =	vld.idx.msk [tilespmem:v23+s2+$0x0], $0xffff;
	v3 =	vadd.f32 v27, v20;
	v42 =	vmul.f32 $7.071067690e-01, v12;
	[tilespmem:s28+$0x10] =	vst v9  }
0x63: {  	v0 =	vsub.f32 v29, v26;
	v6 =	vld.idx.msk [tilespmem:v1+s2+$0x0], $0xffff;
	v16 =	vmul.f32 $-7.071067690e-01, v40;
	[tilespmem:s29+$0x10] =	vst v8  }
0x64: {  	v8 =	vld.idx.msk [tilespmem:v1+s16+$0x0], $0xffff;
	v1 =	vadd.f32 v42, v41;
	[tilespmem:s28+$0x20] =	vst v3  }
0x65: {  	v2 =	vld.idx.msk [tilespmem:v25+s2+$0x0], $0xffff;
	v3 =	vadd.f32 v16, v15;
	[tilespmem:s29+$0x20] =	vst v0  }
0x66: {  	v27 =	vsub.f32 v20, v27;
	v12 =	vld.idx.msk [tilespmem:v18+s16+$0x0], $0xffff;
	[tilespmem:s28+$0x30] =	vst v1  }
0x67: {  	v11 =	vmul.f32 v28, v36;
	v0 =	vmul.f32 v5, v36;
	v5 =	vsub.f32 v22, v17;
	[tilespmem:s29+$0x30] =	vst v3  }
0x68: {  	v9 =	vld.idx.msk [tilespmem:v18+s2+$0x0], $0xffff;
	v17 =	vmul.f32 v7, v19;
	v22 =	vsub.f32 v31, v37;
	[tilespmem:s28+$0x40] =	vst v10  }
0x69: {  	v23 =	vsub.f32 v41, v42;
	v1 =	vmul.f32 v21, v19;
	v19 =	vld [tilespmem:s31+$0xFFFFFF80];
	v10 =	vsub.f32 v32, v24;
	[tilespmem:s29+$0x40] =	vst v5  }
0x6a: {  	v20 =	vld [tilespmem:s31+$0xFFFFFFA0];
	v7 =	vmul.f32 v34, v39;
	v3 =	vmul.f32 v30, v38;
	v24 =	vsub.f32 v11, v17;
	[tilespmem:s28+$0x50] =	vst v22  }
0x6b: {  	v18 =	vld [tilespmem:s31+$0xFFFFFF90];
	v5 =	vmul.f32 v33, v38;
	v22 =	vadd.f32 v26, v29;
	[tilespmem:s29+$0x50] =	vst v10;
	v10 =	vmul.f32 v35, v39  }
0x6c: {  	s1 =	simm.s32 $0x0;
	s26 =	simm.s32 $0xE780;
	v21 =	vld [tilespmem:s31+$0xFFFFFFB0];
	v25 =	vsub.f32 v0, v1;
	v26 =	vsub.f32 v3, v7;
	[tilespmem:s28+$0x60] =	vst v27  }
.LBB2_2:
0x6d: {  	v27 =	vld [tilespmem:s26+$0x0];
	v28 =	vsub.f32 v5, v10;
	v15 =	vsub.f32 v15, v16;
	[tilespmem:s29+$0x60] =	vst v22  }
0x6e: {  	v16 =	vld [tilespmem:s26+$0x10];
	v22 =	vmul.f32 v2, v19;
	v2 =	vsub.f32 v25, v26;
	v25 =	vadd.f32 v26, v25;
	[tilespmem:s28+$0x70] =	vst v23  }
0x6f: {  	v19 =	vmul.f32 v4, v19;
	v23 =	vld [tilespmem:s26+$0x20];
	v4 =	vadd.f32 v28, v24;
	v24 =	vsub.f32 v24, v28;
	[tilespmem:s29+$0x70] =	vst v15  }
0x70: {  	v11 =	vadd.f32 v17, v11;
	v6 =	vmul.f32 v6, v18;
	v8 =	vmul.f32 v8, v18;
	v15 =	vld [tilespmem:s26+$0x30]  }
0x71: {  	v9 =	vmul.f32 v9, v20;
	v12 =	vmul.f32 v12, v20;
	v17 =	vld [tilespmem:s26+$0x40];
	v18 =	vadd.f32 v4, v2  }
0x72: {  	v13 =	vmul.f32 v13, v21;
	v14 =	vmul.f32 v14, v21;
	v21 =	vsub.f32 v2, v4;
	v20 =	vld [tilespmem:s26+$0x50]  }
0x73: {  	v26 =	vsub.f32 v25, v24;
	v24 =	vadd.f32 v24, v25;
	v4 =	vld [tilespmem:s26+$0x60];
	v18 =	vmul.f32 $7.071067690e-01, v18  }
0x74: {  	s25 =	sadd.s32 $0x100, s25;
	v25 =	vadd.f32 v6, v22;
	v6 =	vsub.f32 v22, v6;
	v21 =	vmul.f32 $7.071067690e-01, v21;
	v2 =	vld [tilespmem:s26+$0x70]  }
0x75: {  	v28 =	vadd.f32 v8, v19;
	v8 =	vsub.f32 v19, v8;
	v19 =	vmul.f32 $7.071067690e-01, v26;
	v22 =	vld [tilespmem:s25+$0x0]  }
0x76: {  	v29 =	vadd.f32 v13, v9;
	v9 =	vsub.f32 v9, v13;
	v13 =	vmul.f32 $-7.071067690e-01, v24;
	v26 =	vld [tilespmem:s25+$0x10]  }
0x77: {  	v30 =	vadd.f32 v14, v12;
	v12 =	vsub.f32 v12, v14;
	v24 =	vld [tilespmem:s25+$0x20]  }
0x78: {  	v0 =	vadd.f32 v1, v0;
	v1 =	vadd.f32 v7, v3;
	v14 =	vld [tilespmem:s25+$0x30]  }
0x79: {  	v5 =	vadd.f32 v10, v5;
	v7 =	vadd.f32 v29, v25;
	v3 =	vld [tilespmem:s25+$0x40]  }
0x7a: {  	v25 =	vsub.f32 v25, v29;
	v29 =	vadd.f32 v30, v28;
	v10 =	vld [tilespmem:s25+$0x50]  }
0x7b: {  	v28 =	vsub.f32 v28, v30;
	v30 =	vadd.f32 v12, v6;
	v31 =	vld [tilespmem:s25+$0x60]  }
0x7c: {  	s24 =	simm.s32 $0x0;
	v6 =	vsub.f32 v6, v12;
	v12 =	vsub.f32 v8, v9;
	v32 =	vld [tilespmem:s25+$0x70]  }
0x7d: {  	v8 =	vadd.f32 v9, v8;
	v9 =	vadd.f32 v1, v11;
	v33 =	vld.idx.msk [tilespmem:v22+s24+$0x0], $0xffff  }
0x7e: {  	v1 =	vsub.f32 v11, v1;
	v11 =	vadd.f32 v5, v0;
	v22 =	vld.idx.msk [tilespmem:v22+s16+$0x0], $0xffff  }
0x7f: {  	v0 =	vsub.f32 v0, v5;
	v5 =	vadd.f32 v18, v30;
	v34 =	vld.idx.msk [tilespmem:v26+s24+$0x0], $0xffff  }
0x80: {  	v18 =	vsub.f32 v30, v18;
	v30 =	vadd.f32 v21, v12;
	v26 =	vld.idx.msk [tilespmem:v26+s16+$0x0], $0xffff  }
0x81: {  	v12 =	vsub.f32 v12, v21;
	v21 =	vadd.f32 v19, v6;
	v35 =	vld.idx.msk [tilespmem:v24+s24+$0x0], $0xffff  }
0x82: {  	v6 =	vsub.f32 v6, v19;
	v19 =	vadd.f32 v13, v8;
	v24 =	vld.idx.msk [tilespmem:v24+s16+$0x0], $0xffff  }
0x83: {  	v37 =	vadd.f32 v9, v7;
	v8 =	vsub.f32 v8, v13;
	v36 =	vld.idx.msk [tilespmem:v14+s24+$0x0], $0xffff  }
0x84: {  	v7 =	vsub.f32 v7, v9;
	v9 =	vadd.f32 v11, v29;
	v13 =	vld.idx.msk [tilespmem:v14+s16+$0x0], $0xffff  }
0x85: {  	v11 =	vsub.f32 v29, v11;
	v29 =	vadd.f32 v0, v25;
	v14 =	vld.idx.msk [tilespmem:v3+s24+$0x0], $0xffff;
	[tilespmem:s28+$0xFFFFFF80] =	vst v37  }
0x86: {  	v0 =	vsub.f32 v25, v0;
	v25 =	vsub.f32 v28, v1;
	v3 =	vld.idx.msk [tilespmem:v3+s16+$0x0], $0xffff;
	[tilespmem:s29+$0xFFFFFF80] =	vst v9  }
0x87: {  	v1 =	vadd.f32 v1, v28;
	v9 =	vld.idx.msk [tilespmem:v10+s24+$0x0], $0xffff;
	[tilespmem:s28+$0xFFFFFF90] =	vst v5  }
0x88: {  	v5 =	vld.idx.msk [tilespmem:v10+s16+$0x0], $0xffff;
	[tilespmem:s29+$0xFFFFFF90] =	vst v30  }
0x89: {  	v22 =	vmul.f32 v22, v27;
	v10 =	vmul.f32 v33, v27;
	v27 =	vld.idx.msk [tilespmem:v31+s24+$0x0], $0xffff;
	[tilespmem:s28+$0xFFFFFFA0] =	vst v29  }
0x8a: {  	v28 =	vmul.f32 v34, v16;
	v16 =	vmul.f32 v26, v16;
	v26 =	vld.idx.msk [tilespmem:v31+s16+$0x0], $0xffff;
	[tilespmem:s29+$0xFFFFFFA0] =	vst v25  }
0x8b: {  	v25 =	vmul.f32 v35, v23;
	v23 =	vmul.f32 v24, v23;
	v24 =	vld.idx.msk [tilespmem:v32+s24+$0x0], $0xffff;
	[tilespmem:s28+$0xFFFFFFB0] =	vst v21  }
0x8c: {  	v13 =	vmul.f32 v13, v15;
	v21 =	vmul.f32 v36, v15;
	v15 =	vld.idx.msk [tilespmem:v32+s16+$0x0], $0xffff;
	[tilespmem:s29+$0xFFFFFFB0] =	vst v19  }
0x8d: {  	v14 =	vmul.f32 v14, v17;
	v3 =	vmul.f32 v3, v17;
	v19 =	vld [tilespmem:s25+$0xFFFFFFC0];
	[tilespmem:s28+$0xFFFFFFC0] =	vst v7  }
0x8e: {  	v9 =	vmul.f32 v9, v20;
	v5 =	vmul.f32 v5, v20;
	v7 =	vld [tilespmem:s25+$0xFFFFFFD0];
	[tilespmem:s29+$0xFFFFFFC0] =	vst v11  }
0x8f: {  	v20 =	vadd.f32 v28, v10;
	v10 =	vsub.f32 v10, v28;
	v17 =	vmul.f32 v27, v4;
	v11 =	vld [tilespmem:s25+$0xFFFFFFE0];
	[tilespmem:s28+$0xFFFFFFD0] =	vst v18  }
0x90: {  	v4 =	vmul.f32 v26, v4;
	v26 =	vadd.f32 v16, v22;
	v16 =	vsub.f32 v22, v16;
	v18 =	vld [tilespmem:s25+$0xFFFFFFF0];
	[tilespmem:s29+$0xFFFFFFD0] =	vst v12  }
0x91: {  	v22 =	vmul.f32 v24, v2;
	v24 =	vadd.f32 v21, v25;
	v21 =	vsub.f32 v25, v21;
	v12 =	vld [tilespmem:s25+$0xFFFFFF90];
	[tilespmem:s28+$0xFFFFFFE0] =	vst v0  }
0x92: {  	v0 =	vmul.f32 v15, v2;
	v2 =	vadd.f32 v13, v23;
	v13 =	vsub.f32 v23, v13;
	v25 =	vld [tilespmem:s25+$0xFFFFFFA0];
	[tilespmem:s29+$0xFFFFFFE0] =	vst v1  }
0x93: {  	v15 =	vadd.f32 v5, v3;
	v1 =	vadd.f32 v9, v14;
	v23 =	vld [tilespmem:s25+$0xFFFFFFB0];
	[tilespmem:s28+$0xFFFFFFF0] =	vst v6  }
0x94: {  	v27 =	vadd.f32 v22, v17;
	v28 =	vadd.f32 v0, v4;
	v6 =	vld [tilespmem:s25+$0xFFFFFF80];
	[tilespmem:s29+$0xFFFFFFF0] =	vst v8  }
0x95: {  	s1 =	sadd.s32 $0x2, s1;
	v3 =	vsub.f32 v3, v5;
	v8 =	vsub.f32 v14, v9;
	v29 =	vld.idx.msk [tilespmem:v19+s24+$0x0], $0xffff  }
0x96: {  	p0 =	slt.u32 s1, $0x7E;
	v0 =	vsub.f32 v4, v0;
	v9 =	vsub.f32 v17, v22;
	v5 =	vld.idx.msk [tilespmem:v19+s16+$0x0], $0xffff  }
0x97: {  	v19 =	vadd.f32 v24, v20;
	v20 =	vsub.f32 v20, v24;
	v14 =	vld.idx.msk [tilespmem:v7+s24+$0x0], $0xffff  }
0x98: {  	v22 =	vadd.f32 v2, v26;
	v26 =	vsub.f32 v26, v2;
	v7 =	vld.idx.msk [tilespmem:v7+s16+$0x0], $0xffff  }
0x99: {  	v31 =	vsub.f32 v16, v21;
	v30 =	vadd.f32 v13, v10;
	v24 =	vld.idx.msk [tilespmem:v11+s24+$0x0], $0xffff  }
0x9a: {  	v2 =	vadd.f32 v0, v8;
	v4 =	vsub.f32 v3, v9;
	v32 =	vld.idx.msk [tilespmem:v11+s16+$0x0], $0xffff  }
0x9b: {  	v34 =	vadd.f32 v27, v1;
	v27 =	vsub.f32 v1, v27;
	v33 =	vld.idx.msk [tilespmem:v18+s24+$0x0], $0xffff  }
0x9c: {  	v1 =	vadd.f32 v2, v4;
	v35 =	vld.idx.msk [tilespmem:v18+s16+$0x0], $0xffff;
	v18 =	vadd.f32 v28, v15  }
0x9d: {  	v0 =	vsub.f32 v8, v0;
	v2 =	vsub.f32 v4, v2;
	v17 =	vld [tilespmem:s26+$0xFFFFFFC0]  }
0x9e: {  	v3 =	vadd.f32 v9, v3;
	v4 =	vadd.f32 v34, v19;
	v37 =	vmul.f32 $7.071067690e-01, v1;
	v36 =	vld [tilespmem:s26+$0xFFFFFFD0]  }
0x9f: {  	s28 =	sadd.s32 $0x100, s28;
	v39 =	vmul.f32 $7.071067690e-01, v2;
	v28 =	vsub.f32 v15, v28;
	v1 =	vadd.f32 v18, v22;
	v38 =	vld [tilespmem:s26+$0xFFFFFFE0]  }
0xa0: {  	s29 =	sadd.s32 $0x100, s29;
	v9 =	vsub.f32 v3, v0;
	v8 =	vadd.f32 v37, v30;
	v40 =	vld [tilespmem:s26+$0xFFFFFFF0];
	[tilespmem:s28+$0x0] =	vst v4  }
0xa1: {  	v0 =	vadd.f32 v0, v3;
	v11 =	vadd.f32 v39, v31;
	v2 =	vld.idx.msk [tilespmem:v6+s24+$0x0], $0xffff;
	[tilespmem:s29+$0x0] =	vst v1  }
0xa2: {  	v41 =	vsub.f32 v10, v13;
	v42 =	vmul.f32 $7.071067690e-01, v9;
	v1 =	vadd.f32 v28, v20;
	v4 =	vld.idx.msk [tilespmem:v6+s16+$0x0], $0xffff;
	[tilespmem:s28+$0x10] =	vst v8  }
0xa3: {  	v3 =	vsub.f32 v26, v27;
	v15 =	vadd.f32 v21, v16;
	v16 =	vmul.f32 $-7.071067690e-01, v0;
	v6 =	vld.idx.msk [tilespmem:v12+s24+$0x0], $0xffff;
	[tilespmem:s29+$0x10] =	vst v11  }
0xa4: {  	v10 =	vadd.f32 v42, v41;
	v11 =	vmul.f32 v29, v17;
	v8 =	vld.idx.msk [tilespmem:v12+s16+$0x0], $0xffff;
	[tilespmem:s28+$0x20] =	vst v1  }
0xa5: {  	v0 =	vmul.f32 v5, v17;
	v5 =	vadd.f32 v16, v15;
	v9 =	vld.idx.msk [tilespmem:v25+s24+$0x0], $0xffff;
	[tilespmem:s29+$0x20] =	vst v3  }
0xa6: {  	v19 =	vsub.f32 v19, v34;
	v17 =	vmul.f32 v14, v36;
	v12 =	vld.idx.msk [tilespmem:v25+s16+$0x0], $0xffff;
	[tilespmem:s28+$0x30] =	vst v10  }
0xa7: {  	v1 =	vmul.f32 v7, v36;
	v10 =	vsub.f32 v22, v18;
	v13 =	vld.idx.msk [tilespmem:v23+s24+$0x0], $0xffff;
	[tilespmem:s29+$0x30] =	vst v5  }
.Ltmp0:
0xa8: {  	v21 =	vsub.f32 v30, v37;
	v3 =	vmul.f32 v24, v38;
	v14 =	vld.idx.msk [tilespmem:v23+s16+$0x0], $0xffff;
	[tilespmem:s28+$0x40] =	vst v19;
	(pc) =	sbr.rel @p0 .LBB2_2-.Ltmp0, $4  }
0xa9: {  	v7 =	vmul.f32 v33, v40;
	v5 =	vmul.f32 v32, v38;
	v23 =	vsub.f32 v31, v39;
	v19 =	vld [tilespmem:s26+$0xFFFFFF80];
	[tilespmem:s29+$0x40] =	vst v10  }
0xaa: {  	v28 =	vsub.f32 v20, v28;
	v24 =	vsub.f32 v11, v17;
	v10 =	vmul.f32 v35, v40;
	v18 =	vld [tilespmem:s26+$0xFFFFFF90];
	[tilespmem:s28+$0x50] =	vst v21  }
0xab: {  	v25 =	vsub.f32 v0, v1;
	v22 =	vadd.f32 v27, v26;
	v20 =	vld [tilespmem:s26+$0xFFFFFFA0];
	[tilespmem:s29+$0x50] =	vst v23  }
0xac: {  	v26 =	vsub.f32 v3, v7;
	v23 =	vsub.f32 v41, v42;
	v21 =	vld [tilespmem:s26+$0xFFFFFFB0];
	[tilespmem:s28+$0x60] =	vst v28;
	s26 =	sadd.s32 $0x100, s26  }
0xad: {  	v27 =	vsub.f32 v5, v10  }
0xae: {  	v15 =	vsub.f32 v15, v16;
	v11 =	vadd.f32 v17, v11  }
0xaf: {  	v0 =	vadd.f32 v1, v0;
	v1 =	vadd.f32 v7, v3  }
0xb0: {  	v3 =	vadd.f32 v10, v5;
	v2 =	vmul.f32 v2, v19;
	v16 =	vsub.f32 v25, v26  }
0xb1: {  	v25 =	vadd.f32 v26, v25;
	v4 =	vmul.f32 v4, v19;
	v19 =	vadd.f32 v27, v24  }
0xb2: {  	v24 =	vsub.f32 v24, v27;
	v6 =	vmul.f32 v6, v18;
	v8 =	vmul.f32 v8, v18  }
0xb3: {  	v10 =	vadd.f32 v1, v11;
	v1 =	vsub.f32 v11, v1;
	v9 =	vmul.f32 v9, v20  }
0xb4: {  	v12 =	vmul.f32 v12, v20;
	v17 =	vadd.f32 v19, v16;
	v16 =	vsub.f32 v16, v19  }
0xb5: {  	v18 =	vsub.f32 v25, v24;
	v13 =	vmul.f32 v13, v21;
	v20 =	vadd.f32 v6, v2  }
0xb6: {  	v14 =	vmul.f32 v14, v21;
	v2 =	vsub.f32 v2, v6;
	v6 =	vadd.f32 v8, v4  }
0xb7: {  	v4 =	vsub.f32 v4, v8;
	v8 =	vadd.f32 v13, v9  }
0xb8: {  	v9 =	vsub.f32 v9, v13;
	v13 =	vadd.f32 v14, v12  }
0xb9: {  	v12 =	vsub.f32 v12, v14;
	v5 =	vadd.f32 v8, v20  }
0xba: {  	v7 =	vsub.f32 v20, v8;
	v8 =	vadd.f32 v13, v6  }
0xbb: {  	[tilespmem:s29+$0x60] =	vst v22;
	v6 =	vsub.f32 v6, v13;
	v13 =	vadd.f32 v3, v0  }
0xbc: {  	[tilespmem:s28+$0x70] =	vst v23;
	v14 =	vmul.f32 $7.071067690e-01, v17;
	v17 =	vadd.f32 v12, v2;
	v20 =	vadd.f32 v10, v5  }
0xbd: {  	[tilespmem:s29+$0x70] =	vst v15;
	v15 =	vmul.f32 $7.071067690e-01, v16;
	v16 =	vsub.f32 v4, v9;
	v21 =	vadd.f32 v13, v8  }
0xbe: {  	v0 =	vsub.f32 v0, v3;
	v3 =	vadd.f32 v14, v17;
	[tilespmem:s28+$0xFFFFFF80] =	vst v20  }
0xbf: {  	v19 =	vadd.f32 v24, v25;
	v11 =	vadd.f32 v15, v16;
	[tilespmem:s29+$0xFFFFFF80] =	vst v21  }
0xc0: {  	v18 =	vmul.f32 $7.071067690e-01, v18;
	v2 =	vsub.f32 v2, v12;
	v12 =	vadd.f32 v0, v7;
	[tilespmem:s28+$0xFFFFFF90] =	vst v3  }
0xc1: {  	v4 =	vadd.f32 v9, v4;
	v9 =	vsub.f32 v6, v1;
	v3 =	vmul.f32 $-7.071067690e-01, v19;
	[tilespmem:s29+$0xFFFFFF90] =	vst v11  }
0xc2: {  	v11 =	vadd.f32 v18, v2;
	[tilespmem:s28+$0xFFFFFFA0] =	vst v12  }
0xc3: {  	v12 =	vadd.f32 v3, v4;
	[tilespmem:s29+$0xFFFFFFA0] =	vst v9  }
0xc4: {  	v5 =	vsub.f32 v5, v10;
	[tilespmem:s28+$0xFFFFFFB0] =	vst v11  }
0xc5: {  	v8 =	vsub.f32 v8, v13;
	[tilespmem:s29+$0xFFFFFFB0] =	vst v12  }
0xc6: {  	v9 =	vsub.f32 v17, v14;
	[tilespmem:s28+$0xFFFFFFC0] =	vst v5  }
0xc7: {  	v5 =	vsub.f32 v16, v15;
	[tilespmem:s29+$0xFFFFFFC0] =	vst v8  }
0xc8: {  	v0 =	vsub.f32 v7, v0;
	[tilespmem:s28+$0xFFFFFFD0] =	vst v9  }
0xc9: {  	v1 =	vadd.f32 v1, v6;
	[tilespmem:s29+$0xFFFFFFD0] =	vst v5  }
0xca: {  	v2 =	vsub.f32 v2, v18;
	[tilespmem:s28+$0xFFFFFFE0] =	vst v0  }
0xcb: {  	s26 =	simm.s32 $0x0;
	v0 =	vsub.f32 v4, v3;
	[tilespmem:s29+$0xFFFFFFE0] =	vst v1  }
0xcc: {  	s1 =	sand.u32 $0x6, s26;
	[tilespmem:s28+$0xFFFFFFF0] =	vst v2  }
0xcd: {  	s0 =	sshll.u32 s1, $0x4;
	[tilespmem:s29+$0xFFFFFFF0] =	vst v0  }
0xce: {  	s25 =	sand.u32 $0x3C0, s24;
	v6 =	vld [tilespmem:s0+$0x12700]  }
0xcf: {  	s1 =	sor.u32 s1, s25;
	v0 =	vld [tilespmem:s0+$0x12680]  }
0xd0: {  	s25 =	sshll.u32 s1, $0x4;
	v1 =	vld [tilespmem:s0+$0x16680]  }
0xd1: {  	v2 =	vld [tilespmem:s25+$0x2690]  }
0xd2: {  	v3 =	vld [tilespmem:s25+$0x2790]  }
0xd3: {  	v4 =	vld [tilespmem:s25+$0x6790]  }
0xd4: {  	v5 =	vld [tilespmem:s25+$0x2990]  }
0xd5: {  	v8 =	vld [tilespmem:s25+$0x6990]  }
0xd6: {  	v9 =	vld [tilespmem:s25+$0x2890]  }
0xd7: {  	v19 =	vld [tilespmem:s25+$0x6690]  }
0xd8: {  	v25 =	vld [tilespmem:s25+$0x2980]  }
0xd9: {  	v27 =	vld [tilespmem:s25+$0x6980];
	v11 =	vmul.f32 v0, v3  }
0xda: {  	v34 =	vld [tilespmem:s0+$0x12670];
	v12 =	vmul.f32 v1, v4;
	v13 =	vmul.f32 v0, v5  }
0xdb: {  	v36 =	vld [tilespmem:s0+$0x16670];
	v17 =	vmul.f32 v1, v8;
	v5 =	vmul.f32 v1, v5  }
0xdc: {  	v10 =	vld [tilespmem:s25+$0x6890];
	v8 =	vmul.f32 v0, v8;
	v3 =	vmul.f32 v1, v3  }
0xdd: {  	v14 =	vld [tilespmem:s25+$0x2710];
	v4 =	vmul.f32 v0, v4;
	v20 =	vmul.f32 v0, v9  }
0xde: {  	v15 =	vld [tilespmem:s25+$0x2910];
	v30 =	vmul.f32 v0, v19;
	v32 =	vmul.f32 v0, v2  }
0xdf: {  	v16 =	vld [tilespmem:s25+$0x6910];
	v19 =	vmul.f32 v1, v19;
	v40 =	vmul.f32 v34, v25  }
0xe0: {  	v39 =	vld [tilespmem:s25+$0x6780];
	v41 =	vmul.f32 v34, v27;
	v27 =	vmul.f32 v36, v27  }
0xe1: {  	v21 =	vld [tilespmem:s25+$0x6710];
	v25 =	vmul.f32 v36, v25;
	v17 =	vsub.f32 v13, v17;
	v22 =	vadd.f32 v5, v8  }
0xe2: {  	v50 =	vld [tilespmem:s25+$0x6680];
	v5 =	vmul.f32 v1, v10;
	v24 =	vsub.f32 v11, v12;
	v26 =	vadd.f32 v3, v4  }
0xe3: {  	v7 =	vld [tilespmem:s0+$0x16700];
	v8 =	vmul.f32 v1, v9;
	v27 =	vsub.f32 v40, v27;
	v25 =	vadd.f32 v25, v41  }
0xe4: {  	v37 =	vld [tilespmem:s25+$0x2900];
	v9 =	vmul.f32 v0, v10;
	v19 =	vsub.f32 v32, v19;
	v10 =	vsub.f32 v15, v17  }
0xe5: {  	v18 =	vld [tilespmem:s25+$0x2810];
	v52 =	vmul.f32 v36, v39;
	v11 =	vsub.f32 v16, v22;
	v20 =	vsub.f32 v20, v5  }
0xe6: {  	v23 =	vld [tilespmem:s25+$0x6810];
	v39 =	vmul.f32 v34, v39;
	v28 =	vadd.f32 v8, v9;
	v12 =	vsub.f32 v14, v24  }
0xe7: {  	v62 =	vmul.f32 v36, v50;
	v13 =	vsub.f32 v21, v26;
	v15 =	vadd.f32 v17, v15  }
0xe8: {  	v51 =	vld [tilespmem:s25+$0x6900];
	v3 =	vmul.f32 v1, v2;
	v16 =	vadd.f32 v22, v16;
	v14 =	vadd.f32 v24, v14  }
0xe9: {  	v21 =	vadd.f32 v26, v21;
	v44 =	vadd.f32 v27, v37;
	v9 =	vmul.f32 v10, v7  }
0xea: {  	v27 =	vsub.f32 v37, v27;
	v29 =	vmul.f32 v11, v6;
	v11 =	vmul.f32 v11, v7  }
0xeb: {  	v17 =	vld [tilespmem:s25+$0x2780];
	v10 =	vmul.f32 v10, v6;
	v31 =	vsub.f32 v18, v20;
	v33 =	vsub.f32 v23, v28  }
0xec: {  	v24 =	vld [tilespmem:s25+$0x6880];
	v0 =	vmul.f32 v13, v7;
	v1 =	vmul.f32 v12, v6;
	v18 =	vadd.f32 v20, v18  }
0xed: {  	v26 =	vld [tilespmem:s0+$0x126F0];
	v22 =	vmul.f32 v15, v6;
	v20 =	vadd.f32 v25, v51;
	v25 =	vsub.f32 v51, v25  }
0xee: {  	v53 =	vld [tilespmem:s0+$0x166F0];
	v49 =	vmul.f32 v16, v7;
	v15 =	vmul.f32 v15, v7;
	v23 =	vadd.f32 v28, v23  }
0xef: {  	v8 =	vld [tilespmem:s25+$0x6610];
	v16 =	vmul.f32 v16, v6;
	v35 =	vsub.f32 v11, v10;
	v29 =	vadd.f32 v29, v9  }
0xf0: {  	v11 =	vadd.f32 v3, v30;
	v3 =	vsub.f32 v0, v1;
	v42 =	vmul.f32 v34, v17  }
0xf1: {  	v46 =	vld [tilespmem:s25+$0x2680];
	v22 =	vsub.f32 v22, v49;
	v17 =	vmul.f32 v36, v17;
	v45 =	vmul.f32 v36, v24  }
0xf2: {  	v4 =	vld [tilespmem:s0+$0x12880];
	v15 =	vadd.f32 v16, v15;
	v55 =	vmul.f32 v44, v26;
	v56 =	vmul.f32 v27, v26  }
0xf3: {  	v5 =	vld [tilespmem:s0+$0x16880];
	v47 =	vmul.f32 v20, v26;
	v57 =	vmul.f32 v25, v26;
	v9 =	vsub.f32 v33, v35  }
0xf4: {  	v30 =	vld [tilespmem:s25+$0x2880];
	v20 =	vmul.f32 v20, v53;
	v10 =	vsub.f32 v31, v29;
	v2 =	vsub.f32 v8, v11  }
0xf5: {  	v48 =	vld [tilespmem:s25+$0x2700];
	v27 =	vmul.f32 v27, v53;
	v29 =	vadd.f32 v29, v31;
	v31 =	vadd.f32 v35, v33  }
0xf6: {  	v58 =	vld [tilespmem:s25+$0x6700];
	v25 =	vmul.f32 v25, v53;
	v41 =	vsub.f32 v42, v52;
	v17 =	vadd.f32 v17, v39  }
0xf7: {  	v24 =	vmul.f32 v34, v24;
	v20 =	vsub.f32 v55, v20;
	v27 =	vadd.f32 v57, v27  }
0xf8: {  	v39 =	vmul.f32 v34, v46;
	v25 =	vsub.f32 v25, v56;
	v38 =	vmul.f32 v9, v5  }
0xf9: {  	v1 =	vmul.f32 v10, v4;
	v0 =	vsub.f32 v2, v3;
	v43 =	vmul.f32 v34, v30  }
0xfa: {  	v30 =	vmul.f32 v36, v30;
	v61 =	vadd.f32 v41, v48;
	v16 =	vsub.f32 v48, v41  }
0xfb: {  	v59 =	vld [tilespmem:s25+$0x2800];
	v36 =	vmul.f32 v36, v46;
	v55 =	vadd.f32 v17, v58;
	v17 =	vsub.f32 v58, v17  }
0xfc: {  	v60 =	vld [tilespmem:s25+$0x6800];
	v34 =	vmul.f32 v34, v50;
	v24 =	vadd.f32 v30, v24;
	v30 =	vmul.f32 v44, v53  }
0xfd: {  	v1 =	vsub.f32 v38, v1;
	v46 =	vmul.f32 v61, v26;
	v38 =	vmul.f32 v55, v53  }
0xfe: {  	v43 =	vsub.f32 v43, v45;
	v28 =	vmul.f32 v61, v53;
	v41 =	vmul.f32 v55, v26  }
0xff: {  	v54 =	vmul.f32 v16, v53;
	v34 =	vadd.f32 v36, v34;
	v40 =	vsub.f32 v0, v1  }
0x100: {  	v16 =	vmul.f32 v16, v26;
	v30 =	vadd.f32 v47, v30;
	v56 =	vadd.f32 v43, v59  }
0x101: {  	v61 =	vmul.f32 v21, v7;
	v43 =	vsub.f32 v59, v43;
	v57 =	vadd.f32 v24, v60  }
0x102: {  	v24 =	vsub.f32 v60, v24;
	v59 =	vmul.f32 v17, v26;
	v26 =	vadd.f32 v15, v23  }
0x103: {  	v32 =	vld [tilespmem:s0+$0x12800];
	v21 =	vmul.f32 v21, v6;
	v15 =	vsub.f32 v23, v15;
	v36 =	vsub.f32 v46, v38  }
0x104: {  	v51 =	vld [tilespmem:s0+$0x16870];
	v17 =	vmul.f32 v17, v53;
	v58 =	vadd.f32 v20, v56;
	v20 =	vsub.f32 v56, v20  }
0x105: {  	v23 =	vmul.f32 v14, v6;
	v63 =	vadd.f32 v30, v57;
	v30 =	vsub.f32 v57, v30  }
0x106: {  	v60 =	vld [tilespmem:s0+$0x127F0];
	v14 =	vmul.f32 v14, v7;
	v55 =	vadd.f32 v27, v43;
	v27 =	vsub.f32 v43, v27  }
0x107: {  	v7 =	vmul.f32 v12, v7;
	v46 =	vld [tilespmem:s0+$0x16800];
	v56 =	vadd.f32 v25, v24;
	v24 =	vsub.f32 v24, v25  }
0x108: {  	v6 =	vmul.f32 v13, v6;
	v25 =	vld [tilespmem:s0+$0x167F0];
	v57 =	vadd.f32 v22, v18;
	v18 =	vsub.f32 v18, v22  }
0x109: {  	v22 =	vld [tilespmem:s0+$0x12870];
	v43 =	vadd.f32 v59, v54;
	v54 =	vmul.f32 v26, v32;
	v45 =	vmul.f32 v56, v51  }
0x10a: {  	[tilespmem:s25+$0x6990] =	vst v40;
	v40 =	vsub.f32 v23, v61;
	v44 =	vmul.f32 v55, v51;
	v23 =	vmul.f32 v27, v51  }
0x10b: {  	v62 =	vsub.f32 v39, v62;
	v59 =	vld [tilespmem:s25+$0x6600];
	v12 =	vmul.f32 v58, v60;
	v52 =	vmul.f32 v30, v60  }
0x10c: {  	v50 =	vsub.f32 v17, v16;
	v16 =	vld [tilespmem:s25+$0x2610];
	v61 =	vmul.f32 v26, v46;
	v37 =	vmul.f32 v57, v46  }
0x10d: {  	v28 =	vadd.f32 v41, v28;
	v13 =	vmul.f32 v63, v25;
	v38 =	vmul.f32 v58, v25  }
0x10e: {  	v14 =	vadd.f32 v21, v14;
	v63 =	vmul.f32 v63, v60;
	v41 =	vmul.f32 v55, v22  }
0x10f: {  	v6 =	vadd.f32 v6, v7;
	v47 =	vmul.f32 v56, v22;
	v17 =	vmul.f32 v20, v25  }
0x110: {  	v30 =	vmul.f32 v30, v25;
	v33 =	vmul.f32 v24, v22;
	v53 =	vadd.f32 v34, v59  }
0x111: {  	v7 =	vmul.f32 v27, v22;
	v34 =	vsub.f32 v59, v34;
	v56 =	vadd.f32 v19, v16  }
0x112: {  	v22 =	vmul.f32 v57, v32;
	v16 =	vsub.f32 v16, v19;
	v57 =	vadd.f32 v11, v8  }
0x113: {  	v20 =	vmul.f32 v20, v60;
	v27 =	vsub.f32 v12, v13;
	v26 =	vadd.f32 v63, v38  }
0x114: {  	v49 =	vmul.f32 v24, v51;
	v25 =	vsub.f32 v41, v45;
	v24 =	vadd.f32 v47, v44  }
0x115: {  	v8 =	vmul.f32 v18, v46;
	v21 =	vadd.f32 v52, v17;
	v19 =	vsub.f32 v30, v20  }
0x116: {  	v20 =	vmul.f32 v18, v32;
	v18 =	vadd.f32 v33, v23;
	v17 =	vsub.f32 v49, v7  }
0x117: {  	v58 =	vld [tilespmem:s25+$0x2600];
	v55 =	vmul.f32 v29, v4;
	v13 =	vsub.f32 v22, v61;
	v12 =	vadd.f32 v54, v37  }
0x118: {  	v29 =	vmul.f32 v29, v5;
	v33 =	vadd.f32 v28, v53;
	v30 =	vsub.f32 v53, v28  }
0x119: {  	v63 =	vmul.f32 v15, v32;
	v32 =	vadd.f32 v50, v34;
	v28 =	vsub.f32 v34, v50  }
0x11a: {  	v15 =	vmul.f32 v15, v46;
	v23 =	vadd.f32 v40, v56;
	v22 =	vadd.f32 v14, v57  }
0x11b: {  	v7 =	vmul.f32 v9, v4;
	v14 =	vsub.f32 v57, v14;
	v9 =	vadd.f32 v63, v8  }
0x11c: {  	v60 =	vadd.f32 v62, v58;
	v35 =	vsub.f32 v58, v62;
	v62 =	vmul.f32 v31, v5  }
0x11d: {  	v8 =	vsub.f32 v15, v20;
	v15 =	vsub.f32 v56, v40;
	v31 =	vmul.f32 v31, v4  }
0x11e: {  	v20 =	vadd.f32 v6, v16;
	v5 =	vmul.f32 v10, v5;
	v11 =	vsub.f32 v55, v62  }
0x11f: {  	v10 =	vadd.f32 v31, v29;
	v4 =	vadd.f32 v36, v60  }
0x120: {  	v7 =	vadd.f32 v7, v5;
	v31 =	vsub.f32 v60, v36  }
0x121: {  	s1 =	simm.s32 $0x0;
	v5 =	vadd.f32 v43, v35;
	v29 =	vsub.f32 v35, v43  }
.LBB2_4:
0x122: {  	s26 =	sadd.s32 $0x2, s26;
	v16 =	vsub.f32 v16, v6;
	v2 =	vadd.f32 v3, v2  }
0x123: {  	v3 =	vadd.f32 v27, v4;
	v6 =	vsub.f32 v4, v27;
	s28 =	sand.u32 $0x6, s26;
	p0 =	slt.u32 s26, $0x7E  }
0x124: {  	v27 =	vadd.f32 v26, v33;
	v26 =	vsub.f32 v33, v26;
	s0 =	sshll.u32 s28, $0x4  }
0x125: {  	v33 =	vadd.f32 v25, v5;
	v25 =	vsub.f32 v5, v25;
	s1 =	sadd.s32 $0x10, s1;
	v4 =	vld [tilespmem:s0+$0x12700];
	[tilespmem:s25+$0x2600] =	vst v3  }
0x126: {  	s29 =	sand.u32 $0x3C0, s1;
	v3 =	vadd.f32 v24, v32;
	v24 =	vsub.f32 v32, v24;
	v5 =	vld [tilespmem:s0+$0x16700];
	[tilespmem:s25+$0x6600] =	vst v27  }
0x127: {  	s28 =	sor.u32 s28, s29;
	v32 =	vadd.f32 v21, v31;
	v21 =	vsub.f32 v31, v21;
	v27 =	vld [tilespmem:s0+$0x12680];
	[tilespmem:s25+$0x2680] =	vst v33  }
0x128: {  	s28 =	sshll.u32 s28, $0x4;
	v33 =	vadd.f32 v19, v30;
	v19 =	vsub.f32 v30, v19;
	v31 =	vld [tilespmem:s0+$0x16680];
	[tilespmem:s25+$0x6680] =	vst v3  }
0x129: {  	v30 =	vadd.f32 v18, v29;
	v18 =	vsub.f32 v29, v18;
	v3 =	vld [tilespmem:s28+$0x2690];
	[tilespmem:s25+$0x2700] =	vst v32  }
0x12a: {  	v32 =	vadd.f32 v17, v28;
	v17 =	vsub.f32 v28, v17;
	v29 =	vld [tilespmem:s28+$0x2790];
	[tilespmem:s25+$0x6700] =	vst v33  }
0x12b: {  	v33 =	vsub.f32 v23, v13;
	v28 =	vld [tilespmem:s28+$0x6790];
	[tilespmem:s25+$0x2780] =	vst v30;
	v30 =	vadd.f32 v13, v23  }
0x12c: {  	v23 =	vadd.f32 v12, v22;
	v13 =	vld [tilespmem:s28+$0x2990];
	[tilespmem:s25+$0x6780] =	vst v32;
	v32 =	vsub.f32 v22, v12  }
0x12d: {  	v22 =	vadd.f32 v11, v20;
	v20 =	vsub.f32 v20, v11;
	v12 =	vld [tilespmem:s28+$0x6990];
	[tilespmem:s25+$0x2800] =	vst v6  }
0x12e: {  	v34 =	vsub.f32 v2, v10;
	v11 =	vld [tilespmem:s28+$0x2890];
	v6 =	vmul.f32 v27, v3;
	[tilespmem:s25+$0x6800] =	vst v26;
	v26 =	vadd.f32 v10, v2  }
0x12f: {  	v10 =	vadd.f32 v9, v15;
	v15 =	vsub.f32 v15, v9;
	v2 =	vld [tilespmem:s28+$0x6890];
	[tilespmem:s25+$0x2880] =	vst v25  }
0x130: {  	v9 =	vmul.f32 v27, v29;
	v25 =	vld [tilespmem:s28+$0x2710];
	v35 =	vmul.f32 v31, v28;
	[tilespmem:s25+$0x6880] =	vst v24;
	v24 =	vadd.f32 v8, v14  }
0x131: {  	v37 =	vsub.f32 v14, v8;
	v29 =	vmul.f32 v31, v29;
	v28 =	vmul.f32 v27, v28;
	v36 =	vld [tilespmem:s28+$0x2910];
	[tilespmem:s25+$0x2900] =	vst v21  }
0x132: {  	v8 =	vmul.f32 v27, v13;
	v21 =	vadd.f32 v7, v16;
	v38 =	vld [tilespmem:s28+$0x6910];
	v14 =	vmul.f32 v31, v12;
	[tilespmem:s25+$0x6900] =	vst v19  }
0x133: {  	v40 =	vsub.f32 v16, v7;
	v13 =	vmul.f32 v31, v13;
	v12 =	vmul.f32 v27, v12;
	v39 =	vld [tilespmem:s28+$0x2810];
	[tilespmem:s25+$0x2980] =	vst v18  }
0x134: {  	v0 =	vadd.f32 v1, v0;
	v7 =	vmul.f32 v27, v11;
	v16 =	vld [tilespmem:s28+$0x6690];
	v18 =	vmul.f32 v31, v2;
	[tilespmem:s25+$0x6980] =	vst v17  }
0x135: {  	v1 =	vmul.f32 v31, v11;
	v11 =	vsub.f32 v8, v14;
	v42 =	vadd.f32 v13, v12;
	v41 =	vld [tilespmem:s28+$0x6710];
	[tilespmem:s25+$0x2610] =	vst v30  }
0x136: {  	v28 =	vadd.f32 v29, v28;
	v2 =	vmul.f32 v27, v2;
	v30 =	vsub.f32 v9, v35;
	v17 =	vld [tilespmem:s28+$0x6810];
	[tilespmem:s25+$0x6610] =	vst v23  }
0x137: {  	v9 =	vsub.f32 v36, v11;
	v29 =	vld [tilespmem:s28+$0x2980];
	v12 =	vsub.f32 v38, v42;
	[tilespmem:s25+$0x2690] =	vst v22  }
0x138: {  	v3 =	vmul.f32 v31, v3;
	v43 =	vsub.f32 v7, v18;
	v23 =	vadd.f32 v1, v2;
	v35 =	vld [tilespmem:s28+$0x6980];
	[tilespmem:s25+$0x6690] =	vst v26  }
0x139: {  	v13 =	vsub.f32 v25, v30;
	v1 =	vmul.f32 v9, v5;
	v7 =	vld [tilespmem:s0+$0x12880];
	v2 =	vmul.f32 v12, v4;
	[tilespmem:s25+$0x2710] =	vst v10  }
0x13a: {  	v10 =	vmul.f32 v12, v5;
	v12 =	vmul.f32 v9, v4;
	v8 =	vld [tilespmem:s28+$0x6610];
	v14 =	vsub.f32 v41, v28;
	[tilespmem:s25+$0x6710] =	vst v24  }
0x13b: {  	v18 =	vsub.f32 v39, v43;
	v24 =	vmul.f32 v27, v16;
	v9 =	vld [tilespmem:s0+$0x16880];
	v19 =	vsub.f32 v17, v23;
	[tilespmem:s25+$0x2790] =	vst v21  }
0x13c: {  	v16 =	vmul.f32 v31, v16;
	v21 =	vadd.f32 v2, v1;
	v22 =	vsub.f32 v10, v12;
	v26 =	vld [tilespmem:s0+$0x12670];
	[tilespmem:s25+$0x6790] =	vst v0  }
0x13d: {  	v31 =	vadd.f32 v11, v36;
	v10 =	vadd.f32 v3, v24;
	v0 =	vmul.f32 v14, v5;
	v27 =	vld [tilespmem:s0+$0x16670];
	[tilespmem:s25+$0x2810] =	vst v33  }
0x13e: {  	v1 =	vmul.f32 v13, v4;
	v12 =	vsub.f32 v18, v21;
	v11 =	vsub.f32 v19, v22;
	v33 =	vld [tilespmem:s28+$0x2780];
	[tilespmem:s25+$0x6810] =	vst v32  }
0x13f: {  	v36 =	vadd.f32 v42, v38;
	v38 =	vmul.f32 v31, v4;
	v32 =	vld [tilespmem:s28+$0x2880];
	v2 =	vsub.f32 v8, v10;
	[tilespmem:s25+$0x2890] =	vst v20  }
0x140: {  	v3 =	vsub.f32 v0, v1;
	v42 =	vmul.f32 v12, v7;
	v20 =	vld [tilespmem:s28+$0x2900];
	v1 =	vmul.f32 v11, v9;
	[tilespmem:s25+$0x6890] =	vst v34  }
0x141: {  	v24 =	vadd.f32 v30, v25;
	v34 =	vld [tilespmem:s28+$0x6780];
	v44 =	vmul.f32 v26, v29;
	v45 =	vmul.f32 v26, v35;
	[tilespmem:s25+$0x2910] =	vst v15  }
0x142: {  	v0 =	vsub.f32 v2, v3;
	v25 =	vld [tilespmem:s28+$0x6880];
	v15 =	vmul.f32 v27, v35;
	v1 =	vsub.f32 v1, v42;
	[tilespmem:s25+$0x6910] =	vst v37  }
0x143: {  	v28 =	vadd.f32 v28, v41;
	v29 =	vmul.f32 v27, v29;
	v30 =	vld [tilespmem:s28+$0x6900];
	v35 =	vmul.f32 v26, v33;
	[tilespmem:s25+$0x2990] =	vst v40;
	s25 =	smov.u32 s28  }
0x144: {  	v33 =	vmul.f32 v27, v33;
	v37 =	vld [tilespmem:s0+$0x126F0];
	v40 =	vsub.f32 v44, v15;
	v41 =	vsub.f32 v0, v1  }
0x145: {  	v42 =	vmul.f32 v26, v32;
	v32 =	vmul.f32 v27, v32;
	v29 =	vadd.f32 v29, v45;
	v15 =	vld [tilespmem:s0+$0x12800]  }
0x146: {  	v44 =	vmul.f32 v27, v34;
	v45 =	vadd.f32 v40, v20;
	v40 =	vsub.f32 v20, v40;
	v20 =	vld [tilespmem:s0+$0x16800];
	[tilespmem:s25+$0x6990] =	vst v41  }
0x147: {  	v39 =	vadd.f32 v43, v39;
	v34 =	vmul.f32 v26, v34;
	v41 =	vld [tilespmem:s0+$0x166F0];
	v46 =	vmul.f32 v27, v25  }
0x148: {  	v25 =	vmul.f32 v26, v25;
	v43 =	vld [tilespmem:s25+$0x2680];
	v47 =	vadd.f32 v29, v30;
	v29 =	vsub.f32 v30, v29  }
0x149: {  	v35 =	vsub.f32 v35, v44;
	v30 =	vld [tilespmem:s25+$0x2700];
	v44 =	vmul.f32 v45, v37;
	v48 =	vmul.f32 v40, v37  }
0x14a: {  	v33 =	vadd.f32 v33, v34;
	v49 =	vld [tilespmem:s25+$0x2800];
	v34 =	vmul.f32 v47, v37;
	v50 =	vmul.f32 v29, v37  }
0x14b: {  	v31 =	vmul.f32 v31, v5;
	v42 =	vsub.f32 v42, v46;
	v46 =	vmul.f32 v36, v5;
	v51 =	vld [tilespmem:s25+$0x6680]  }
0x14c: {  	v25 =	vadd.f32 v32, v25;
	v52 =	vld [tilespmem:s25+$0x6700];
	v32 =	vmul.f32 v47, v41;
	v45 =	vmul.f32 v45, v41  }
0x14d: {  	v38 =	vsub.f32 v38, v46;
	v40 =	vmul.f32 v40, v41;
	v29 =	vmul.f32 v29, v41;
	v47 =	vld [tilespmem:s25+$0x6800]  }
0x14e: {  	v36 =	vmul.f32 v36, v4;
	v46 =	vld [tilespmem:s25+$0x2600];
	v32 =	vsub.f32 v44, v32;
	v34 =	vadd.f32 v34, v45  }
0x14f: {  	v45 =	vmul.f32 v26, v43;
	v40 =	vadd.f32 v50, v40;
	v29 =	vsub.f32 v29, v48;
	v44 =	vld [tilespmem:s25+$0x6600]  }
0x150: {  	v31 =	vadd.f32 v36, v31;
	v50 =	vadd.f32 v35, v30;
	v48 =	vmul.f32 v27, v51;
	v53 =	vld [tilespmem:s25+$0x2610]  }
0x151: {  	v30 =	vsub.f32 v30, v35;
	v27 =	vmul.f32 v27, v43;
	v36 =	vld [tilespmem:s0+$0x127F0];
	v35 =	vadd.f32 v33, v52  }
0x152: {  	v26 =	vmul.f32 v26, v51;
	v51 =	vadd.f32 v42, v49;
	v33 =	vsub.f32 v52, v33;
	v43 =	vld [tilespmem:s0+$0x167F0]  }
0x153: {  	v42 =	vsub.f32 v49, v42;
	v54 =	vmul.f32 v50, v37;
	v49 =	vadd.f32 v25, v47;
	v52 =	vld [tilespmem:s0+$0x12870]  }
0x154: {  	v17 =	vadd.f32 v23, v17;
	v25 =	vsub.f32 v47, v25;
	v47 =	vmul.f32 v35, v41;
	v55 =	vld [tilespmem:s0+$0x16870]  }
0x155: {  	v23 =	vmul.f32 v50, v41;
	v50 =	vadd.f32 v32, v51;
	v32 =	vsub.f32 v51, v32  }
0x156: {  	v35 =	vmul.f32 v35, v37;
	v51 =	vadd.f32 v34, v49;
	v34 =	vsub.f32 v49, v34  }
0x157: {  	v56 =	vadd.f32 v40, v42;
	v40 =	vsub.f32 v42, v40;
	v49 =	vmul.f32 v30, v41  }
0x158: {  	v42 =	vmul.f32 v33, v37;
	v57 =	vadd.f32 v29, v25;
	v25 =	vsub.f32 v25, v29  }
0x159: {  	v29 =	vmul.f32 v33, v41;
	v33 =	vadd.f32 v38, v39;
	v38 =	vsub.f32 v39, v38  }
0x15a: {  	v30 =	vmul.f32 v30, v37;
	v37 =	vadd.f32 v31, v17;
	v17 =	vsub.f32 v17, v31  }
0x15b: {  	v18 =	vadd.f32 v21, v18;
	v19 =	vadd.f32 v22, v19;
	v31 =	vmul.f32 v24, v4  }
0x15c: {  	v22 =	vmul.f32 v28, v5;
	v21 =	vsub.f32 v45, v48;
	v24 =	vmul.f32 v24, v5  }
0x15d: {  	v26 =	vadd.f32 v27, v26;
	v27 =	vmul.f32 v28, v4;
	v5 =	vmul.f32 v13, v5  }
0x15e: {  	v16 =	vsub.f32 v6, v16;
	v4 =	vmul.f32 v14, v4;
	v13 =	vmul.f32 v50, v36  }
0x15f: {  	v14 =	vsub.f32 v54, v47;
	v28 =	vmul.f32 v51, v43;
	v39 =	vmul.f32 v50, v43  }
0x160: {  	v23 =	vadd.f32 v35, v23;
	v35 =	vmul.f32 v51, v36;
	v41 =	vmul.f32 v56, v52  }
0x161: {  	v42 =	vadd.f32 v42, v49;
	v45 =	vmul.f32 v57, v55;
	v47 =	vmul.f32 v56, v55  }
0x162: {  	v48 =	vsub.f32 v29, v30;
	v30 =	vmul.f32 v32, v43;
	v29 =	vmul.f32 v57, v52  }
0x163: {  	v49 =	vmul.f32 v34, v36;
	v22 =	vsub.f32 v31, v22;
	v34 =	vmul.f32 v34, v43  }
0x164: {  	v31 =	vmul.f32 v32, v36;
	v36 =	vadd.f32 v27, v24;
	v32 =	vmul.f32 v40, v55  }
0x165: {  	v6 =	vadd.f32 v4, v5;
	v43 =	vmul.f32 v25, v52;
	v50 =	vmul.f32 v25, v55  }
0x166: {  	v5 =	vadd.f32 v21, v46;
	v4 =	vmul.f32 v40, v52;
	v40 =	vmul.f32 v33, v15  }
0x167: {  	v46 =	vsub.f32 v46, v21;
	v51 =	vmul.f32 v37, v20;
	v33 =	vmul.f32 v33, v20  }
0x168: {  	v54 =	vmul.f32 v18, v7;
	v37 =	vmul.f32 v37, v15;
	v52 =	vadd.f32 v26, v44  }
0x169: {  	v44 =	vsub.f32 v44, v26;
	v55 =	vmul.f32 v19, v9;
	v56 =	vmul.f32 v18, v9  }
0x16a: {  	v58 =	vmul.f32 v19, v7;
	v59 =	vmul.f32 v38, v20;
	v57 =	vadd.f32 v16, v53  }
0x16b: {  	v16 =	vsub.f32 v53, v16;
	v53 =	vmul.f32 v17, v15;
	v20 =	vmul.f32 v17, v20  }
0x16c: {  	v60 =	vadd.f32 v10, v8;
	v8 =	vmul.f32 v38, v15;
	v15 =	vmul.f32 v12, v9  }
0x16d: {  	v7 =	vmul.f32 v11, v7;
	v27 =	vsub.f32 v13, v28;
	v26 =	vadd.f32 v35, v39  }
0x16e: {  	v25 =	vsub.f32 v41, v45;
	v24 =	vadd.f32 v29, v47  }
0x16f: {  	v21 =	vadd.f32 v49, v30;
	v19 =	vsub.f32 v34, v31  }
0x170: {  	v18 =	vadd.f32 v43, v32;
	v17 =	vsub.f32 v50, v4  }
0x171: {  	v13 =	vsub.f32 v40, v51;
	v12 =	vadd.f32 v37, v33  }
0x172: {  	v11 =	vsub.f32 v54, v55;
	v10 =	vadd.f32 v58, v56  }
0x173: {  	v9 =	vadd.f32 v53, v59;
	v8 =	vsub.f32 v20, v8  }
0x174: {  	v4 =	vadd.f32 v14, v5;
	v7 =	vadd.f32 v7, v15  }
0x175: {  	v31 =	vsub.f32 v5, v14;
	v33 =	vadd.f32 v23, v52  }
.Ltmp1:
0x176: {  	v30 =	vsub.f32 v52, v23;
	v5 =	vadd.f32 v42, v46;
	(pc) =	sbr.rel @p0 .LBB2_4-.Ltmp1, $4  }
0x177: {  	v29 =	vsub.f32 v46, v42;
	v32 =	vadd.f32 v48, v44  }
0x178: {  	v28 =	vsub.f32 v44, v48;
	v23 =	vadd.f32 v22, v57  }
0x179: {  	v15 =	vsub.f32 v57, v22;
	v22 =	vadd.f32 v36, v60  }
0x17a: {  	v14 =	vsub.f32 v60, v36;
	v20 =	vadd.f32 v6, v16  }
0x17b: {  	v34 =	vadd.f32 v27, v4  }
0x17c: {  	v35 =	vadd.f32 v26, v33  }
0x17d: {  	v36 =	vadd.f32 v25, v5;
	[tilespmem:s25+$0x2600] =	vst v34  }
0x17e: {  	v44 =	vadd.f32 v24, v32;
	[tilespmem:s25+$0x6600] =	vst v35  }
0x17f: {  	v45 =	vadd.f32 v21, v31;
	[tilespmem:s25+$0x2680] =	vst v36  }
0x180: {  	v46 =	vadd.f32 v19, v30;
	[tilespmem:s25+$0x6680] =	vst v44  }
0x181: {  	v47 =	vadd.f32 v18, v29;
	[tilespmem:s25+$0x2700] =	vst v45  }
0x182: {  	v48 =	vadd.f32 v17, v28;
	[tilespmem:s25+$0x6700] =	vst v46  }
0x183: {  	v4 =	vsub.f32 v4, v27;
	[tilespmem:s25+$0x2780] =	vst v47  }
0x184: {  	v26 =	vsub.f32 v33, v26;
	[tilespmem:s25+$0x6780] =	vst v48  }
0x185: {  	v5 =	vsub.f32 v5, v25;
	[tilespmem:s25+$0x2800] =	vst v4  }
0x186: {  	v21 =	vsub.f32 v31, v21;
	[tilespmem:s25+$0x6800] =	vst v26  }
0x187: {  	v17 =	vsub.f32 v28, v17;
	[tilespmem:s25+$0x2880] =	vst v5  }
0x188: {  	v2 =	vadd.f32 v3, v2;
	v3 =	vadd.f32 v12, v22;
	[tilespmem:s25+$0x2900] =	vst v21  }
0x189: {  	v0 =	vadd.f32 v1, v0;
	[tilespmem:s25+$0x6980] =	vst v17  }
0x18a: {  	v1 =	vsub.f32 v23, v13;
	[tilespmem:s25+$0x6610] =	vst v3  }
0x18b: {  	v4 =	vsub.f32 v32, v24;
	[tilespmem:s25+$0x6790] =	vst v0  }
0x18c: {  	v5 =	vsub.f32 v30, v19;
	[tilespmem:s25+$0x2810] =	vst v1  }
0x18d: {  	v3 =	vsub.f32 v16, v6;
	v6 =	vadd.f32 v9, v15;
	[tilespmem:s25+$0x6880] =	vst v4  }
0x18e: {  	v0 =	vsub.f32 v20, v11;
	[tilespmem:s25+$0x6900] =	vst v5  }
0x18f: {  	v1 =	vsub.f32 v2, v10;
	[tilespmem:s25+$0x2710] =	vst v6  }
0x190: {  	v4 =	vsub.f32 v29, v18;
	[tilespmem:s25+$0x2890] =	vst v0  }
0x191: {  	v5 =	vadd.f32 v13, v23;
	[tilespmem:s25+$0x6890] =	vst v1  }
0x192: {  	v0 =	vsub.f32 v14, v8;
	[tilespmem:s25+$0x2980] =	vst v4  }
0x193: {  	v1 =	vsub.f32 v3, v7;
	[tilespmem:s25+$0x2610] =	vst v5  }
0x194: {  	v4 =	vadd.f32 v11, v20;
	[tilespmem:s25+$0x6910] =	vst v0  }
0x195: {  	v5 =	vadd.f32 v10, v2;
	[tilespmem:s25+$0x2990] =	vst v1  }
0x196: {  	v2 =	vsub.f32 v15, v9;
	[tilespmem:s25+$0x2690] =	vst v4  }
0x197: {  	v4 =	vadd.f32 v8, v14;
	[tilespmem:s25+$0x6690] =	vst v5  }
0x198: {  	v5 =	vadd.f32 v7, v3;
	[tilespmem:s25+$0x2910] =	vst v2  }
0x199: {  	s31 =	simm.s32 $0x0;
	[tilespmem:s25+$0x6710] =	vst v4;
	v4 =	vsub.f32 v22, v12  }
0x19a: {  	s1 =	sand.u32 $0x38, s31;
	[tilespmem:s25+$0x2790] =	vst v5  }
0x19b: {  	s26 =	sand.u32 $0x300, s24;
	s0 =	sshll.u32 s1, $0x4;
	[tilespmem:s25+$0x6810] =	vst v4  }
0x19c: {  	s1 =	sor.u32 s1, s26;
	v0 =	vld [tilespmem:s0+$0x12A60]  }
0x19d: {  	s29 =	sshll.u32 s1, $0x4;
	v1 =	vld [tilespmem:s0+$0x16A60]  }
0x19e: {  	v2 =	vld [tilespmem:s29+$0x3270]  }
0x19f: {  	v3 =	vld [tilespmem:s29+$0x7270]  }
0x1a0: {  	v5 =	vld [tilespmem:s29+$0x3200]  }
0x1a1: {  	v4 =	vld [tilespmem:s29+$0x2A70]  }
0x1a2: {  	v6 =	vld [tilespmem:s29+$0x6A70]  }
0x1a3: {  	v7 =	vld [tilespmem:s29+$0x2E70]  }
0x1a4: {  	v8 =	vld [tilespmem:s29+$0x6E70]  }
0x1a5: {  	v9 =	vld [tilespmem:s0+$0x12E60]  }
0x1a6: {  	v10 =	vld [tilespmem:s0+$0x16E60]  }
0x1a7: {  	v12 =	vld [tilespmem:s29+$0x7200]  }
0x1a8: {  	v11 =	vld [tilespmem:s29+$0x6670]  }
0x1a9: {  	v13 =	vld [tilespmem:s29+$0x3210]  }
0x1aa: {  	v15 =	vld [tilespmem:s29+$0x7210]  }
0x1ab: {  	v16 =	vld [tilespmem:s29+$0x3220]  }
0x1ac: {  	v17 =	vld [tilespmem:s29+$0x7220]  }
0x1ad: {  	v18 =	vld [tilespmem:s29+$0x3230]  }
0x1ae: {  	v19 =	vld [tilespmem:s29+$0x7230]  }
0x1af: {  	v21 =	vld [tilespmem:s29+$0x3240]  }
0x1b0: {  	v22 =	vld [tilespmem:s29+$0x7240];
	v14 =	vmul.f32 v2, v0;
	v20 =	vmul.f32 v3, v1  }
0x1b1: {  	v23 =	vld [tilespmem:s29+$0x3250];
	v2 =	vmul.f32 v2, v1;
	v3 =	vmul.f32 v3, v0  }
0x1b2: {  	v24 =	vld [tilespmem:s29+$0x7250];
	v14 =	vsub.f32 v14, v20  }
0x1b3: {  	v25 =	vld [tilespmem:s29+$0x3260];
	v2 =	vadd.f32 v3, v2;
	v3 =	vmul.f32 v4, v0  }
0x1b4: {  	v26 =	vld [tilespmem:s29+$0x7260];
	v4 =	vmul.f32 v4, v1;
	v1 =	vmul.f32 v6, v1;
	v20 =	vsub.f32 v7, v14  }
0x1b5: {  	v27 =	vld [tilespmem:s0+$0x129F0];
	v0 =	vmul.f32 v6, v0;
	v28 =	vsub.f32 v8, v2;
	v6 =	vadd.f32 v14, v7  }
0x1b6: {  	v29 =	vld [tilespmem:s0+$0x169F0];
	v7 =	vadd.f32 v2, v8;
	v1 =	vsub.f32 v3, v1  }
0x1b7: {  	v30 =	vld [tilespmem:s0+$0x16A00];
	v14 =	vadd.f32 v0, v4;
	v0 =	vmul.f32 v28, v10;
	v4 =	vmul.f32 v20, v9  }
0x1b8: {  	v8 =	vld [tilespmem:s0+$0x12A00];
	[tilespmem:$0x1FFF0] =	vst v1;
	v1 =	vmul.f32 v6, v9;
	v31 =	vmul.f32 v7, v10  }
0x1b9: {  	v50 =	vsub.f32 v11, v14  }
0x1ba: {  	v4 =	vsub.f32 v0, v4;
	v0 =	vsub.f32 v1, v31  }
0x1bb: {  	v6 =	vmul.f32 v6, v10;
	v32 =	vld [tilespmem:s0+$0x12A10];
	v1 =	vmul.f32 v7, v9  }
0x1bc: {  	v33 =	vld [tilespmem:s0+$0x16A10];
	v7 =	vmul.f32 v20, v10;
	v9 =	vmul.f32 v28, v9;
	[tilespmem:$0x1FF80] =	vst v0;
	v0 =	vsub.f32 v50, v4  }
0x1bd: {  	v20 =	vadd.f32 v14, v11  }
0x1be: {  	v6 =	vadd.f32 v1, v6;
	v10 =	vld [tilespmem:s0+$0x12A20];
	[tilespmem:$0x1FFC0] =	vst v0;
	v0 =	vadd.f32 v9, v7  }
0x1bf: {  	v28 =	vld [tilespmem:s0+$0x16A20]  }
0x1c0: {  	v36 =	vld [tilespmem:s0+$0x12A30];
	[tilespmem:$0x1FF90] =	vst v0;
	v0 =	vadd.f32 v6, v20;
	_ =	sdelay $0x1  }
0x1c1: {  	v49 =	vmul.f32 v12, v27;
	v7 =	vmul.f32 v12, v29;
	v12 =	vld [tilespmem:s0+$0x16A30];
	[tilespmem:$0x1FFD0] =	vst v0;
	v0 =	vsub.f32 v20, v6;
	_ =	sdelay $0x1  }
0x1c2: {  	v31 =	vmul.f32 v5, v27;
	v39 =	vld [tilespmem:s0+$0x12A40];
	[tilespmem:$0x1FFE0] =	vst v0  }
0x1c3: {  	v37 =	vmul.f32 v15, v8;
	v6 =	vmul.f32 v15, v30;
	v15 =	vld [tilespmem:s0+$0x16A40]  }
0x1c4: {  	v9 =	vmul.f32 v5, v29;
	v38 =	vmul.f32 v17, v32;
	v5 =	vld [tilespmem:s0+$0x12A50]  }
0x1c5: {  	v17 =	vmul.f32 v17, v33;
	v7 =	vsub.f32 v31, v7;
	v31 =	vmul.f32 v16, v32;
	v41 =	vld [tilespmem:s0+$0x16A50]  }
0x1c6: {  	v51 =	vmul.f32 v13, v8;
	v13 =	vmul.f32 v13, v30;
	v40 =	vld [tilespmem:s29+$0x2A00]  }
0x1c7: {  	v17 =	vsub.f32 v31, v17;
	v31 =	vmul.f32 v21, v36;
	v54 =	vld [tilespmem:s29+$0x6A00]  }
0x1c8: {  	v13 =	vadd.f32 v37, v13;
	v42 =	vmul.f32 v22, v36;
	v43 =	vld [tilespmem:s29+$0x2E00];
	v22 =	vmul.f32 v22, v12  }
0x1c9: {  	v9 =	vadd.f32 v49, v9;
	v16 =	vmul.f32 v16, v33;
	v52 =	vmul.f32 v18, v10;
	v55 =	vld [tilespmem:s29+$0x6E00]  }
0x1ca: {  	v53 =	vmul.f32 v19, v10;
	v45 =	vld [tilespmem:s29+$0x2A10];
	v22 =	vsub.f32 v31, v22;
	v31 =	vmul.f32 v25, v5  }
0x1cb: {  	v16 =	vadd.f32 v38, v16;
	v57 =	vld [tilespmem:s29+$0x6A10];
	v46 =	vmul.f32 v26, v5;
	v25 =	vmul.f32 v25, v41  }
0x1cc: {  	v6 =	vsub.f32 v51, v6;
	v19 =	vmul.f32 v19, v28;
	v18 =	vmul.f32 v18, v28;
	v47 =	vld [tilespmem:s29+$0x2E10]  }
0x1cd: {  	v58 =	vld [tilespmem:s29+$0x6E10];
	v59 =	vmul.f32 v40, v27;
	v46 =	vadd.f32 v46, v25;
	v25 =	vmul.f32 v54, v29  }
0x1ce: {  	v60 =	vld [tilespmem:s29+$0x2A20];
	v21 =	vmul.f32 v21, v12;
	v19 =	vsub.f32 v52, v19;
	v18 =	vadd.f32 v53, v18  }
0x1cf: {  	v48 =	vld [tilespmem:s29+$0x6A20];
	v40 =	vmul.f32 v40, v29;
	v27 =	vmul.f32 v54, v27;
	v0 =	vsub.f32 v59, v25  }
0x1d0: {  	v61 =	vld [tilespmem:s29+$0x2E20];
	v56 =	vmul.f32 v23, v39;
	v44 =	vmul.f32 v24, v39;
	v21 =	vadd.f32 v42, v21  }
0x1d1: {  	v62 =	vld [tilespmem:s29+$0x6E20];
	v24 =	vmul.f32 v24, v15;
	v49 =	vadd.f32 v7, v43;
	[tilespmem:$0x1FFA0] =	vst v0;
	v0 =	vadd.f32 v27, v40  }
0x1d2: {  	v26 =	vmul.f32 v26, v41;
	v7 =	vsub.f32 v43, v7;
	v37 =	vadd.f32 v9, v55  }
0x1d3: {  	v9 =	vsub.f32 v55, v9;
	v63 =	vmul.f32 v45, v30;
	v24 =	vsub.f32 v56, v24;
	v56 =	vld [tilespmem:s29+$0x2A30];
	[tilespmem:$0x1FFB0] =	vst v0  }
0x1d4: {  	v26 =	vsub.f32 v31, v26;
	v31 =	vmul.f32 v45, v8;
	v27 =	vmul.f32 v57, v30;
	v40 =	vld [tilespmem:s29+$0x6A30]  }
0x1d5: {  	v51 =	vadd.f32 v6, v47;
	v52 =	vadd.f32 v13, v58;
	v8 =	vmul.f32 v57, v8;
	v57 =	vld [tilespmem:s29+$0x2E30]  }
0x1d6: {  	v23 =	vmul.f32 v23, v15;
	v13 =	vsub.f32 v58, v13;
	v29 =	vsub.f32 v31, v27;
	v27 =	vld [tilespmem:s29+$0x6E30]  }
0x1d7: {  	v58 =	vmul.f32 v60, v32;
	v53 =	vadd.f32 v17, v61;
	v30 =	vadd.f32 v8, v63;
	v8 =	vld [tilespmem:s29+$0x2A40]  }
0x1d8: {  	v23 =	vadd.f32 v44, v23;
	v44 =	vmul.f32 v60, v33;
	v33 =	vmul.f32 v48, v33;
	v60 =	vld [tilespmem:s29+$0x2E40]  }
0x1d9: {  	v17 =	vsub.f32 v61, v17;
	v59 =	vmul.f32 v48, v32;
	v48 =	vadd.f32 v16, v62;
	v43 =	vld [tilespmem:s29+$0x6A40]  }
0x1da: {  	v16 =	vsub.f32 v62, v16;
	v31 =	vsub.f32 v58, v33;
	v62 =	vld [tilespmem:s29+$0x6E40];
	v61 =	vmul.f32 v56, v10  }
0x1db: {  	v33 =	vadd.f32 v59, v44;
	v63 =	vld [tilespmem:s29+$0x2A50];
	v45 =	vmul.f32 v56, v28;
	v28 =	vmul.f32 v40, v28  }
0x1dc: {  	v54 =	vadd.f32 v19, v57;
	v10 =	vmul.f32 v40, v10;
	v55 =	vadd.f32 v18, v27;
	v40 =	vld [tilespmem:s29+$0x6A50]  }
0x1dd: {  	v18 =	vsub.f32 v27, v18;
	v27 =	vld [tilespmem:s29+$0x2E50];
	v42 =	vadd.f32 v22, v60  }
0x1de: {  	v56 =	vsub.f32 v60, v22;
	v22 =	vld [tilespmem:s29+$0x2A60];
	v34 =	vsub.f32 v61, v28;
	v28 =	vmul.f32 v8, v36  }
0x1df: {  	v8 =	vmul.f32 v8, v12;
	v35 =	vadd.f32 v10, v45;
	v10 =	vld [tilespmem:s29+$0x6E50];
	v12 =	vmul.f32 v43, v12  }
0x1e0: {  	v32 =	vmul.f32 v43, v36;
	v58 =	vadd.f32 v21, v62;
	v59 =	vsub.f32 v62, v21;
	v21 =	vld [tilespmem:s29+$0x6A60]  }
0x1e1: {  	v19 =	vsub.f32 v57, v19;
	v57 =	vld [tilespmem:s29+$0x2E60];
	v36 =	vsub.f32 v28, v12  }
0x1e2: {  	v28 =	vmul.f32 v63, v15;
	v32 =	vadd.f32 v32, v8;
	v8 =	vmul.f32 v40, v15;
	v15 =	vld [tilespmem:s29+$0x6E60]  }
0x1e3: {  	v12 =	vmul.f32 v63, v39;
	v60 =	vadd.f32 v24, v27;
	v61 =	vsub.f32 v27, v24;
	v24 =	vld [tilespmem:s0+$0x12DF0]  }
0x1e4: {  	v6 =	vsub.f32 v47, v6;
	v39 =	vmul.f32 v40, v39;
	v62 =	vadd.f32 v23, v10  }
0x1e5: {  	v63 =	vsub.f32 v10, v23;
	v10 =	vld [tilespmem:s0+$0x16DF0];
	v11 =	vsub.f32 v12, v8;
	v8 =	vmul.f32 v22, v5  }
0x1e6: {  	v12 =	vmul.f32 v22, v41;
	v43 =	vadd.f32 v39, v28;
	v23 =	vmul.f32 v21, v41  }
0x1e7: {  	v22 =	vld [tilespmem:s0+$0x12E00];
	v39 =	vadd.f32 v26, v57;
	v41 =	vsub.f32 v57, v26;
	v5 =	vmul.f32 v21, v5  }
0x1e8: {  	v21 =	vld [tilespmem:s0+$0x16E00];
	v3 =	vadd.f32 v46, v15;
	v1 =	vsub.f32 v15, v46;
	v15 =	vmul.f32 v49, v24  }
0x1e9: {  	v44 =	vsub.f32 v8, v23;
	v26 =	vmul.f32 v37, v24;
	v27 =	vmul.f32 v9, v24  }
0x1ea: {  	v45 =	vadd.f32 v5, v12;
	v8 =	vmul.f32 v37, v10;
	v23 =	vmul.f32 v49, v10  }
0x1eb: {  	v5 =	vld [tilespmem:s0+$0x12E10];
	v12 =	vmul.f32 v7, v10;
	v37 =	vadd.f32 v4, v50;
	v7 =	vmul.f32 v7, v24  }
0x1ec: {  	v4 =	vld [tilespmem:s0+$0x16E10];
	v47 =	vsub.f32 v15, v8;
	v8 =	vmul.f32 v9, v10;
	v9 =	vmul.f32 v51, v22  }
0x1ed: {  	v10 =	vmul.f32 v52, v21;
	v50 =	vadd.f32 v27, v12;
	v12 =	vmul.f32 v51, v21  }
0x1ee: {  	v2 =	vld [tilespmem:s0+$0x16E20];
	v15 =	vmul.f32 v52, v22;
	v52 =	vsub.f32 v8, v7;
	v7 =	vmul.f32 v6, v21  }
0x1ef: {  	v38 =	vld [tilespmem:s0+$0x16E40];
	v8 =	vmul.f32 v13, v22;
	v57 =	vsub.f32 v9, v10;
	v9 =	vmul.f32 v13, v21  }
0x1f0: {  	v51 =	vld [tilespmem:s0+$0x16E50];
	v6 =	vmul.f32 v6, v22;
	v46 =	vadd.f32 v15, v12;
	v10 =	vmul.f32 v53, v5  }
0x1f1: {  	v40 =	vld [tilespmem:s0+$0x12E20];
	v12 =	vmul.f32 v48, v4;
	v27 =	vadd.f32 v8, v7;
	v7 =	vmul.f32 v53, v4  }
0x1f2: {  	v8 =	vmul.f32 v48, v5;
	v28 =	vsub.f32 v9, v6;
	v6 =	vmul.f32 v17, v4  }
0x1f3: {  	v9 =	vmul.f32 v16, v5;
	v4 =	vmul.f32 v16, v4  }
0x1f4: {  	v49 =	vadd.f32 v26, v23;
	v15 =	vld [tilespmem:s0+$0x16E30];
	v5 =	vmul.f32 v17, v5;
	v16 =	vmul.f32 v61, v38  }
0x1f5: {  	v13 =	vld [tilespmem:s0+$0x12E30];
	v25 =	vsub.f32 v10, v12;
	v12 =	vmul.f32 v63, v38;
	v53 =	vmul.f32 v3, v51  }
0x1f6: {  	v24 =	vadd.f32 v8, v7;
	v7 =	vmul.f32 v54, v40;
	v8 =	vmul.f32 v55, v2  }
0x1f7: {  	v21 =	vadd.f32 v9, v6;
	v6 =	vmul.f32 v54, v2;
	v9 =	vmul.f32 v55, v40  }
0x1f8: {  	v22 =	vsub.f32 v4, v5;
	v4 =	vmul.f32 v19, v2;
	v5 =	vmul.f32 v18, v40  }
0x1f9: {  	v48 =	vld [tilespmem:s0+$0x12E40];
	v2 =	vmul.f32 v18, v2;
	v0 =	vmul.f32 v58, v15;
	v23 =	vsub.f32 v7, v8  }
0x1fa: {  	v7 =	vmul.f32 v19, v40;
	v19 =	vadd.f32 v9, v6;
	v6 =	vmul.f32 v42, v13  }
0x1fb: {  	v17 =	vadd.f32 v5, v4;
	v4 =	vmul.f32 v42, v15;
	v5 =	vmul.f32 v58, v13;
	v42 =	vld [tilespmem:s0+$0x12E50]  }
0x1fc: {  	v18 =	vsub.f32 v2, v7;
	v2 =	vmul.f32 v56, v15;
	v7 =	vmul.f32 v59, v13  }
0x1fd: {  	v9 =	vmul.f32 v59, v15;
	v20 =	vsub.f32 v6, v0;
	v0 =	vmul.f32 v56, v13  }
0x1fe: {  	v13 =	vadd.f32 v7, v2;
	v2 =	vmul.f32 v60, v38;
	v7 =	vmul.f32 v62, v48  }
0x1ff: {  	v15 =	vadd.f32 v5, v4;
	v4 =	vmul.f32 v60, v48;
	v5 =	vmul.f32 v62, v38  }
0x200: {  	v8 =	vsub.f32 v9, v0;
	v62 =	vadd.f32 v7, v2;
	v2 =	vmul.f32 v39, v42  }
0x201: {  	v0 =	vmul.f32 v63, v48;
	v10 =	vsub.f32 v4, v5;
	v5 =	vmul.f32 v61, v48;
	v48 =	vld [tilespmem:s29+$0x2600]  }
0x202: {  	v38 =	vmul.f32 v1, v42;
	v4 =	vsub.f32 v2, v53;
	v2 =	vmul.f32 v1, v51;
	v1 =	vld [tilespmem:$0x1FFA0];
	_ =	sdelay $0x1  }
0x203: {  	v61 =	vadd.f32 v0, v16;
	v0 =	vmul.f32 v41, v42;
	_ =	sdelay $0x1  }
0x204: {  	v54 =	vld [tilespmem:s29+$0x6600];
	v14 =	vsub.f32 v12, v5;
	v5 =	vsub.f32 v2, v0  }
0x205: {  	v60 =	vadd.f32 v1, v48;
	v0 =	vsub.f32 v48, v1;
	v1 =	vld [tilespmem:$0x1FFB0];
	_ =	sdelay $0x4  }
0x206: {  	v16 =	vadd.f32 v1, v54;
	v63 =	vsub.f32 v54, v1;
	v1 =	vld [tilespmem:$0x1FFC0];
	_ =	sdelay $0x4  }
0x207: {  	[tilespmem:s29+$0x7270] =	vst v1  }
0x208: {  	v1 =	vld [tilespmem:$0x1FFD0]  }
0x209: {  	v55 =	vld [tilespmem:s29+$0x2610]  }
0x20a: {  	v58 =	vld [tilespmem:s29+$0x6610]  }
0x20b: {  	v53 =	vld [tilespmem:s29+$0x2620]  }
0x20c: {  	v39 =	vmul.f32 v39, v51;
	v12 =	vmul.f32 v41, v51;
	v51 =	vld [tilespmem:s29+$0x6620]  }
0x20d: {  	v2 =	vld [tilespmem:s29+$0x6630];
	[tilespmem:s29+$0x6670] =	vst v1  }
0x20e: {  	v59 =	vsub.f32 v55, v29;
	v1 =	vld [tilespmem:$0x1FFE0]  }
0x20f: {  	v3 =	vmul.f32 v3, v42;
	v7 =	vadd.f32 v38, v12;
	v38 =	vadd.f32 v29, v55;
	v29 =	vld [tilespmem:s29+$0x6640]  }
0x210: {  	v40 =	vadd.f32 v30, v58;
	v42 =	vld [tilespmem:s29+$0x2630]  }
0x211: {  	v58 =	vsub.f32 v58, v30;
	v30 =	vld [tilespmem:s29+$0x2650];
	v9 =	vadd.f32 v3, v39  }
0x212: {  	v56 =	vadd.f32 v31, v53;
	v55 =	vadd.f32 v33, v51  }
0x213: {  	v48 =	vadd.f32 v35, v2;
	v41 =	vsub.f32 v2, v35;
	[tilespmem:s29+$0x6E70] =	vst v1;
	v1 =	vld [tilespmem:s29+$0x2660]  }
0x214: {  	v3 =	vld [tilespmem:s29+$0x2640];
	v35 =	vsub.f32 v29, v32;
	v54 =	vsub.f32 v53, v31  }
0x215: {  	v12 =	vld [tilespmem:s29+$0x6660];
	v53 =	vsub.f32 v51, v33;
	v51 =	vadd.f32 v34, v42  }
0x216: {  	v31 =	vld [tilespmem:s29+$0x6650];
	v42 =	vsub.f32 v42, v34;
	v34 =	vadd.f32 v11, v30  }
0x217: {  	v2 =	vld [tilespmem:s29+$0x2670];
	[tilespmem:s29+$0x6A70] =	vst v37;
	v37 =	vadd.f32 v32, v29;
	v32 =	vsub.f32 v30, v11  }
0x218: {  	v30 =	vadd.f32 v44, v1;
	v6 =	vsub.f32 v1, v44;
	v1 =	vld [tilespmem:$0x1FFF0]  }
0x219: {  	v39 =	vadd.f32 v36, v3  }
0x21a: {  	v36 =	vsub.f32 v3, v36;
	v26 =	vsub.f32 v12, v45  }
0x21b: {  	v33 =	vadd.f32 v43, v31;
	v31 =	vsub.f32 v31, v43  }
0x21c: {  	v43 =	vsub.f32 v38, v57;
	v29 =	vadd.f32 v45, v12  }
0x21d: {  	v44 =	vadd.f32 v49, v16;
	v11 =	vadd.f32 v1, v2  }
0x21e: {  	v1 =	vsub.f32 v2, v1;
	v2 =	vadd.f32 v47, v60  }
0x21f: {  	v45 =	vsub.f32 v63, v52;
	[tilespmem:s29+$0x6600] =	vst v44;
	v60 =	vsub.f32 v60, v47  }
0x220: {  	v44 =	vadd.f32 v57, v38;
	[tilespmem:s29+$0x2600] =	vst v2;
	v2 =	vsub.f32 v16, v49  }
0x221: {  	v38 =	vadd.f32 v46, v40;
	v49 =	vadd.f32 v50, v0;
	[tilespmem:s29+$0x2E00] =	vst v60  }
0x222: {  	s30 =	simm.s32 $0x13630;
	v40 =	vsub.f32 v40, v46;
	v60 =	vsub.f32 v0, v50;
	[tilespmem:s29+$0x6E00] =	vst v2  }
0x223: {  	s28 =	simm.s32 $0x4600;
	s26 =	simm.s32 $0x17630;
	s25 =	simm.s32 $0x8600;
	v47 =	vadd.f32 v52, v63;
	[tilespmem:s29+$0x2A00] =	vst v49;
	v2 =	vadd.f32 v27, v59  }
.LBB2_6:
0x224: {  	[tilespmem:s29+$0x3200] =	vst v60  }
0x225: {  	[tilespmem:s29+$0x6A00] =	vst v47  }
0x226: {  	[tilespmem:s29+$0x7200] =	vst v45  }
0x227: {  	[tilespmem:s29+$0x2610] =	vst v44  }
0x228: {  	[tilespmem:s29+$0x2E10] =	vst v43  }
0x229: {  	[tilespmem:s29+$0x6610] =	vst v38  }
0x22a: {  	v27 =	vsub.f32 v59, v27;
	[tilespmem:s29+$0x6E10] =	vst v40  }
0x22b: {  	s31 =	sadd.s32 $0x8, s31;
	v46 =	vadd.f32 v28, v58;
	v28 =	vsub.f32 v58, v28;
	[tilespmem:s29+$0x2A10] =	vst v2  }
0x22c: {  	s0 =	sand.u32 $0x38, s31;
	v44 =	vadd.f32 v21, v54;
	v43 =	vsub.f32 v54, v21;
	[tilespmem:s29+$0x3210] =	vst v27  }
0x22d: {  	v38 =	vadd.f32 v23, v51;
	v23 =	vsub.f32 v51, v23;
	s1 =	sshll.u32 s0, $0x4;
	[tilespmem:s29+$0x6A10] =	vst v46  }
0x22e: {  	s24 =	sadd.s32 $0x20, s24;
	v40 =	vadd.f32 v19, v48;
	v19 =	vsub.f32 v48, v19;
	[tilespmem:s29+$0x7210] =	vst v28;
	v49 =	vld [tilespmem:s1+$0x12A60]  }
0x22f: {  	s12 =	sand.u32 $0x300, s24;
	v27 =	vadd.f32 v18, v41;
	v28 =	vadd.f32 v15, v37;
	v50 =	vld [tilespmem:s1+$0x16A60];
	[tilespmem:s29+$0x2A20] =	vst v44  }
0x230: {  	s0 =	sor.u32 s0, s12;
	v15 =	vsub.f32 v37, v15;
	v37 =	vld [tilespmem:s1+$0x12E60];
	v44 =	vadd.f32 v10, v34;
	[tilespmem:s29+$0x3220] =	vst v43  }
0x231: {  	s0 =	sshll.u32 s0, $0x4;
	v54 =	vld [tilespmem:s1+$0x16E60];
	[tilespmem:s29+$0x2630] =	vst v38;
	v34 =	vsub.f32 v34, v10;
	v58 =	vadd.f32 v25, v56  }
0x232: {  	v3 =	vmov v26;
	[tilespmem:s29+$0x2E30] =	vst v23;
	v26 =	vsub.f32 v56, v25;
	v45 =	vadd.f32 v24, v55;
	v59 =	vld [tilespmem:s0+$0x3270]  }
0x233: {  	v24 =	vsub.f32 v55, v24;
	v52 =	vadd.f32 v22, v53;
	v38 =	vld [tilespmem:s0+$0x3230];
	[tilespmem:s29+$0x6630] =	vst v40  }
0x234: {  	v22 =	vsub.f32 v53, v22;
	v60 =	vld [tilespmem:s0+$0x7270];
	v48 =	vadd.f32 v17, v42;
	[tilespmem:s29+$0x6E30] =	vst v19  }
0x235: {  	v2 =	vld [tilespmem:s0+$0x2A70];
	v16 =	vsub.f32 v42, v17;
	v17 =	vsub.f32 v41, v18;
	[tilespmem:s29+$0x6A30] =	vst v27  }
0x236: {  	v41 =	vadd.f32 v20, v39;
	v18 =	vsub.f32 v39, v20;
	v40 =	vld [tilespmem:s0+$0x3240];
	[tilespmem:s29+$0x6640] =	vst v28  }
0x237: {  	v42 =	vld [tilespmem:s0+$0x6A70];
	v27 =	vsub.f32 v32, v61;
	v25 =	vsub.f32 v6, v7;
	[tilespmem:s29+$0x6E40] =	vst v15  }
0x238: {  	v21 =	vld [tilespmem:s0+$0x3200];
	[tilespmem:s29+$0x2E20] =	vst v26;
	v26 =	vadd.f32 v13, v36;
	v36 =	vsub.f32 v36, v13  }
0x239: {  	v46 =	vld [tilespmem:s0+$0x2E70];
	[tilespmem:s29+$0x6620] =	vst v45;
	v45 =	vadd.f32 v8, v35;
	v35 =	vsub.f32 v35, v8  }
0x23a: {  	v23 =	vld [tilespmem:s0+$0x7230];
	[tilespmem:s29+$0x2A30] =	vst v48;
	v48 =	vadd.f32 v61, v32;
	v39 =	vmul.f32 v59, v49;
	v51 =	vmul.f32 v60, v50  }
0x23b: {  	v55 =	vld [tilespmem:s0+$0x6E70];
	[tilespmem:s29+$0x2620] =	vst v58;
	v32 =	vadd.f32 v14, v31;
	v63 =	vmul.f32 v59, v50;
	v53 =	vmul.f32 v60, v49  }
0x23c: {  	v57 =	vld [tilespmem:s0+$0x7200];
	[tilespmem:s29+$0x7230] =	vst v17;
	v17 =	vsub.f32 v31, v14;
	v60 =	vmul.f32 v2, v49;
	v13 =	vmul.f32 v42, v50  }
0x23d: {  	[tilespmem:s29+$0x6E20] =	vst v24;
	v24 =	vld [tilespmem:s0+$0x6670];
	v31 =	vadd.f32 v4, v30;
	v2 =	vmul.f32 v2, v50;
	v12 =	vmul.f32 v42, v49  }
0x23e: {  	v43 =	vld [tilespmem:s0+$0x7210];
	[tilespmem:s29+$0x6A20] =	vst v52;
	v39 =	vsub.f32 v39, v51;
	v47 =	vadd.f32 v53, v63  }
0x23f: {  	v19 =	vld [tilespmem:s1+$0x12A00];
	[tilespmem:s29+$0x3230] =	vst v16;
	v51 =	vadd.f32 v12, v2;
	v0 =	vsub.f32 v60, v13  }
0x240: {  	v58 =	vld [tilespmem:s1+$0x16A00];
	[tilespmem:s29+$0x6A40] =	vst v45;
	v42 =	vsub.f32 v46, v39;
	v49 =	vsub.f32 v55, v47  }
0x241: {  	v39 =	vadd.f32 v39, v46;
	v46 =	vadd.f32 v47, v55;
	v47 =	vld [tilespmem:s0+$0x3220];
	[tilespmem:s29+$0x7220] =	vst v22  }
0x242: {  	[tilespmem:$0x1FF30] =	vst v0;
	v12 =	vsub.f32 v24, v51;
	v24 =	vadd.f32 v51, v24;
	v51 =	vld [tilespmem:s0+$0x7240]  }
0x243: {  	v30 =	vsub.f32 v30, v4;
	[tilespmem:s29+$0x2640] =	vst v41;
	v0 =	vld [tilespmem:$0x1FF80];
	v52 =	vmul.f32 v49, v54;
	v63 =	vmul.f32 v42, v37  }
0x244: {  	v53 =	vld [tilespmem:s1+$0x129F0];
	v41 =	vadd.f32 v9, v29;
	[tilespmem:s29+$0x2E40] =	vst v18;
	v22 =	vmul.f32 v39, v37;
	v60 =	vmul.f32 v46, v54  }
0x245: {  	v18 =	vsub.f32 v29, v9;
	[tilespmem:s29+$0x2A40] =	vst v26;
	v39 =	vmul.f32 v39, v54;
	v42 =	vmul.f32 v42, v54;
	v54 =	vld [tilespmem:s1+$0x169F0]  }
0x246: {  	v8 =	vld [tilespmem:s1+$0x12A20];
	v29 =	vadd.f32 v7, v6;
	[tilespmem:s29+$0x3240] =	vst v36;
	v46 =	vmul.f32 v46, v37;
	v37 =	vmul.f32 v49, v37  }
0x247: {  	v16 =	vld [tilespmem:s1+$0x16A20];
	[tilespmem:s29+$0x7240] =	vst v35;
	v13 =	vsub.f32 v52, v63;
	v22 =	vsub.f32 v22, v60  }
0x248: {  	v10 =	vadd.f32 v37, v42;
	v42 =	vld [tilespmem:s0+$0x7250];
	[tilespmem:s29+$0x2650] =	vst v44;
	v60 =	vadd.f32 v0, v11  }
0x249: {  	v50 =	vld [tilespmem:s0+$0x3210];
	[tilespmem:s29+$0x2E50] =	vst v34;
	v61 =	vsub.f32 v11, v0;
	v63 =	vsub.f32 v12, v13;
	v0 =	vmov v22  }
0x24a: {  	v55 =	vld [tilespmem:s0+$0x7220];
	v4 =	vmul.f32 v57, v53;
	v37 =	vadd.f32 v62, v33;
	[tilespmem:$0x1FF80] =	vst v0;
	v7 =	vmul.f32 v21, v54  }
0x24b: {  	v39 =	vadd.f32 v46, v39;
	v46 =	vld [tilespmem:s0+$0x3250];
	[tilespmem:s0+$0x7270] =	vst v63  }
0x24c: {  	v11 =	vadd.f32 v4, v7;
	v4 =	vld [tilespmem:s1+$0x12A40];
	[tilespmem:s29+$0x6650] =	vst v37  }
0x24d: {  	v15 =	vld [tilespmem:s1+$0x12A10];
	v33 =	vsub.f32 v33, v62;
	[tilespmem:s29+$0x2670] =	vst v60  }
0x24e: {  	v6 =	vld [tilespmem:s1+$0x12A30];
	[tilespmem:s29+$0x2E70] =	vst v61  }
0x24f: {  	v7 =	vld [tilespmem:s1+$0x16A40];
	[tilespmem:s29+$0x6E50] =	vst v33  }
0x250: {  	v0 =	vld [tilespmem:$0x1FF90];
	[tilespmem:s29+$0x2A50] =	vst v48  }
0x251: {  	v9 =	vld [tilespmem:s1+$0x16A30];
	[tilespmem:s29+$0x3250] =	vst v27  }
0x252: {  	v56 =	vadd.f32 v5, v3;
	v49 =	vld [tilespmem:s0+$0x3260];
	v20 =	vadd.f32 v39, v24;
	[tilespmem:s29+$0x6A50] =	vst v32  }
0x253: {  	v45 =	vmul.f32 v23, v8;
	v23 =	vmul.f32 v23, v16;
	v22 =	vld [tilespmem:s1+$0x16A10];
	v24 =	vsub.f32 v24, v39;
	[tilespmem:s29+$0x7250] =	vst v17  }
0x254: {  	v59 =	vsub.f32 v3, v5;
	v3 =	vmul.f32 v21, v53;
	v52 =	vld [tilespmem:s0+$0x7260];
	v5 =	vmul.f32 v57, v54;
	[tilespmem:s0+$0x6670] =	vst v20  }
0x255: {  	v14 =	vmul.f32 v50, v19;
	v62 =	vld [tilespmem:s0+$0x2E10];
	v44 =	vmul.f32 v55, v15;
	[tilespmem:s0+$0x6E70] =	vst v24;
	v26 =	vadd.f32 v0, v1  }
0x256: {  	v27 =	vld [tilespmem:s0+$0x2A00];
	v28 =	vsub.f32 v1, v0;
	v1 =	vsub.f32 v3, v5;
	v3 =	vmul.f32 v43, v58;
	v0 =	vmovc v10  }
0x257: {  	v21 =	vmul.f32 v43, v19;
	v32 =	vld [tilespmem:s0+$0x6A00];
	v5 =	vmul.f32 v50, v58;
	[tilespmem:$0x1FF90] =	vst v0  }
0x258: {  	v17 =	vld [tilespmem:s0+$0x2E00];
	v43 =	vmul.f32 v47, v15;
	v34 =	vsub.f32 v14, v3;
	v3 =	vmul.f32 v55, v22;
	[tilespmem:s29+$0x2A70] =	vst v26  }
0x259: {  	v48 =	vmul.f32 v51, v6;
	v14 =	vmul.f32 v47, v22;
	v37 =	vadd.f32 v21, v5;
	v5 =	vld [tilespmem:s1+$0x16A50];
	[tilespmem:s29+$0x3270] =	vst v28  }
0x25a: {  	v21 =	vmul.f32 v38, v8;
	v47 =	vmul.f32 v38, v16;
	v33 =	vsub.f32 v43, v3;
	v3 =	vld [tilespmem:s1+$0x12A50];
	[tilespmem:s29+$0x2660] =	vst v31  }
0x25b: {  	v50 =	vmul.f32 v46, v4;
	v55 =	vld [tilespmem:s0+$0x6A10];
	v63 =	vmul.f32 v27, v53;
	[tilespmem:s29+$0x2E60] =	vst v30  }
0x25c: {  	v57 =	vmul.f32 v32, v54;
	v36 =	vadd.f32 v44, v14;
	v14 =	vmul.f32 v40, v6;
	v31 =	vld [tilespmem:s0+$0x6E00];
	[tilespmem:s29+$0x6660] =	vst v41  }
0x25d: {  	v43 =	vsub.f32 v21, v23;
	v21 =	vmul.f32 v51, v9;
	v23 =	vmul.f32 v40, v9;
	v30 =	vld [tilespmem:s0+$0x2A10];
	[tilespmem:s29+$0x6E60] =	vst v18  }
0x25e: {  	v35 =	vadd.f32 v45, v47;
	v51 =	vmul.f32 v42, v4;
	[tilespmem:s29+$0x2A60] =	vst v29;
	v29 =	vld [tilespmem:s0+$0x6E10];
	v10 =	vsub.f32 v62, v34  }
0x25f: {  	[tilespmem:s29+$0x3260] =	vst v25;
	v25 =	vld [tilespmem:s0+$0x2A20];
	v0 =	vsub.f32 v63, v57;
	v44 =	vsub.f32 v14, v21;
	v14 =	vmul.f32 v42, v7  }
0x260: {  	[tilespmem:s29+$0x6A60] =	vst v56;
	v56 =	vld [tilespmem:s0+$0x2E30];
	v21 =	vmul.f32 v46, v7;
	v38 =	vadd.f32 v48, v23;
	v46 =	vmul.f32 v27, v54  }
0x261: {  	[tilespmem:s29+$0x7260] =	vst v59;
	s29 =	smov.u32 s0;
	v63 =	vld [tilespmem:s0+$0x6A20];
	v47 =	vmul.f32 v55, v19;
	v45 =	vsub.f32 v50, v14;
	v14 =	vmul.f32 v52, v5  }
0x262: {  	v57 =	vld [tilespmem:s29+$0x2A40];
	v40 =	vadd.f32 v51, v21;
	v42 =	vmul.f32 v52, v3;
	v52 =	vmul.f32 v49, v5  }
0x263: {  	v54 =	vld [tilespmem:s0+$0x2A30];
	v23 =	vmul.f32 v49, v3;
	v51 =	vadd.f32 v11, v31;
	v18 =	vsub.f32 v31, v11  }
0x264: {  	v31 =	vmul.f32 v30, v19;
	v30 =	vmul.f32 v30, v58;
	v27 =	vadd.f32 v42, v52;
	v52 =	vld [tilespmem:s0+$0x2E20]  }
0x265: {  	v49 =	vadd.f32 v37, v29;
	v50 =	vsub.f32 v23, v14;
	v14 =	vmul.f32 v32, v53;
	v53 =	vld [tilespmem:s0+$0x6E20]  }
0x266: {  	v26 =	vld [tilespmem:s0+$0x6E30];
	v19 =	vsub.f32 v29, v37;
	v29 =	vmul.f32 v25, v15;
	v39 =	vadd.f32 v43, v56  }
0x267: {  	v48 =	vmul.f32 v57, v6;
	v2 =	vadd.f32 v14, v46;
	v46 =	vmul.f32 v55, v58;
	v55 =	vld [tilespmem:s0+$0x6A30]  }
0x268: {  	v60 =	vld [tilespmem:s29+$0x6A40];
	v23 =	vadd.f32 v34, v62;
	v32 =	vmul.f32 v63, v15;
	v59 =	vmul.f32 v54, v16  }
0x269: {  	[tilespmem:$0x1FF00] =	vst v0;
	v62 =	vld [tilespmem:s29+$0x2E40];
	v58 =	vmul.f32 v54, v8;
	v0 =	vsub.f32 v31, v46;
	v24 =	vadd.f32 v33, v52  }
0x26a: {  	v54 =	vld [tilespmem:s29+$0x6A50];
	v31 =	vmul.f32 v25, v22;
	v15 =	vsub.f32 v52, v33;
	v28 =	vadd.f32 v36, v53  }
0x26b: {  	v46 =	vld [tilespmem:s1+$0x12DF0];
	v52 =	vmul.f32 v57, v9;
	[tilespmem:$0x1FF10] =	vst v0;
	v0 =	vadd.f32 v47, v30;
	v30 =	vmul.f32 v63, v22  }
0x26c: {  	v57 =	vld [tilespmem:s29+$0x2E50];
	v22 =	vsub.f32 v53, v36;
	v53 =	vadd.f32 v35, v26;
	v61 =	vmul.f32 v55, v8  }
0x26d: {  	v63 =	vld [tilespmem:s29+$0x6E40];
	v8 =	vsub.f32 v56, v43;
	v56 =	vmul.f32 v60, v6;
	v29 =	vsub.f32 v29, v30  }
0x26e: {  	v30 =	vadd.f32 v32, v31;
	v31 =	vmul.f32 v55, v16;
	v16 =	vsub.f32 v26, v35;
	v26 =	vld [tilespmem:s29+$0x2A50]  }
0x26f: {  	v12 =	vadd.f32 v13, v12;
	v21 =	vadd.f32 v1, v17;
	v55 =	vmul.f32 v60, v9;
	v60 =	vld [tilespmem:s1+$0x16DF0]  }
0x270: {  	v17 =	vsub.f32 v17, v1;
	v34 =	vadd.f32 v56, v52;
	v52 =	vld [tilespmem:s29+$0x2E60]  }
0x271: {  	v37 =	vadd.f32 v44, v62;
	v31 =	vsub.f32 v58, v31;
	v58 =	vld [tilespmem:s29+$0x6E50]  }
0x272: {  	v6 =	vsub.f32 v62, v44;
	v62 =	vmul.f32 v54, v7;
	v32 =	vadd.f32 v61, v59;
	v59 =	vld [tilespmem:s29+$0x2A60]  }
0x273: {  	v47 =	vld [tilespmem:s29+$0x6A60];
	v43 =	vmul.f32 v54, v4;
	v33 =	vsub.f32 v48, v55;
	v35 =	vadd.f32 v45, v57  }
0x274: {  	v56 =	vld [tilespmem:s1+$0x12E00];
	v42 =	vadd.f32 v38, v63;
	v9 =	vsub.f32 v63, v38;
	v61 =	vmul.f32 v26, v4  }
0x275: {  	v63 =	vld [tilespmem:s29+$0x6E60];
	v26 =	vmul.f32 v26, v7;
	v4 =	vsub.f32 v57, v45;
	v36 =	vadd.f32 v50, v52  }
0x276: {  	v13 =	vmul.f32 v18, v60;
	v48 =	vadd.f32 v40, v58;
	v7 =	vsub.f32 v58, v40  }
0x277: {  	v38 =	vsub.f32 v61, v62;
	v61 =	vmul.f32 v59, v3;
	v62 =	vmul.f32 v59, v5  }
0x278: {  	v57 =	vld [tilespmem:s1+$0x16E00];
	v40 =	vadd.f32 v43, v26;
	v26 =	vmul.f32 v47, v5;
	v47 =	vmul.f32 v47, v3  }
0x279: {  	v3 =	vsub.f32 v52, v50;
	v52 =	vmul.f32 v18, v46;
	v18 =	vmul.f32 v23, v56  }
0x27a: {  	v41 =	vadd.f32 v27, v63;
	v5 =	vsub.f32 v63, v27;
	v27 =	vmul.f32 v21, v46  }
0x27b: {  	v63 =	vmul.f32 v51, v46;
	v21 =	vmul.f32 v21, v60;
	v43 =	vsub.f32 v61, v26  }
0x27c: {  	v58 =	vld [tilespmem:s1+$0x12E10];
	v26 =	vmul.f32 v51, v60;
	v44 =	vadd.f32 v47, v62;
	v47 =	vmul.f32 v17, v60  }
0x27d: {  	v59 =	vld [tilespmem:s1+$0x16E10];
	v17 =	vmul.f32 v17, v46;
	v46 =	vadd.f32 v63, v21;
	v21 =	vmul.f32 v49, v57  }
0x27e: {  	[tilespmem:s29+$0x6A70] =	vst v12;
	v12 =	vmul.f32 v23, v57;
	v23 =	vmul.f32 v49, v56;
	v45 =	vsub.f32 v27, v26  }
0x27f: {  	v54 =	vld [tilespmem:s1+$0x12E30];
	v47 =	vadd.f32 v52, v47;
	v49 =	vsub.f32 v13, v17;
	v13 =	vmul.f32 v10, v57  }
0x280: {  	v55 =	vld [tilespmem:s1+$0x16E20];
	v17 =	vmul.f32 v19, v56;
	v10 =	vmul.f32 v10, v56;
	v50 =	vsub.f32 v18, v21  }
0x281: {  	v51 =	vld [tilespmem:s1+$0x12E20];
	v18 =	vmul.f32 v19, v57;
	v52 =	vadd.f32 v23, v12;
	v12 =	vmul.f32 v24, v58  }
0x282: {  	v19 =	vmul.f32 v28, v59;
	v27 =	vadd.f32 v17, v13;
	v13 =	vmul.f32 v24, v59  }
0x283: {  	v60 =	vld [tilespmem:s1+$0x16E30];
	v17 =	vmul.f32 v28, v58;
	v28 =	vsub.f32 v18, v10;
	v10 =	vmul.f32 v15, v59  }
0x284: {  	v18 =	vmul.f32 v22, v58;
	v11 =	vsub.f32 v12, v19;
	v12 =	vmul.f32 v22, v59  }
0x285: {  	v15 =	vmul.f32 v15, v58;
	v59 =	vmul.f32 v42, v54  }
0x286: {  	[tilespmem:$0x1FF40] =	vst v11;
	v11 =	vadd.f32 v17, v13;
	v13 =	vmul.f32 v39, v51;
	v17 =	vmul.f32 v53, v55  }
0x287: {  	v61 =	vld [tilespmem:s1+$0x12E40];
	v26 =	vadd.f32 v18, v10;
	v10 =	vmul.f32 v39, v55;
	v18 =	vmul.f32 v53, v51  }
0x288: {  	v62 =	vld [tilespmem:s1+$0x16E40];
	v53 =	vmul.f32 v9, v54;
	v9 =	vmul.f32 v9, v60  }
0x289: {  	v56 =	vld [tilespmem:s1+$0x12E50];
	[tilespmem:$0x1FF50] =	vst v11;
	v11 =	vsub.f32 v12, v15;
	v12 =	vmul.f32 v8, v55;
	v15 =	vmul.f32 v16, v51  }
0x28a: {  	v57 =	vld [tilespmem:s1+$0x16E50];
	v25 =	vsub.f32 v13, v17;
	v13 =	vmul.f32 v16, v55;
	v17 =	vmul.f32 v8, v51  }
0x28b: {  	v55 =	vadd.f32 v18, v10;
	v18 =	vmul.f32 v37, v54;
	v51 =	vmul.f32 v42, v60  }
0x28c: {  	v42 =	vmul.f32 v6, v60;
	v8 =	vadd.f32 v15, v12;
	v15 =	vmul.f32 v37, v60  }
0x28d: {  	v1 =	vld [tilespmem:s29+$0x2610];
	v24 =	vsub.f32 v18, v51;
	v51 =	vmul.f32 v6, v54;
	v37 =	vmul.f32 v35, v61  }
0x28e: {  	v21 =	vld [tilespmem:s29+$0x2630];
	v20 =	vadd.f32 v53, v42;
	v35 =	vmul.f32 v35, v62;
	v42 =	vmul.f32 v48, v61  }
0x28f: {  	v63 =	vld [tilespmem:s29+$0x2600];
	v53 =	vmul.f32 v36, v56;
	v54 =	vmul.f32 v41, v57  }
0x290: {  	v19 =	vld [tilespmem:s29+$0x2620];
	v23 =	vsub.f32 v13, v17;
	v36 =	vmul.f32 v36, v57;
	v41 =	vmul.f32 v41, v56  }
0x291: {  	v16 =	vld [tilespmem:s29+$0x6630];
	[tilespmem:$0x1FF60] =	vst v11;
	v22 =	vadd.f32 v59, v15;
	v59 =	vmul.f32 v48, v62;
	v11 =	vsub.f32 v9, v51  }
0x292: {  	v12 =	vld [tilespmem:s29+$0x2640];
	v48 =	vmul.f32 v4, v62;
	v51 =	vmul.f32 v7, v61;
	v18 =	vadd.f32 v42, v35  }
0x293: {  	v13 =	vld [tilespmem:s29+$0x6640];
	v14 =	vsub.f32 v53, v54;
	v54 =	vmul.f32 v3, v56;
	v42 =	vsub.f32 v21, v31  }
0x294: {  	v60 =	vld [tilespmem:s29+$0x2650];
	[tilespmem:$0x1FF70] =	vst v8;
	v8 =	vsub.f32 v37, v59;
	v59 =	vmul.f32 v4, v61;
	v17 =	vadd.f32 v51, v48  }
0x295: {  	v6 =	vld [tilespmem:s29+$0x6650];
	v61 =	vmul.f32 v5, v56;
	v4 =	vadd.f32 v41, v36;
	v56 =	vadd.f32 v29, v19  }
0x296: {  	v39 =	vld [tilespmem:s29+$0x6620];
	v7 =	vmul.f32 v7, v62;
	v51 =	vadd.f32 v31, v21;
	v48 =	vadd.f32 v32, v16  }
0x297: {  	v53 =	vmul.f32 v5, v57;
	v5 =	vld [tilespmem:$0x1FF10];
	v41 =	vsub.f32 v16, v32;
	v36 =	vsub.f32 v12, v33  }
0x298: {  	v37 =	vadd.f32 v34, v13;
	v10 =	vsub.f32 v7, v59;
	v59 =	vmul.f32 v3, v57;
	v3 =	vld [tilespmem:$0x1FF00]  }
0x299: {  	[tilespmem:$0x1FF20] =	vst v0;
	v0 =	vld [tilespmem:s29+$0x6600];
	v35 =	vsub.f32 v13, v34;
	v34 =	vadd.f32 v38, v60  }
0x29a: {  	v32 =	vsub.f32 v60, v38;
	v31 =	vsub.f32 v6, v40  }
0x29b: {  	v7 =	vsub.f32 v53, v54;
	v54 =	vsub.f32 v19, v29  }
0x29c: {  	v15 =	vld [tilespmem:s29+$0x2660];
	v19 =	vmov v55;
	v55 =	vadd.f32 v30, v39;
	v61 =	vadd.f32 v61, v59  }
0x29d: {  	v9 =	vld [tilespmem:s29+$0x6660];
	v59 =	vsub.f32 v1, v5;
	v57 =	vadd.f32 v3, v63  }
0x29e: {  	v58 =	vld [tilespmem:s29+$0x6610];
	v63 =	vsub.f32 v63, v3;
	v3 =	vadd.f32 v2, v0  }
0x29f: {  	v0 =	vsub.f32 v0, v2;
	v2 =	vadd.f32 v5, v1;
	v1 =	vld [tilespmem:$0x1FF20]  }
0x2a0: {  	v53 =	vsub.f32 v39, v30;
	v39 =	vadd.f32 v33, v12  }
0x2a1: {  	v33 =	vadd.f32 v40, v6;
	v30 =	vadd.f32 v43, v15  }
0x2a2: {  	v6 =	vsub.f32 v15, v43;
	v29 =	vadd.f32 v44, v9  }
0x2a3: {  	v62 =	vld [tilespmem:s29+$0x2670];
	v21 =	vmov v26;
	v26 =	vsub.f32 v9, v44;
	v9 =	vadd.f32 v45, v57  }
0x2a4: {  	v5 =	vadd.f32 v1, v58;
	v58 =	vsub.f32 v58, v1;
	v1 =	vld [tilespmem:$0x1FF30]  }
0x2a5: {  	v12 =	vsub.f32 v57, v45;
	v16 =	vadd.f32 v46, v3  }
0x2a6: {  	v3 =	vsub.f32 v3, v46;
	v60 =	vsub.f32 v63, v47  }
0x2a7: {  	v45 =	vsub.f32 v0, v49;
	[tilespmem:s29+$0x2600] =	vst v9;
	v9 =	vadd.f32 v47, v63  }
0x2a8: {  	p0 =	slt.u32 s31, $0xF8;
	v44 =	vadd.f32 v50, v2;
	v43 =	vsub.f32 v2, v50  }
.Ltmp2:
0x2a9: {  	v2 =	vadd.f32 v27, v59;
	v15 =	vadd.f32 v1, v62;
	(pc) =	sbr.rel @p0 .LBB2_6-.Ltmp2, $4  }
0x2aa: {  	v13 =	vmovc v20;
	v20 =	vmov v24;
	v24 =	vld [tilespmem:$0x1FF50];
	[tilespmem:s29+$0x2E00] =	vst v12;
	v47 =	vadd.f32 v49, v0;
	v38 =	vadd.f32 v52, v5  }
0x2ab: {  	[tilespmem:s29+$0x2A00] =	vst v9;
	v40 =	vsub.f32 v5, v52;
	v9 =	vmovc v4;
	v5 =	vmovc v7;
	v7 =	vmov v61;
	v61 =	vmov v17;
	v17 =	vld [tilespmem:$0x1FF70]  }
0x2ac: {  	[tilespmem:s29+$0x6600] =	vst v16;
	v4 =	vmovc v14;
	v1 =	vsub.f32 v62, v1;
	v62 =	vmovc v18;
	v18 =	vmov v23;
	v23 =	vmov v25;
	v25 =	vld [tilespmem:$0x1FF40]  }
0x2ad: {  	[tilespmem:s29+$0x6E00] =	vst v3;
	v14 =	vmovc v10;
	v10 =	vmovc v8;
	v8 =	vmov v11;
	v11 =	vmov v15;
	v15 =	vmov v22;
	v22 =	vld [tilespmem:$0x1FF60]  }
0x2ae: {  	[tilespmem:s29+$0x3200] =	vst v60  }
0x2af: {  	[tilespmem:s29+$0x6A00] =	vst v47  }
0x2b0: {  	[tilespmem:s29+$0x7200] =	vst v45  }
0x2b1: {  	[tilespmem:s29+$0x2610] =	vst v44  }
0x2b2: {  	[tilespmem:s29+$0x2E10] =	vst v43  }
0x2b3: {  	[tilespmem:s29+$0x6610] =	vst v38  }
0x2b4: {  	v0 =	vsub.f32 v59, v27;
	[tilespmem:s29+$0x6E10] =	vst v40  }
0x2b5: {  	[tilespmem:s29+$0x2A10] =	vst v2;
	v2 =	vsub.f32 v58, v28  }
0x2b6: {  	v3 =	vadd.f32 v28, v58;
	[tilespmem:s29+$0x3210] =	vst v0  }
0x2b7: {  	[tilespmem:s29+$0x7210] =	vst v2;
	v2 =	vadd.f32 v24, v55  }
0x2b8: {  	[tilespmem:s29+$0x6A10] =	vst v3;
	v0 =	vadd.f32 v25, v56  }
0x2b9: {  	v3 =	vsub.f32 v56, v25;
	[tilespmem:s29+$0x6620] =	vst v2  }
0x2ba: {  	v2 =	vsub.f32 v54, v21;
	[tilespmem:s29+$0x2620] =	vst v0  }
0x2bb: {  	v0 =	vsub.f32 v55, v24;
	[tilespmem:s29+$0x2E20] =	vst v3  }
0x2bc: {  	v3 =	vadd.f32 v21, v54;
	[tilespmem:s29+$0x3220] =	vst v2  }
0x2bd: {  	v2 =	vadd.f32 v23, v51;
	[tilespmem:s29+$0x6E20] =	vst v0  }
0x2be: {  	v0 =	vadd.f32 v22, v53;
	[tilespmem:s29+$0x2A20] =	vst v3  }
0x2bf: {  	v3 =	vsub.f32 v53, v22;
	[tilespmem:s29+$0x2630] =	vst v2  }
0x2c0: {  	v2 =	vsub.f32 v48, v19;
	[tilespmem:s29+$0x6A20] =	vst v0  }
0x2c1: {  	v0 =	vsub.f32 v51, v23;
	[tilespmem:s29+$0x7220] =	vst v3  }
0x2c2: {  	v3 =	vadd.f32 v19, v48;
	[tilespmem:s29+$0x6E30] =	vst v2  }
0x2c3: {  	v2 =	vadd.f32 v18, v41;
	[tilespmem:s29+$0x2E30] =	vst v0  }
0x2c4: {  	v0 =	vadd.f32 v17, v42;
	[tilespmem:s29+$0x6630] =	vst v3  }
0x2c5: {  	v3 =	vsub.f32 v42, v17;
	[tilespmem:s29+$0x6A30] =	vst v2  }
0x2c6: {  	v2 =	vsub.f32 v39, v20;
	[tilespmem:s29+$0x2A30] =	vst v0  }
0x2c7: {  	v0 =	vsub.f32 v41, v18;
	[tilespmem:s29+$0x3230] =	vst v3  }
0x2c8: {  	v3 =	vadd.f32 v20, v39;
	[tilespmem:s29+$0x2E40] =	vst v2  }
0x2c9: {  	v2 =	vadd.f32 v13, v36;
	[tilespmem:s29+$0x7230] =	vst v0  }
0x2ca: {  	v0 =	vadd.f32 v15, v37;
	[tilespmem:s29+$0x2640] =	vst v3  }
0x2cb: {  	v3 =	vsub.f32 v37, v15;
	[tilespmem:s29+$0x2A40] =	vst v2  }
0x2cc: {  	v2 =	vsub.f32 v35, v8;
	[tilespmem:s29+$0x6640] =	vst v0  }
0x2cd: {  	v0 =	vsub.f32 v36, v13;
	[tilespmem:s29+$0x6E40] =	vst v3  }
0x2ce: {  	v3 =	vadd.f32 v8, v35;
	[tilespmem:s29+$0x7240] =	vst v2  }
0x2cf: {  	v2 =	vadd.f32 v62, v33;
	[tilespmem:s29+$0x3240] =	vst v0  }
0x2d0: {  	v0 =	vadd.f32 v10, v34;
	[tilespmem:s29+$0x6A40] =	vst v3  }
0x2d1: {  	v3 =	vsub.f32 v34, v10;
	[tilespmem:s29+$0x6650] =	vst v2  }
0x2d2: {  	v2 =	vsub.f32 v32, v61;
	[tilespmem:s29+$0x2650] =	vst v0  }
0x2d3: {  	v0 =	vsub.f32 v33, v62;
	[tilespmem:s29+$0x2E50] =	vst v3  }
0x2d4: {  	v3 =	vadd.f32 v61, v32;
	[tilespmem:s29+$0x3250] =	vst v2  }
0x2d5: {  	v2 =	vadd.f32 v4, v30;
	[tilespmem:s29+$0x6E50] =	vst v0  }
0x2d6: {  	v0 =	vadd.f32 v14, v31;
	[tilespmem:s29+$0x2A50] =	vst v3  }
0x2d7: {  	v3 =	vsub.f32 v31, v14;
	[tilespmem:s29+$0x2660] =	vst v2  }
0x2d8: {  	v2 =	vsub.f32 v29, v9;
	[tilespmem:s29+$0x6A50] =	vst v0  }
0x2d9: {  	v0 =	vsub.f32 v30, v4;
	[tilespmem:s29+$0x7250] =	vst v3  }
0x2da: {  	v3 =	vadd.f32 v9, v29;
	[tilespmem:s29+$0x6E60] =	vst v2  }
0x2db: {  	[tilespmem:s29+$0x2E60] =	vst v0;
	v0 =	vadd.f32 v7, v6  }
0x2dc: {  	[tilespmem:s29+$0x6660] =	vst v3;
	v3 =	vsub.f32 v6, v7  }
0x2dd: {  	[tilespmem:s29+$0x2A60] =	vst v0  }
0x2de: {  	[tilespmem:s29+$0x3260] =	vst v3  }
0x2df: {  	v4 =	vld [tilespmem:$0x1FF80]  }
0x2e0: {  	v2 =	vadd.f32 v5, v26  }
0x2e1: {  	v0 =	vsub.f32 v26, v5  }
0x2e2: {  	[tilespmem:s29+$0x6A60] =	vst v2  }
0x2e3: {  	[tilespmem:s29+$0x7260] =	vst v0  }
0x2e4: {  	v3 =	vadd.f32 v4, v11;
	v2 =	vsub.f32 v11, v4;
	v4 =	vld [tilespmem:$0x1FF90];
	_ =	sdelay $0x4  }
0x2e5: {  	[tilespmem:s29+$0x2670] =	vst v3;
	v0 =	vadd.f32 v4, v1  }
0x2e6: {  	[tilespmem:s29+$0x2E70] =	vst v2;
	v1 =	vsub.f32 v1, v4  }
0x2e7: {  	[tilespmem:s29+$0x2A70] =	vst v0  }
0x2e8: {  	[tilespmem:s29+$0x3270] =	vst v1  }
0x2e9: {  	v1 =	vld [tilespmem:s30+$0x30]  }
0x2ea: {  	v3 =	vld [tilespmem:s26+$0x30]  }
0x2eb: {  	v0 =	vld [tilespmem:s28+$0x1070]  }
0x2ec: {  	v4 =	vld [tilespmem:s25+$0x1070]  }
0x2ed: {  	v5 =	vld [tilespmem:s28+$0xFFFFF070]  }
0x2ee: {  	v6 =	vld [tilespmem:s25+$0xFFFFF070]  }
0x2ef: {  	v8 =	vld [tilespmem:s28+$0xFFFFE070]  }
0x2f0: {  	v9 =	vld [tilespmem:s28+$0x70]  }
0x2f1: {  	v10 =	vld [tilespmem:s25+$0x70]  }
0x2f2: {  	v12 =	vld [tilespmem:s30+$0x1030]  }
0x2f3: {  	v11 =	vld [tilespmem:s26+$0x1030]  }
0x2f4: {  	v14 =	vld [tilespmem:s26+$0xFFFFFFC0]  }
0x2f5: {  	v18 =	vld [tilespmem:s28+$0x1000]  }
0x2f6: {  	v13 =	vld [tilespmem:s25+$0xFFFFE070]  }
0x2f7: {  	v19 =	vld [tilespmem:s25+$0x1000]  }
0x2f8: {  	v15 =	vld [tilespmem:s30+$0xFFFFFFD0]  }
0x2f9: {  	v17 =	vld [tilespmem:s26+$0xFFFFFFD0]  }
0x2fa: {  	v16 =	vld [tilespmem:s28+$0x1010];
	v21 =	vmul.f32 v0, v1;
	v22 =	vmul.f32 v4, v3  }
0x2fb: {  	v20 =	vld [tilespmem:s25+$0x1010];
	v0 =	vmul.f32 v0, v3;
	v4 =	vmul.f32 v4, v1  }
0x2fc: {  	v2 =	vld [tilespmem:s30+$0xFFFFFFE0]  }
0x2fd: {  	v7 =	vld [tilespmem:s26+$0xFFFFFFE0];
	v25 =	vmul.f32 v5, v1;
	v21 =	vsub.f32 v21, v22;
	v4 =	vadd.f32 v4, v0  }
0x2fe: {  	v23 =	vld [tilespmem:s28+$0x1020];
	v1 =	vmul.f32 v6, v1;
	v22 =	vmul.f32 v6, v3  }
0x2ff: {  	v24 =	vld [tilespmem:s25+$0x1020];
	v3 =	vmul.f32 v5, v3;
	v26 =	vadd.f32 v21, v9;
	v27 =	vadd.f32 v4, v10  }
0x300: {  	v30 =	vld [tilespmem:s28+$0x1030];
	v22 =	vsub.f32 v25, v22  }
0x301: {  	v50 =	vld [tilespmem:s25+$0x1040];
	v28 =	vadd.f32 v1, v3;
	v1 =	vmul.f32 v26, v12;
	v29 =	vmul.f32 v27, v11  }
0x302: {  	v0 =	vld [tilespmem:s30+$0xFFFFFFF0];
	v21 =	vsub.f32 v9, v21;
	v31 =	vadd.f32 v22, v8  }
0x303: {  	v5 =	vld [tilespmem:s26+$0xFFFFFFF0];
	v9 =	vmul.f32 v27, v12;
	v29 =	vsub.f32 v1, v29;
	v1 =	vmul.f32 v26, v11  }
0x304: {  	v6 =	vld [tilespmem:s26+$0x0];
	v4 =	vsub.f32 v10, v4;
	v49 =	vadd.f32 v28, v13  }
0x305: {  	v25 =	vld [tilespmem:s25+$0x1030];
	v57 =	vmul.f32 v21, v11;
	v58 =	vadd.f32 v9, v1;
	v1 =	vadd.f32 v29, v31  }
0x306: {  	v3 =	vld [tilespmem:s30+$0x0];
	v59 =	vmul.f32 v4, v12;
	v22 =	vsub.f32 v8, v22;
	v8 =	vsub.f32 v31, v29  }
0x307: {  	v4 =	vmul.f32 v4, v11;
	v21 =	vmul.f32 v21, v12;
	v26 =	vld [tilespmem:s28+$0x1040];
	[tilespmem:$0x1FEA0] =	vst v1;
	v9 =	vadd.f32 v58, v49  }
0x308: {  	v60 =	vsub.f32 v13, v28;
	v1 =	vld [tilespmem:s30+$0x10];
	[tilespmem:$0x1FEB0] =	vst v8  }
0x309: {  	v21 =	vsub.f32 v4, v21;
	v8 =	vld [tilespmem:s26+$0x10];
	[tilespmem:$0x1FEC0] =	vst v9;
	v9 =	vsub.f32 v49, v58  }
0x30a: {  	v34 =	vmul.f32 v19, v14;
	v31 =	vld [tilespmem:s28+$0x1050]  }
0x30b: {  	v52 =	vmul.f32 v16, v15;
	v53 =	vmul.f32 v20, v17;
	v51 =	vld [tilespmem:s25+$0x1050];
	[tilespmem:$0x1FED0] =	vst v9;
	v9 =	vsub.f32 v60, v21  }
0x30c: {  	v54 =	vmul.f32 v16, v17;
	v55 =	vmul.f32 v23, v2;
	v29 =	vadd.f32 v59, v57;
	v4 =	vld [tilespmem:s30+$0x20]  }
0x30d: {  	v56 =	vmul.f32 v24, v7;
	v23 =	vmul.f32 v23, v7;
	v16 =	vld [tilespmem:s26+$0x20];
	[tilespmem:$0x1FEE0] =	vst v9  }
0x30e: {  	v24 =	vmul.f32 v24, v2;
	v13 =	vadd.f32 v29, v22;
	v29 =	vsub.f32 v22, v29;
	v22 =	vld [tilespmem:s28+$0x1060]  }
0x30f: {  	v20 =	vmul.f32 v20, v15;
	v32 =	vsub.f32 v52, v53;
	v27 =	vmul.f32 v18, v14;
	v40 =	vld [tilespmem:s25+$0x1060]  }
0x310: {  	v23 =	vadd.f32 v24, v23;
	v61 =	vmul.f32 v30, v0;
	v24 =	vmul.f32 v30, v5;
	v57 =	vld [tilespmem:s30+$0xFFFFFFC0]  }
0x311: {  	v20 =	vadd.f32 v20, v54;
	v62 =	vmul.f32 v25, v5;
	v25 =	vmul.f32 v25, v0;
	v63 =	vld [tilespmem:s28+$0xFFFFF000]  }
0x312: {  	v35 =	vsub.f32 v55, v56;
	v52 =	vmul.f32 v50, v6;
	v30 =	vmul.f32 v26, v3;
	v43 =	vld [tilespmem:s25+$0xFFFFF000]  }
0x313: {  	v24 =	vadd.f32 v25, v24;
	v25 =	vmul.f32 v26, v6;
	v26 =	vmul.f32 v50, v3;
	v44 =	vld [tilespmem:s28+$0x0]  }
0x314: {  	v41 =	vsub.f32 v30, v52;
	v46 =	vld [tilespmem:s28+$0xFFFFF010];
	v30 =	vmul.f32 v31, v1;
	v54 =	vmul.f32 v51, v8  }
0x315: {  	v25 =	vadd.f32 v26, v25;
	v55 =	vld [tilespmem:s25+$0xFFFFF010];
	v26 =	vmul.f32 v31, v8;
	v31 =	vmul.f32 v51, v1  }
0x316: {  	v39 =	vsub.f32 v61, v62;
	v59 =	vld [tilespmem:s28+$0x10];
	v58 =	vmul.f32 v22, v4;
	v22 =	vmul.f32 v22, v16  }
0x317: {  	v49 =	vld [tilespmem:s25+$0x10];
	v26 =	vadd.f32 v31, v26;
	v31 =	vmul.f32 v40, v16;
	v18 =	vmul.f32 v18, v57  }
0x318: {  	v50 =	vld [tilespmem:s25+$0x20];
	v45 =	vsub.f32 v30, v54;
	v40 =	vmul.f32 v40, v4;
	v19 =	vmul.f32 v19, v57  }
0x319: {  	v53 =	vld [tilespmem:s25+$0x0];
	v30 =	vadd.f32 v21, v60;
	v60 =	vmul.f32 v63, v57;
	v62 =	vmul.f32 v63, v14  }
0x31a: {  	v21 =	vld [tilespmem:s28+$0xFFFFF020];
	v38 =	vmul.f32 v43, v57;
	v56 =	vmul.f32 v46, v15  }
0x31b: {  	v63 =	vld [tilespmem:s28+$0xFFFFF030];
	v57 =	vmul.f32 v55, v17;
	v51 =	vadd.f32 v32, v59;
	v52 =	vsub.f32 v59, v32  }
0x31c: {  	v17 =	vmul.f32 v46, v17;
	v48 =	vadd.f32 v20, v49;
	v32 =	vld [tilespmem:s25+$0x30];
	v20 =	vsub.f32 v49, v20  }
0x31d: {  	v37 =	vmul.f32 v55, v15;
	v55 =	vadd.f32 v23, v50;
	v23 =	vsub.f32 v50, v23;
	v46 =	vld [tilespmem:s28+$0xFFFFF060]  }
0x31e: {  	v61 =	vmul.f32 v43, v14;
	v47 =	vsub.f32 v58, v31;
	v18 =	vsub.f32 v18, v34;
	v31 =	vld [tilespmem:s25+$0xFFFFF020]  }
0x31f: {  	v22 =	vadd.f32 v40, v22;
	v19 =	vadd.f32 v19, v27;
	v27 =	vld [tilespmem:s28+$0x20]  }
0x320: {  	v14 =	vsub.f32 v60, v61;
	v34 =	vld [tilespmem:s25+$0xFFFFF030];
	v15 =	vadd.f32 v38, v62;
	v59 =	vmul.f32 v21, v2  }
0x321: {  	v58 =	vld [tilespmem:s28+$0x30];
	v49 =	vmul.f32 v21, v7;
	v21 =	vsub.f32 v56, v57;
	v42 =	vadd.f32 v18, v44  }
0x322: {  	v40 =	vld [tilespmem:s28+$0xFFFFF040];
	v18 =	vsub.f32 v44, v18;
	v43 =	vadd.f32 v19, v53  }
0x323: {  	v60 =	vld [tilespmem:s25+$0xFFFFF040];
	v19 =	vsub.f32 v53, v19;
	v62 =	vmul.f32 v63, v0;
	v56 =	vadd.f32 v24, v32  }
0x324: {  	v61 =	vld [tilespmem:s28+$0x40];
	v63 =	vmul.f32 v63, v5;
	v57 =	vsub.f32 v32, v24;
	v54 =	vadd.f32 v35, v27  }
0x325: {  	v38 =	vld [tilespmem:s25+$0xFFFFF050];
	v7 =	vmul.f32 v31, v7;
	v35 =	vsub.f32 v27, v35;
	v2 =	vmul.f32 v31, v2  }
0x326: {  	v24 =	vld [tilespmem:s28+$0x50];
	v27 =	vadd.f32 v37, v17;
	v5 =	vmul.f32 v34, v5;
	v44 =	vadd.f32 v39, v58  }
0x327: {  	v17 =	vld [tilespmem:s25+$0x40];
	v50 =	vsub.f32 v58, v39;
	v0 =	vmul.f32 v34, v0;
	v39 =	vmul.f32 v40, v6  }
0x328: {  	v31 =	vsub.f32 v59, v7;
	v7 =	vld [tilespmem:s28+$0xFFFFF050];
	v32 =	vadd.f32 v2, v49;
	v2 =	vmul.f32 v40, v3  }
0x329: {  	v40 =	vld [tilespmem:s25+$0x50];
	v33 =	vsub.f32 v62, v5;
	v5 =	vmul.f32 v60, v6;
	v6 =	vadd.f32 v41, v61  }
0x32a: {  	v49 =	vsub.f32 v61, v41;
	v41 =	vld [tilespmem:s25+$0xFFFFF060];
	v34 =	vadd.f32 v0, v63  }
0x32b: {  	v59 =	vsub.f32 v24, v45;
	v12 =	vsub.f32 v2, v5;
	v5 =	vld [tilespmem:s25+$0x60]  }
0x32c: {  	v3 =	vmul.f32 v60, v3;
	v2 =	vadd.f32 v45, v24;
	v24 =	vld [tilespmem:s30+$0xFC0];
	v58 =	vadd.f32 v25, v17  }
0x32d: {  	v17 =	vsub.f32 v17, v25;
	v25 =	vld [tilespmem:s28+$0x60];
	v0 =	vmul.f32 v7, v1;
	v7 =	vmul.f32 v7, v8  }
0x32e: {  	v8 =	vmul.f32 v38, v8;
	v60 =	vadd.f32 v26, v40;
	v40 =	vsub.f32 v40, v26;
	v26 =	vld [tilespmem:s26+$0xFC0]  }
0x32f: {  	v53 =	vmul.f32 v46, v16;
	v37 =	vadd.f32 v3, v39;
	v3 =	vmul.f32 v46, v4  }
0x330: {  	v1 =	vmul.f32 v38, v1;
	v4 =	vmul.f32 v41, v4;
	v38 =	vsub.f32 v0, v8  }
0x331: {  	v0 =	vld [tilespmem:s30+$0xFD0];
	v8 =	vmul.f32 v41, v16;
	v63 =	vadd.f32 v22, v5;
	v11 =	vsub.f32 v5, v22  }
0x332: {  	v16 =	vld [tilespmem:s26+$0xFD0];
	v5 =	vmul.f32 v42, v24;
	v22 =	vmul.f32 v43, v24;
	v39 =	vadd.f32 v1, v7  }
0x333: {  	v61 =	vadd.f32 v47, v25;
	v62 =	vsub.f32 v25, v47;
	v1 =	vmul.f32 v43, v26  }
0x334: {  	v25 =	vmul.f32 v19, v24;
	v41 =	vsub.f32 v3, v8;
	v8 =	vmul.f32 v18, v26  }
0x335: {  	v7 =	vmul.f32 v42, v26;
	v42 =	vadd.f32 v4, v53;
	v43 =	vsub.f32 v5, v1  }
0x336: {  	v4 =	vld [tilespmem:s26+$0xFE0];
	v1 =	vmul.f32 v19, v26;
	v5 =	vmul.f32 v18, v24;
	v8 =	vadd.f32 v25, v8  }
0x337: {  	v3 =	vld [tilespmem:s30+$0xFE0];
	v45 =	vadd.f32 v22, v7;
	v7 =	vmul.f32 v51, v0;
	v18 =	vmul.f32 v48, v16  }
0x338: {  	v19 =	vmul.f32 v48, v0;
	[tilespmem:$0x1FEF0] =	vst v8;
	v8 =	vmul.f32 v51, v16  }
0x339: {  	v47 =	vsub.f32 v1, v5;
	v1 =	vmul.f32 v52, v16;
	v5 =	vmul.f32 v20, v0;
	v22 =	vld [tilespmem:s30+$0xFF0]  }
0x33a: {  	v48 =	vsub.f32 v7, v18;
	v7 =	vmul.f32 v20, v16;
	v0 =	vmul.f32 v52, v0;
	v36 =	vld [tilespmem:s26+$0xFF0]  }
0x33b: {  	v16 =	vmul.f32 v55, v4;
	v18 =	vmul.f32 v54, v4;
	v52 =	vadd.f32 v19, v8  }
0x33c: {  	v19 =	vmul.f32 v54, v3;
	v53 =	vadd.f32 v5, v1;
	v5 =	vmul.f32 v55, v3  }
0x33d: {  	v1 =	vld [tilespmem:s30+$0x1000];
	v46 =	vsub.f32 v7, v0;
	v0 =	vmul.f32 v35, v4;
	v7 =	vmul.f32 v23, v3  }
0x33e: {  	v8 =	vld [tilespmem:s26+$0x1000];
	v4 =	vmul.f32 v23, v4;
	v3 =	vmul.f32 v35, v3;
	v9 =	vsub.f32 v19, v16  }
0x33f: {  	v26 =	vadd.f32 v5, v18;
	v5 =	vmul.f32 v44, v22;
	v16 =	vmul.f32 v56, v36  }
0x340: {  	v25 =	vadd.f32 v7, v0;
	v0 =	vmul.f32 v44, v36;
	v7 =	vmul.f32 v56, v22  }
0x341: {  	v55 =	vld [tilespmem:s30+$0x1010];
	v24 =	vsub.f32 v4, v3;
	v3 =	vmul.f32 v50, v36;
	v4 =	vmul.f32 v57, v22  }
0x342: {  	v56 =	vld [tilespmem:s26+$0x1010];
	v23 =	vsub.f32 v5, v16;
	v5 =	vmul.f32 v57, v36;
	v16 =	vmul.f32 v50, v22  }
0x343: {  	v22 =	vadd.f32 v7, v0;
	v0 =	vmul.f32 v6, v1;
	v7 =	vmul.f32 v58, v8  }
0x344: {  	v18 =	vadd.f32 v4, v3;
	v3 =	vmul.f32 v6, v8;
	v4 =	vmul.f32 v58, v1  }
0x345: {  	v6 =	vmul.f32 v17, v1;
	v1 =	vmul.f32 v49, v1;
	v19 =	vsub.f32 v5, v16  }
0x346: {  	v50 =	vld [tilespmem:s30+$0x1020];
	v5 =	vmul.f32 v49, v8;
	v20 =	vsub.f32 v0, v7;
	v0 =	vmul.f32 v17, v8  }
0x347: {  	v36 =	vld [tilespmem:s26+$0x1020];
	v17 =	vadd.f32 v4, v3;
	v3 =	vmul.f32 v2, v55;
	v4 =	vmul.f32 v60, v56  }
0x348: {  	v2 =	vmul.f32 v2, v56;
	v0 =	vsub.f32 v0, v1  }
0x349: {  	v10 =	vadd.f32 v6, v5;
	v5 =	vmul.f32 v60, v55;
	v1 =	vsub.f32 v3, v4  }
0x34a: {  	v7 =	vmul.f32 v40, v55;
	[tilespmem:$0x1FE60] =	vst v0;
	v0 =	vmul.f32 v59, v56  }
0x34b: {  	v6 =	vadd.f32 v5, v2;
	[tilespmem:$0x1FE70] =	vst v1  }
0x34c: {  	v35 =	vld [tilespmem:s28+$0xFFFFE000];
	v5 =	vadd.f32 v7, v0;
	v0 =	vmul.f32 v61, v36;
	v7 =	vmul.f32 v63, v50  }
0x34d: {  	v60 =	vmul.f32 v63, v36;
	v2 =	vmul.f32 v61, v50;
	v44 =	vld [tilespmem:s25+$0xFFFFE000]  }
0x34e: {  	v49 =	vld [tilespmem:s28+$0xFFFFE010];
	v61 =	vmul.f32 v62, v36;
	v63 =	vmul.f32 v11, v50;
	v0 =	vadd.f32 v7, v0  }
0x34f: {  	v8 =	vld [tilespmem:s25+$0xFFFFE010]  }
0x350: {  	v1 =	vmul.f32 v11, v36;
	v36 =	vmul.f32 v62, v50;
	v50 =	vld [tilespmem:s28+$0xFFFFE020];
	[tilespmem:$0x1FE80] =	vst v0;
	v0 =	vadd.f32 v63, v61;
	_ =	sdelay $0x1  }
0x351: {  	[tilespmem:$0x1FE90] =	vst v0  }
0x352: {  	v3 =	vmul.f32 v40, v56;
	v4 =	vmul.f32 v59, v55;
	v0 =	vld [tilespmem:s28+$0xFFFFE030];
	_ =	sdelay $0x1  }
0x353: {  	v4 =	vsub.f32 v3, v4;
	v3 =	vsub.f32 v2, v60  }
0x354: {  	v57 =	vadd.f32 v14, v35;
	v59 =	vsub.f32 v35, v14  }
0x355: {  	v60 =	vadd.f32 v15, v44;
	v61 =	vsub.f32 v44, v15  }
0x356: {  	v44 =	vadd.f32 v33, v0;
	v35 =	vsub.f32 v0, v33;
	v0 =	vld [tilespmem:$0x1FEA0];
	_ =	sdelay $0x4  }
0x357: {  	[tilespmem:s28+$0xFFFFE070] =	vst v0  }
0x358: {  	v2 =	vld [tilespmem:$0x1FEB0];
	_ =	sdelay $0x4  }
0x359: {  	[tilespmem:s28+$0x70] =	vst v2  }
0x35a: {  	v2 =	vld [tilespmem:$0x1FEC0];
	_ =	sdelay $0x4  }
0x35b: {  	v56 =	vld [tilespmem:s25+$0xFFFFE020];
	[tilespmem:s25+$0xFFFFE070] =	vst v2  }
0x35c: {  	v2 =	vld [tilespmem:$0x1FED0]  }
0x35d: {  	v14 =	vld [tilespmem:s25+$0xFFFFE030]  }
0x35e: {  	v62 =	vadd.f32 v21, v49;
	v63 =	vsub.f32 v49, v21;
	v21 =	vld [tilespmem:s25+$0xFFFFE040]  }
0x35f: {  	v58 =	vsub.f32 v1, v36;
	v1 =	vld [tilespmem:s28+$0xFFFFE050]  }
0x360: {  	v28 =	vadd.f32 v27, v8;
	v7 =	vsub.f32 v8, v27  }
0x361: {  	v15 =	vld [tilespmem:s28+$0xFFFFE040];
	v51 =	vadd.f32 v32, v56;
	v49 =	vsub.f32 v56, v32;
	[tilespmem:s25+$0x70] =	vst v2  }
0x362: {  	v11 =	vld [tilespmem:s25+$0xFFFFE050];
	v40 =	vadd.f32 v34, v14;
	v34 =	vsub.f32 v14, v34;
	[tilespmem:s28+$0xFFFFF070] =	vst v13  }
0x363: {  	v32 =	vadd.f32 v37, v21;
	v27 =	vsub.f32 v21, v37;
	v0 =	vld [tilespmem:s25+$0xFFFFE060];
	[tilespmem:s28+$0x1070] =	vst v29  }
0x364: {  	v21 =	vadd.f32 v38, v1;
	v14 =	vsub.f32 v1, v38;
	v1 =	vld [tilespmem:$0x1FEE0];
	_ =	sdelay $0x1  }
0x365: {  	v56 =	vld [tilespmem:s28+$0xFFFFE060];
	v29 =	vadd.f32 v43, v57  }
0x366: {  	v36 =	vadd.f32 v31, v50;
	v50 =	vsub.f32 v50, v31;
	[tilespmem:s25+$0xFFFFF070] =	vst v30  }
0x367: {  	v33 =	vadd.f32 v12, v15;
	v31 =	vsub.f32 v15, v12;
	[tilespmem:s28+$0xFFFFE000] =	vst v29  }
0x368: {  	v15 =	vadd.f32 v39, v11;
	v54 =	vsub.f32 v0, v42;
	[tilespmem:s25+$0x1070] =	vst v1  }
0x369: {  	v13 =	vsub.f32 v11, v39;
	v11 =	vadd.f32 v42, v0;
	v0 =	vld [tilespmem:$0x1FEF0]  }
0x36a: {  	v37 =	vsub.f32 v63, v53;
	v12 =	vadd.f32 v41, v56  }
0x36b: {  	v55 =	vsub.f32 v56, v41;
	v30 =	vsub.f32 v57, v43  }
0x36c: {  	v56 =	vadd.f32 v48, v62;
	v57 =	vadd.f32 v45, v60  }
0x36d: {  	v41 =	vsub.f32 v28, v52;
	v29 =	vsub.f32 v60, v45;
	[tilespmem:s28+$0x0] =	vst v30  }
0x36e: {  	v42 =	vadd.f32 v52, v28;
	[tilespmem:s25+$0xFFFFE000] =	vst v57;
	v38 =	vadd.f32 v0, v59  }
0x36f: {  	v39 =	vsub.f32 v7, v46;
	[tilespmem:s25+$0x0] =	vst v29;
	v30 =	vsub.f32 v59, v0  }
0x370: {  	v28 =	vadd.f32 v26, v51;
	v60 =	vadd.f32 v47, v61;
	[tilespmem:s28+$0xFFFFF000] =	vst v38  }
0x371: {  	v43 =	vsub.f32 v62, v48;
	v61 =	vsub.f32 v61, v47;
	[tilespmem:s28+$0x1000] =	vst v30  }
0x372: {  	s24 =	simm.s32 $0x4600;
	v29 =	vadd.f32 v46, v7;
	v38 =	vadd.f32 v53, v63;
	[tilespmem:s25+$0xFFFFF000] =	vst v60  }
0x373: {  	s31 =	simm.s32 $0x8600;
	s29 =	simm.s32 $0x0;
	s30 =	simm.s32 $0x136B0;
	v30 =	vadd.f32 v9, v36;
	v36 =	vsub.f32 v36, v9;
	[tilespmem:s25+$0x1000] =	vst v61  }
.LBB2_8:
0x374: {  	[tilespmem:s28+$0xFFFFE010] =	vst v56  }
0x375: {  	v45 =	vld [tilespmem:s30+$0x30];
	[tilespmem:s24+$0x10] =	vst v43  }
0x376: {  	v52 =	vld [tilespmem:s30+$0x1030];
	[tilespmem:s24+$0xFFFFE020] =	vst v30  }
0x377: {  	v0 =	vld [tilespmem:$0x1FE60];
	[tilespmem:s24+$0x20] =	vst v36  }
0x378: {  	v8 =	vld [tilespmem:s30+$0x0];
	[tilespmem:s25+$0xFFFFE010] =	vst v42  }
0x379: {  	v26 =	vsub.f32 v51, v26;
	s26 =	sadd.s32 $0x80, s26;
	v7 =	vld [tilespmem:s30+$0x10];
	[tilespmem:s25+$0x10] =	vst v41  }
0x37a: {  	s31 =	sadd.s32 $0x80, s31;
	v47 =	vld [tilespmem:s26+$0x30];
	[tilespmem:s25+$0xFFFFE020] =	vst v28  }
0x37b: {  	v46 =	vadd.f32 v25, v50;
	v48 =	vadd.f32 v24, v49;
	v57 =	vld [tilespmem:s31+$0x1070];
	[tilespmem:s25+$0x20] =	vst v26  }
0x37c: {  	v24 =	vsub.f32 v49, v24;
	v43 =	vsub.f32 v50, v25;
	s28 =	sadd.s32 $0x80, s28;
	v60 =	vld [tilespmem:s31+$0xFFFFF070];
	[tilespmem:s24+$0xFFFFF010] =	vst v38  }
0x37d: {  	v50 =	vadd.f32 v18, v35;
	v30 =	vsub.f32 v32, v17;
	v25 =	vld [tilespmem:s28+$0x1070];
	[tilespmem:s24+$0x1010] =	vst v37  }
0x37e: {  	v61 =	vld [tilespmem:s31+$0x70];
	v42 =	vadd.f32 v23, v44;
	v23 =	vsub.f32 v44, v23;
	[tilespmem:s24+$0xFFFFF020] =	vst v46  }
0x37f: {  	v36 =	vld [tilespmem:s26+$0x1030];
	v44 =	vadd.f32 v22, v40;
	v22 =	vsub.f32 v40, v22;
	[tilespmem:s24+$0x1020] =	vst v43  }
0x380: {  	v59 =	vld [tilespmem:s28+$0xFFFFF070];
	v40 =	vsub.f32 v35, v18;
	v38 =	vadd.f32 v19, v34;
	[tilespmem:s25+$0xFFFFF010] =	vst v29  }
0x381: {  	v16 =	vld [tilespmem:s26+$0xFFFFFFC0];
	v37 =	vsub.f32 v34, v19;
	v34 =	vadd.f32 v20, v33;
	[tilespmem:s25+$0x1010] =	vst v39  }
0x382: {  	v18 =	vld [tilespmem:s28+$0x70];
	v33 =	vsub.f32 v33, v20;
	[tilespmem:s25+$0xFFFFF020] =	vst v48;
	v20 =	vmul.f32 v57, v47;
	v19 =	vmul.f32 v25, v45  }
0x383: {  	v35 =	vld [tilespmem:s28+$0xFFFFE070];
	v29 =	vadd.f32 v17, v32;
	[tilespmem:s25+$0x1020] =	vst v24;
	v17 =	vmul.f32 v25, v47;
	v25 =	vmul.f32 v57, v45  }
0x384: {  	[tilespmem:s24+$0xFFFFE030] =	vst v42;
	v42 =	vld [tilespmem:s28+$0x1010]  }
0x385: {  	[tilespmem:s24+$0x30] =	vst v23;
	v51 =	vld [tilespmem:s31+$0x1010];
	v62 =	vmul.f32 v59, v45;
	v19 =	vsub.f32 v19, v20;
	v28 =	vadd.f32 v25, v17  }
0x386: {  	[tilespmem:s25+$0xFFFFE030] =	vst v44;
	v17 =	vmul.f32 v59, v47;
	v20 =	vmul.f32 v60, v45;
	v45 =	vld [tilespmem:s31+$0xFFFFE070]  }
0x387: {  	[tilespmem:s25+$0x30] =	vst v22;
	v22 =	vld [tilespmem:s26+$0xFFFFFFE0];
	v63 =	vadd.f32 v19, v18;
	v56 =	vadd.f32 v28, v61  }
0x388: {  	v53 =	vmul.f32 v60, v47;
	[tilespmem:s24+$0xFFFFF030] =	vst v50;
	v50 =	vld [tilespmem:s31+$0x1020];
	v43 =	vadd.f32 v20, v17;
	v19 =	vsub.f32 v18, v19  }
0x389: {  	v17 =	vld [tilespmem:s30+$0xFFFFFFD0];
	v24 =	vsub.f32 v61, v28;
	v57 =	vmul.f32 v63, v52;
	v59 =	vmul.f32 v56, v36  }
0x38a: {  	v49 =	vsub.f32 v62, v53;
	v20 =	vld [tilespmem:s26+$0xFFFFFFD0];
	v46 =	vmul.f32 v63, v36;
	v47 =	vmul.f32 v56, v52  }
0x38b: {  	v18 =	vld [tilespmem:s30+$0xFFFFFFE0];
	v61 =	vmul.f32 v19, v36;
	v56 =	vmul.f32 v24, v52;
	v23 =	vadd.f32 v43, v45  }
0x38c: {  	v60 =	vsub.f32 v57, v59;
	v62 =	vadd.f32 v47, v46;
	v59 =	vmul.f32 v19, v52;
	v19 =	vld [tilespmem:s30+$0xFFFFFFF0]  }
0x38d: {  	v48 =	vadd.f32 v49, v35;
	v24 =	vmul.f32 v24, v36;
	v47 =	vadd.f32 v56, v61;
	v56 =	vld [tilespmem:s28+$0x1030]  }
0x38e: {  	v57 =	vadd.f32 v62, v23;
	v44 =	vsub.f32 v23, v62;
	v23 =	vld [tilespmem:s26+$0xFFFFFFF0]  }
0x38f: {  	v63 =	vadd.f32 v60, v48;
	v46 =	vsub.f32 v24, v59;
	v59 =	vld [tilespmem:s31+$0x1030];
	[tilespmem:s24+$0x1030] =	vst v40  }
0x390: {  	v36 =	vld [tilespmem:s28+$0x1020];
	v48 =	vsub.f32 v48, v60;
	[tilespmem:s25+$0xFFFFF030] =	vst v38  }
0x391: {  	v1 =	vld [tilespmem:s31+$0xFFFFF000];
	v41 =	vadd.f32 v0, v27;
	v35 =	vsub.f32 v35, v49;
	[tilespmem:s28+$0xFFFFE070] =	vst v63  }
0x392: {  	v26 =	vld [tilespmem:s31+$0x1000];
	v43 =	vsub.f32 v45, v43;
	v61 =	vmul.f32 v51, v20;
	v60 =	vmul.f32 v42, v17;
	[tilespmem:s28+$0x70] =	vst v48  }
0x393: {  	v25 =	vld [tilespmem:s28+$0x1000];
	v24 =	vadd.f32 v47, v35;
	v42 =	vmul.f32 v42, v20;
	v62 =	vsub.f32 v35, v47;
	[tilespmem:s31+$0xFFFFE070] =	vst v57  }
0x394: {  	v63 =	vmul.f32 v51, v17;
	v51 =	vsub.f32 v27, v0;
	v35 =	vsub.f32 v60, v61;
	v0 =	vld [tilespmem:$0x1FE70];
	[tilespmem:s31+$0x70] =	vst v44  }
0x395: {  	v53 =	vld [tilespmem:s31+$0x1040];
	v27 =	vmul.f32 v36, v18;
	v60 =	vmul.f32 v50, v22;
	[tilespmem:s28+$0xFFFFF070] =	vst v24;
	v24 =	vsub.f32 v43, v46  }
0x396: {  	v61 =	vmul.f32 v50, v18;
	v50 =	vsub.f32 v14, v5;
	v57 =	vmul.f32 v36, v22;
	[tilespmem:s28+$0x1070] =	vst v62;
	v62 =	vld [tilespmem:s28+$0x1040]  }
0x397: {  	v36 =	vadd.f32 v63, v42;
	v27 =	vsub.f32 v27, v60;
	v63 =	vmul.f32 v56, v19;
	v60 =	vld [tilespmem:s28+$0x1050];
	[tilespmem:s31+$0x1070] =	vst v24  }
0x398: {  	v52 =	vmul.f32 v56, v23;
	v56 =	vadd.f32 v6, v15;
	v24 =	vld [tilespmem:s26+$0x0];
	[tilespmem:s24+$0x40] =	vst v33;
	v33 =	vadd.f32 v5, v14  }
0x399: {  	[tilespmem:s25+$0x1030] =	vst v37;
	v48 =	vmul.f32 v59, v19;
	v5 =	vld [tilespmem:s30+$0x20];
	v40 =	vadd.f32 v0, v21;
	v47 =	vsub.f32 v21, v0  }
0x39a: {  	[tilespmem:s24+$0xFFFFE040] =	vst v34;
	v21 =	vadd.f32 v61, v57;
	v57 =	vmul.f32 v59, v23;
	v59 =	vsub.f32 v15, v6;
	v6 =	vld [tilespmem:s26+$0x10]  }
0x39b: {  	v14 =	vadd.f32 v48, v52;
	[tilespmem:s25+$0xFFFFE040] =	vst v29;
	v61 =	vld [tilespmem:s31+$0x1050]  }
0x39c: {  	[tilespmem:s25+$0x40] =	vst v30;
	v48 =	vadd.f32 v4, v13;
	v13 =	vsub.f32 v13, v4;
	v4 =	vld [tilespmem:s26+$0x20]  }
0x39d: {  	v32 =	vadd.f32 v10, v31;
	v0 =	vld [tilespmem:$0x1FE80];
	[tilespmem:s24+$0xFFFFE050] =	vst v40  }
0x39e: {  	v31 =	vsub.f32 v31, v10;
	v15 =	vsub.f32 v63, v57;
	v63 =	vld [tilespmem:s31+$0x1060];
	[tilespmem:s24+$0x50] =	vst v47  }
0x39f: {  	v45 =	vmul.f32 v53, v8;
	[tilespmem:s25+$0x50] =	vst v59;
	v59 =	vld [tilespmem:s31+$0x0];
	v42 =	vmul.f32 v62, v24  }
0x3a0: {  	[tilespmem:s24+$0x1040] =	vst v31;
	v31 =	vadd.f32 v3, v12;
	v29 =	vmul.f32 v62, v8;
	v62 =	vld [tilespmem:s28+$0x1060]  }
0x3a1: {  	[tilespmem:s24+$0xFFFFF040] =	vst v32;
	v12 =	vsub.f32 v12, v3;
	v30 =	vmul.f32 v53, v24;
	v53 =	vld [tilespmem:s28+$0xFFFFF000];
	v3 =	vadd.f32 v45, v42  }
0x3a2: {  	[tilespmem:s25+$0xFFFFF040] =	vst v41;
	v42 =	vadd.f32 v0, v11;
	v11 =	vsub.f32 v11, v0;
	v0 =	vld [tilespmem:$0x1FE90]  }
0x3a3: {  	v39 =	vmul.f32 v26, v16;
	[tilespmem:s25+$0x1040] =	vst v51;
	v38 =	vmul.f32 v60, v6;
	v45 =	vld [tilespmem:s30+$0xFFFFFFC0]  }
0x3a4: {  	[tilespmem:s24+$0xFFFFE060] =	vst v31;
	v31 =	vld [tilespmem:s28+$0xFFFFF020];
	v52 =	vmul.f32 v61, v6;
	v44 =	vmul.f32 v61, v7  }
0x3a5: {  	[tilespmem:s25+$0xFFFFE050] =	vst v56;
	v61 =	vld [tilespmem:s28+$0xFFFFF010];
	v29 =	vsub.f32 v29, v30;
	v30 =	vmul.f32 v60, v7;
	v60 =	vmul.f32 v63, v4  }
0x3a6: {  	[tilespmem:s24+$0xFFFFF050] =	vst v33;
	v41 =	vmul.f32 v63, v5;
	v63 =	vld [tilespmem:s31+$0xFFFFF010];
	v56 =	vmul.f32 v62, v5  }
0x3a7: {  	[tilespmem:s24+$0x1050] =	vst v50;
	v57 =	vmul.f32 v62, v4;
	v47 =	vadd.f32 v0, v55;
	v10 =	vsub.f32 v55, v0;
	v55 =	vld [tilespmem:s28+$0x0]  }
0x3a8: {  	[tilespmem:s25+$0x1050] =	vst v13;
	v13 =	vmul.f32 v53, v16;
	v62 =	vmul.f32 v53, v45;
	v53 =	vld [tilespmem:s31+$0x10]  }
0x3a9: {  	v28 =	vmul.f32 v25, v16;
	v34 =	vadd.f32 v58, v54;
	[tilespmem:s24+$0x60] =	vst v12;
	v0 =	vsub.f32 v54, v58;
	v54 =	vld [tilespmem:s31+$0xFFFFF020]  }
0x3aa: {  	[tilespmem:s25+$0xFFFFE060] =	vst v42;
	v9 =	vmul.f32 v25, v45;
	v26 =	vmul.f32 v26, v45;
	v25 =	vadd.f32 v41, v57;
	v57 =	vld [tilespmem:s28+$0x20]  }
0x3ab: {  	v51 =	vmul.f32 v1, v16;
	v2 =	vadd.f32 v44, v38;
	v30 =	vsub.f32 v30, v52;
	[tilespmem:s25+$0x60] =	vst v11;
	v58 =	vld [tilespmem:s28+$0xFFFFF030]  }
0x3ac: {  	v12 =	vmul.f32 v61, v17;
	v32 =	vsub.f32 v56, v60;
	v26 =	vadd.f32 v26, v28;
	v28 =	vld [tilespmem:s28+$0x10];
	[tilespmem:s24+$0xFFFFF060] =	vst v47  }
0x3ad: {  	v52 =	vmul.f32 v1, v45;
	v9 =	vsub.f32 v9, v39;
	v1 =	vsub.f32 v62, v51;
	[tilespmem:s24+$0x1060] =	vst v10;
	v62 =	vld [tilespmem:s28+$0x30]  }
0x3ae: {  	v56 =	vmul.f32 v61, v20;
	[tilespmem:s25+$0x1060] =	vst v0;
	v0 =	vld [tilespmem:s31+$0x30];
	v38 =	vadd.f32 v26, v59;
	v26 =	vsub.f32 v59, v26  }
0x3af: {  	v17 =	vmul.f32 v63, v17;
	v59 =	vld [tilespmem:s31+$0xFFFFF030];
	v37 =	vadd.f32 v9, v55;
	v16 =	vsub.f32 v55, v9  }
0x3b0: {  	v55 =	vmul.f32 v63, v20;
	v20 =	vsub.f32 v53, v36;
	v9 =	vadd.f32 v52, v13;
	v63 =	vld [tilespmem:s31+$0xFFFFF040]  }
0x3b1: {  	[tilespmem:$0x1FE40] =	vst v1;
	v13 =	vmul.f32 v31, v18;
	v33 =	vadd.f32 v35, v28;
	v1 =	vsub.f32 v28, v35;
	v28 =	vld [tilespmem:s31+$0x20]  }
0x3b2: {  	v60 =	vmul.f32 v54, v22;
	v61 =	vmul.f32 v54, v18;
	v44 =	vadd.f32 v27, v57;
	v54 =	vld [tilespmem:s31+$0x40]  }
0x3b3: {  	[tilespmem:s25+$0xFFFFF050] =	vst v48;
	v18 =	vsub.f32 v57, v27;
	v27 =	vmul.f32 v58, v19;
	v35 =	vadd.f32 v36, v53;
	v53 =	vld [tilespmem:s28+$0x40]  }
0x3b4: {  	v49 =	vadd.f32 v14, v0;
	v39 =	vmul.f32 v59, v19;
	v19 =	vsub.f32 v0, v14;
	v0 =	vld [tilespmem:s28+$0xFFFFF050]  }
0x3b5: {  	v43 =	vadd.f32 v46, v43;
	v11 =	vsub.f32 v12, v55;
	v52 =	vmul.f32 v59, v23;
	v59 =	vld [tilespmem:s31+$0xFFFFF050]  }
0x3b6: {  	v31 =	vmul.f32 v31, v22;
	v47 =	vadd.f32 v21, v28;
	v22 =	vsub.f32 v28, v21;
	v21 =	vld [tilespmem:s28+$0xFFFFF040]  }
0x3b7: {  	[tilespmem:s25+$0xFFFFF060] =	vst v34;
	v12 =	vadd.f32 v17, v56;
	v13 =	vsub.f32 v13, v60;
	v60 =	vld [tilespmem:s28+$0x50]  }
0x3b8: {  	v17 =	vsub.f32 v62, v15;
	v14 =	vadd.f32 v61, v31;
	v61 =	vld [tilespmem:s28+$0xFFFFF060];
	v36 =	vmul.f32 v63, v8  }
0x3b9: {  	v45 =	vld [tilespmem:s30+$0xFC0];
	v50 =	vadd.f32 v3, v54;
	v31 =	vsub.f32 v54, v3;
	v28 =	vmul.f32 v58, v23  }
0x3ba: {  	v57 =	vld [tilespmem:s31+$0xFFFFF060];
	v23 =	vadd.f32 v15, v62;
	v34 =	vadd.f32 v29, v53;
	v62 =	vmul.f32 v0, v7  }
0x3bb: {  	v7 =	vmul.f32 v59, v7;
	v55 =	vmul.f32 v21, v8;
	v8 =	vsub.f32 v53, v29;
	v29 =	vld [tilespmem:s31+$0x50]  }
0x3bc: {  	v46 =	vld [tilespmem:s26+$0xFC0];
	v15 =	vsub.f32 v27, v52;
	v56 =	vmul.f32 v21, v24;
	v24 =	vmul.f32 v63, v24  }
0x3bd: {  	v58 =	vld [tilespmem:s28+$0x60];
	v41 =	vmul.f32 v61, v4;
	v63 =	vmul.f32 v0, v6;
	v0 =	vsub.f32 v60, v30  }
0x3be: {  	v27 =	vsub.f32 v55, v24;
	v24 =	vmul.f32 v59, v6;
	v6 =	vadd.f32 v30, v60;
	v30 =	vld [tilespmem:s31+$0x60]  }
0x3bf: {  	v21 =	vadd.f32 v39, v28;
	v28 =	vadd.f32 v36, v56;
	v59 =	vmul.f32 v61, v5  }
0x3c0: {  	v5 =	vmul.f32 v57, v5;
	v61 =	vmul.f32 v38, v45;
	v51 =	vadd.f32 v2, v29  }
0x3c1: {  	v60 =	vld [tilespmem:s26+$0xFD0];
	v3 =	vsub.f32 v29, v2;
	v29 =	vsub.f32 v62, v24;
	v24 =	vmul.f32 v57, v4  }
0x3c2: {  	v52 =	vld [tilespmem:s30+$0xFD0];
	v4 =	vadd.f32 v32, v58;
	v2 =	vsub.f32 v58, v32;
	v62 =	vmul.f32 v37, v46  }
0x3c3: {  	v55 =	vld [tilespmem:s30+$0xFF0];
	v53 =	vadd.f32 v25, v30;
	v32 =	vsub.f32 v30, v25;
	v25 =	vmul.f32 v37, v45  }
0x3c4: {  	v30 =	vadd.f32 v7, v63;
	v7 =	vmul.f32 v38, v46;
	v36 =	vsub.f32 v59, v24  }
0x3c5: {  	v24 =	vmul.f32 v16, v46;
	v63 =	vmul.f32 v26, v45;
	v38 =	vadd.f32 v5, v41  }
0x3c6: {  	v40 =	vld [tilespmem:s30+$0xFE0];
	v5 =	vmul.f32 v26, v46;
	v39 =	vadd.f32 v61, v62;
	v26 =	vmul.f32 v35, v60  }
0x3c7: {  	v54 =	vld [tilespmem:s26+$0xFE0];
	v46 =	vmul.f32 v35, v52;
	v37 =	vsub.f32 v25, v7;
	v7 =	vmul.f32 v16, v45  }
0x3c8: {  	v61 =	vmul.f32 v19, v55;
	v25 =	vmul.f32 v33, v52;
	v41 =	vadd.f32 v63, v24  }
0x3c9: {  	v24 =	vmul.f32 v33, v60;
	v42 =	vsub.f32 v5, v7;
	v5 =	vmul.f32 v1, v60  }
0x3ca: {  	[tilespmem:s31+$0xFFFFF070] =	vst v43;
	v7 =	vmul.f32 v20, v52;
	v43 =	vsub.f32 v25, v26;
	v20 =	vmul.f32 v20, v60  }
0x3cb: {  	v56 =	vld [tilespmem:s26+$0xFF0];
	v1 =	vmul.f32 v1, v52;
	v45 =	vadd.f32 v46, v24;
	v24 =	vmul.f32 v44, v40  }
0x3cc: {  	v25 =	vmul.f32 v47, v54;
	v46 =	vadd.f32 v7, v5;
	v5 =	vmul.f32 v44, v54  }
0x3cd: {  	v57 =	vld [tilespmem:s26+$0x1000];
	v7 =	vmul.f32 v47, v40;
	v47 =	vsub.f32 v20, v1;
	v1 =	vmul.f32 v18, v54  }
0x3ce: {  	v16 =	vld [tilespmem:s30+$0x1000];
	v20 =	vmul.f32 v22, v40;
	v48 =	vsub.f32 v24, v25;
	v22 =	vmul.f32 v22, v54  }
0x3cf: {  	v18 =	vmul.f32 v18, v40;
	v26 =	vadd.f32 v7, v5;
	v5 =	vmul.f32 v23, v55  }
0x3d0: {  	v7 =	vmul.f32 v49, v56;
	v25 =	vadd.f32 v20, v1;
	v1 =	vmul.f32 v23, v56  }
0x3d1: {  	v58 =	vld [tilespmem:s26+$0x1010];
	v20 =	vmul.f32 v49, v55;
	v24 =	vsub.f32 v22, v18;
	v18 =	vmul.f32 v17, v56  }
0x3d2: {  	v35 =	vld [tilespmem:s30+$0x1010];
	v23 =	vsub.f32 v5, v7;
	v5 =	vmul.f32 v19, v56;
	v7 =	vmul.f32 v17, v55  }
0x3d3: {  	v22 =	vadd.f32 v20, v1;
	v1 =	vmul.f32 v34, v16;
	v17 =	vmul.f32 v50, v57  }
0x3d4: {  	v33 =	vld [tilespmem:s26+$0x1020];
	v34 =	vmul.f32 v34, v57;
	v50 =	vmul.f32 v50, v16  }
0x3d5: {  	v52 =	vld [tilespmem:s30+$0x1020];
	v19 =	vsub.f32 v5, v7;
	v5 =	vmul.f32 v8, v57;
	v7 =	vmul.f32 v31, v16  }
0x3d6: {  	v54 =	vld [tilespmem:s28+$0xFFFFE020];
	v20 =	vsub.f32 v1, v17;
	v1 =	vmul.f32 v31, v57;
	v8 =	vmul.f32 v8, v16  }
0x3d7: {  	v55 =	vld [tilespmem:s31+$0xFFFFE030];
	v17 =	vadd.f32 v50, v34;
	v31 =	vmul.f32 v6, v35;
	v34 =	vmul.f32 v51, v58  }
0x3d8: {  	v18 =	vadd.f32 v61, v18;
	v50 =	vmul.f32 v0, v58;
	v0 =	vmul.f32 v0, v35  }
0x3d9: {  	v40 =	vld [tilespmem:s31+$0xFFFFE010];
	v10 =	vadd.f32 v7, v5;
	v5 =	vmul.f32 v6, v58;
	v6 =	vmul.f32 v51, v35  }
0x3da: {  	v56 =	vld [tilespmem:s28+$0xFFFFE040];
	v1 =	vsub.f32 v1, v8;
	v51 =	vmul.f32 v3, v35;
	v3 =	vmul.f32 v3, v58  }
0x3db: {  	v61 =	vld [tilespmem:s31+$0xFFFFE040];
	v8 =	vsub.f32 v31, v34;
	v31 =	vmul.f32 v4, v52;
	v58 =	vmul.f32 v53, v33  }
0x3dc: {  	v35 =	vmul.f32 v4, v33;
	v4 =	vadd.f32 v13, v54;
	v34 =	vsub.f32 v55, v21  }
0x3dd: {  	[tilespmem:$0x1FE50] =	vst v9;
	v60 =	vld [tilespmem:s28+$0xFFFFE010];
	v9 =	vadd.f32 v6, v5;
	v16 =	vadd.f32 v51, v50;
	v50 =	vmul.f32 v53, v52  }
0x3de: {  	[tilespmem:$0x1FE70] =	vst v8;
	v8 =	vsub.f32 v3, v0;
	v0 =	vmul.f32 v2, v33;
	v51 =	vmul.f32 v32, v52  }
0x3df: {  	v49 =	vld [tilespmem:s31+$0xFFFFE020];
	v6 =	vsub.f32 v31, v58;
	v31 =	vmul.f32 v32, v33;
	v3 =	vsub.f32 v40, v12  }
0x3e0: {  	v62 =	vld [tilespmem:s28+$0xFFFFE030];
	v58 =	vmul.f32 v2, v52;
	v33 =	vadd.f32 v27, v56;
	v32 =	vadd.f32 v28, v61  }
0x3e1: {  	v57 =	vld [tilespmem:s28+$0xFFFFE050];
	v2 =	vadd.f32 v50, v35;
	v0 =	vadd.f32 v51, v0  }
0x3e2: {  	v63 =	vld [tilespmem:s31+$0xFFFFE050];
	v5 =	vsub.f32 v31, v58;
	v58 =	vadd.f32 v11, v60  }
0x3e3: {  	v59 =	vld [tilespmem:s28+$0xFFFFE000];
	v60 =	vsub.f32 v60, v11;
	v50 =	vsub.f32 v54, v13  }
0x3e4: {  	v51 =	vadd.f32 v14, v49;
	v49 =	vsub.f32 v49, v14;
	[tilespmem:$0x1FE90] =	vst v0;
	v0 =	vld [tilespmem:$0x1FE40]  }
0x3e5: {  	v7 =	vld [tilespmem:s28+$0xFFFFE060];
	v35 =	vsub.f32 v62, v15;
	v31 =	vsub.f32 v56, v27  }
0x3e6: {  	[tilespmem:$0x1FE60] =	vst v1;
	v27 =	vsub.f32 v61, v28;
	v14 =	vsub.f32 v57, v29  }
0x3e7: {  	v1 =	vld [tilespmem:s31+$0xFFFFE060];
	v13 =	vsub.f32 v63, v30;
	[tilespmem:$0x1FE80] =	vst v2;
	v2 =	vadd.f32 v12, v40  }
0x3e8: {  	v44 =	vld [tilespmem:s31+$0xFFFFE000];
	v40 =	vadd.f32 v21, v55;
	v21 =	vadd.f32 v29, v57  }
0x3e9: {  	v52 =	vadd.f32 v0, v59;
	v53 =	vsub.f32 v59, v0;
	v0 =	vld [tilespmem:$0x1FE50]  }
0x3ea: {  	v12 =	vadd.f32 v36, v7;
	v55 =	vsub.f32 v7, v36  }
0x3eb: {  	v56 =	vadd.f32 v43, v58;
	v43 =	vsub.f32 v58, v43  }
0x3ec: {  	v36 =	vsub.f32 v4, v48;
	v11 =	vadd.f32 v38, v1  }
0x3ed: {  	v54 =	vsub.f32 v1, v38;
	v38 =	vadd.f32 v46, v60  }
0x3ee: {  	v7 =	vadd.f32 v37, v52;
	v59 =	vadd.f32 v0, v44  }
0x3ef: {  	v1 =	vsub.f32 v52, v37;
	v29 =	vadd.f32 v41, v53  }
0x3f0: {  	v37 =	vsub.f32 v60, v46;
	[tilespmem:s28+$0xFFFFE000] =	vst v7;
	v28 =	vadd.f32 v39, v59  }
0x3f1: {  	s29 =	sadd.s32 $0x8, s29;
	[tilespmem:s28+$0x0] =	vst v1;
	v1 =	vsub.f32 v53, v41;
	v7 =	vsub.f32 v59, v39  }
0x3f2: {  	p0 =	slt.u32 s29, $0xF8;
	v41 =	vsub.f32 v2, v45;
	v0 =	vsub.f32 v44, v0;
	[tilespmem:s31+$0xFFFFE000] =	vst v28  }
.Ltmp3:
0x3f3: {  	v44 =	vadd.f32 v15, v62;
	v15 =	vadd.f32 v30, v63;
	[tilespmem:s31+$0x0] =	vst v7;
	(pc) =	sbr.rel @p0 .LBB2_8-.Ltmp3, $4  }
0x3f4: {  	v30 =	vadd.f32 v42, v0;
	v0 =	vsub.f32 v0, v42;
	[tilespmem:s28+$0xFFFFF000] =	vst v29  }
0x3f5: {  	v42 =	vadd.f32 v45, v2;
	v39 =	vsub.f32 v3, v47;
	[tilespmem:s28+$0x1000] =	vst v1  }
0x3f6: {  	v58 =	vmov v5;
	v28 =	vadd.f32 v26, v51;
	v29 =	vadd.f32 v47, v3;
	[tilespmem:s31+$0xFFFFF000] =	vst v30  }
0x3f7: {  	s24 =	smov.u32 s28;
	s25 =	smov.u32 s31;
	s30 =	sadd.s32 $0x80, s30;
	v5 =	vmovc v16;
	v3 =	vmovc v6;
	v6 =	vmov v9;
	v30 =	vadd.f32 v48, v4;
	[tilespmem:s31+$0x1000] =	vst v0;
	v4 =	vmov v8  }
0x3f8: {  	[tilespmem:s28+$0xFFFFE010] =	vst v56  }
0x3f9: {  	[tilespmem:s24+$0x20] =	vst v36  }
0x3fa: {  	[tilespmem:s24+$0x10] =	vst v43  }
0x3fb: {  	[tilespmem:s24+$0xFFFFE020] =	vst v30  }
0x3fc: {  	[tilespmem:s25+$0xFFFFE010] =	vst v42  }
0x3fd: {  	v0 =	vsub.f32 v51, v26;
	[tilespmem:s25+$0x10] =	vst v41  }
0x3fe: {  	v16 =	vadd.f32 v23, v44;
	[tilespmem:s25+$0xFFFFE020] =	vst v28  }
0x3ff: {  	v23 =	vsub.f32 v44, v23;
	[tilespmem:s25+$0x20] =	vst v0  }
0x400: {  	[tilespmem:s24+$0xFFFFE030] =	vst v16  }
0x401: {  	[tilespmem:s24+$0x30] =	vst v23  }
0x402: {  	v1 =	vadd.f32 v25, v50;
	[tilespmem:s24+$0xFFFFF010] =	vst v38  }
0x403: {  	v2 =	vsub.f32 v50, v25;
	v8 =	vadd.f32 v24, v49;
	[tilespmem:s24+$0x1010] =	vst v37  }
0x404: {  	v9 =	vsub.f32 v49, v24;
	v24 =	vadd.f32 v22, v40;
	[tilespmem:s24+$0xFFFFF020] =	vst v1  }
0x405: {  	v25 =	vsub.f32 v40, v22;
	[tilespmem:s24+$0x1020] =	vst v2  }
0x406: {  	[tilespmem:s25+$0xFFFFE030] =	vst v24  }
0x407: {  	[tilespmem:s25+$0x30] =	vst v25  }
0x408: {  	[tilespmem:s25+$0xFFFFF010] =	vst v29  }
0x409: {  	[tilespmem:s25+$0x1010] =	vst v39  }
0x40a: {  	v26 =	vadd.f32 v18, v35;
	[tilespmem:s25+$0xFFFFF020] =	vst v8  }
0x40b: {  	v28 =	vsub.f32 v35, v18;
	[tilespmem:s25+$0x1020] =	vst v9  }
0x40c: {  	v35 =	vsub.f32 v33, v20;
	[tilespmem:s24+$0xFFFFF030] =	vst v26  }
0x40d: {  	v30 =	vsub.f32 v34, v19;
	[tilespmem:s24+$0x1030] =	vst v28  }
0x40e: {  	v29 =	vadd.f32 v19, v34;
	[tilespmem:s24+$0x40] =	vst v35  }
0x40f: {  	v34 =	vadd.f32 v20, v33;
	[tilespmem:s25+$0x1030] =	vst v30  }
0x410: {  	v36 =	vadd.f32 v17, v32;
	[tilespmem:s25+$0xFFFFF030] =	vst v29  }
0x411: {  	v37 =	vsub.f32 v32, v17;
	[tilespmem:s24+$0xFFFFE040] =	vst v34  }
0x412: {  	v38 =	vadd.f32 v10, v31;
	[tilespmem:s25+$0xFFFFE040] =	vst v36  }
0x413: {  	v39 =	vsub.f32 v31, v10;
	[tilespmem:s25+$0x40] =	vst v37  }
0x414: {  	v7 =	vld [tilespmem:$0x1FE60];
	[tilespmem:s24+$0xFFFFF040] =	vst v38  }
0x415: {  	[tilespmem:s24+$0x1040] =	vst v39  }
0x416: {  	v42 =	vld [tilespmem:$0x1FE70];
	_ =	sdelay $0x2  }
0x417: {  	v40 =	vadd.f32 v7, v27  }
0x418: {  	v41 =	vsub.f32 v27, v7  }
0x419: {  	v43 =	vadd.f32 v42, v21;
	[tilespmem:s25+$0xFFFFF040] =	vst v40  }
0x41a: {  	v44 =	vsub.f32 v21, v42;
	[tilespmem:s25+$0x1040] =	vst v41  }
0x41b: {  	v45 =	vadd.f32 v6, v15;
	[tilespmem:s24+$0xFFFFE050] =	vst v43  }
0x41c: {  	v46 =	vsub.f32 v15, v6;
	[tilespmem:s24+$0x50] =	vst v44  }
0x41d: {  	v47 =	vadd.f32 v5, v14;
	[tilespmem:s25+$0xFFFFE050] =	vst v45  }
0x41e: {  	v48 =	vsub.f32 v14, v5;
	[tilespmem:s25+$0x50] =	vst v46  }
0x41f: {  	v49 =	vadd.f32 v4, v13;
	[tilespmem:s24+$0xFFFFF050] =	vst v47  }
0x420: {  	v50 =	vsub.f32 v13, v4;
	[tilespmem:s24+$0x1050] =	vst v48  }
0x421: {  	v51 =	vadd.f32 v3, v12;
	[tilespmem:s25+$0xFFFFF050] =	vst v49  }
0x422: {  	v52 =	vsub.f32 v12, v3;
	[tilespmem:s25+$0x1050] =	vst v50  }
0x423: {  	v53 =	vld [tilespmem:$0x1FE80];
	[tilespmem:s24+$0xFFFFE060] =	vst v51  }
0x424: {  	[tilespmem:s24+$0x60] =	vst v52  }
0x425: {  	v59 =	vld [tilespmem:$0x1FE90];
	_ =	sdelay $0x2  }
0x426: {  	v56 =	vadd.f32 v53, v11  }
0x427: {  	v57 =	vsub.f32 v11, v53  }
0x428: {  	v60 =	vadd.f32 v59, v55;
	[tilespmem:s25+$0xFFFFE060] =	vst v56  }
0x429: {  	v61 =	vsub.f32 v55, v59;
	[tilespmem:s25+$0x60] =	vst v57  }
0x42a: {  	v62 =	vadd.f32 v58, v54;
	[tilespmem:s24+$0xFFFFF060] =	vst v60  }
0x42b: {  	v63 =	vsub.f32 v54, v58;
	[tilespmem:s24+$0x1060] =	vst v61  }
0x42c: {  	[tilespmem:s25+$0xFFFFF060] =	vst v62  }
0x42d: {  	[tilespmem:s25+$0x1060] =	vst v63  }
0x42e: {  	[hbm4b:s8+s18] =	stream.strided.scatter [tilespmem:s20], [sflag:$0x2], $0x2010, s19, s18, $0x38;
	[tilespmem:$0x1A600] =	vst v63  }
0x42f: {  	s23 =	sadd.s32 $0x1, s23;
	_ =	swait.ge [sflag:s21], $0x2010  }
0x430: {  	p0 =	sne.s32 s23, s11;
	[sflag:s21] =	ssyncset.done $0x0  }
.Ltmp4:
0x431: {  	[sflag:s21] =	ssyncadd.s32 $0xFFFFDFF0;
	(pc) =	sbr.rel @p0 .LBB2_1-.Ltmp4, $4  }
0x432: {  	[hbm4b:s10+s18] =	stream.strided.scatter [tilespmem:s22], [sflag:$0x2], $0x2010, s19, s18, $0x38;
	[tilespmem:$0x1A600] =	vst v63  }
0x433: {  	_ =	swait.ge [sflag:s21], $0x2010  }
0x434: {  	[sflag:s21] =	ssyncset.done $0x0  }
0x435: {  	[sflag:s21] =	ssyncadd.s32 $0xFFFFDFF0  }
0x436: {  	_ =	sfence.sel $0x180000  }
0x437: {  	[bflag:$0x0] =	sbarrier.arrive $0xFFFF  }
0x438: {  	_ =	strace $0x90000047  }
0x439: {  	s0 =	stileid.u32;
	[bflag:$0x2] =	sbarrier.arrive $0xFFFF  }
0x43a: {  	p0 =	sne.s32 s0, $0x0;
	s0 =	rddreg [dreg:$0x2]  }
0x43b: {  	s0 =	sadd.s32 @!p0 $0x100000, s0  }
0x43c: {  	[sflag:s0] =	ssyncadd.tile.s32 @!p0 $0x1;
	_ =	shalt  }
.Lfunc_end2:
_tile_overlayer_lowered:
.L_overlay_start_2:
0x43d: {  	(tag) =	ssettag $0x2  }
0x43e: {  	s0 =	rddreg [dreg:$0x0];
	s2 =	stileid.u32  }
0x43f: {  	s1 =	rddreg [dreg:$0x1];
	p0 =	sne.s32 s2, $0x0  }
0x440: {  	s3 =	rddreg [dreg:$0x2];
	[bflag:$0x3] =	sbarrier.arrive $0xFFFF;
	s2 =	simm.s32 @!p0 $0x1C02  }
0x441: {  	[timem:s3], [sflag:s2] =	dma.local @!p0 [hbm:s0], s1  }
0x442: {  	s0 =	simm.s32 @!p0 $0x2  }
0x443: {  	_ =	swait.ge @!p0 [sflag:s0], s1  }
0x444: {  	s1 =	ssub.s32 @!p0 $0x0, s1;
	[sflag:s0] =	ssyncset.done @!p0 $0x0  }
0x445: {  	[sflag:s0] =	ssyncadd.s32 @!p0 s1  }
0x446: {  	[bflag:$0x3] =	sbarrier.arrive $0xFFFF  }
0x447: {  	_ =	shalt  }

</sc_bundles>
